<compile_context>
chip_gen: v7x
topology: tpu7x:2x2x1
jax: 0.10.2.dev20260603
libtpu: 0.0.44.dev20260713+nightly
codegen_flags: <defaults>
</compile_context>

<pallas_src>
import functools

import jax
import jax.numpy as jnp
from jax import lax
from jax.experimental import pallas as pl
from jax.experimental.pallas import tpu as pltpu
from jax.experimental.pallas import tpu_sc as plsc

N = 10000
NP = 10240
D = 128
HD = 64
E = 320000
DE = 16
NC = 2
NS = 16
NT = NC * NS
EPT = E // NT
CHUNK = 128
NCHUNK = 80
EPT_PAD = CHUNK * NCHUNK
HW = 80
ROWS_PER_TILE = NP // NS



def _lin_body(x_ref, w_ref, asrc_ref, adst_ref,
              hlo_ref, hhi_ref, as_ref, ad_ref):
    h = jnp.dot(x_ref[...], w_ref[...], preferred_element_type=jnp.float32)
    hlo_ref[...] = h[:, :HD]
    hhi_ref[...] = h[:, HD:]
    as_ref[...] = jnp.sum(h * asrc_ref[...], axis=1).reshape(1, 1, -1)
    ad_ref[...] = jnp.sum(h * adst_ref[...], axis=1).reshape(1, 1, -1)


_BLK = 2048
_NBLK = NP // _BLK

_LIN_OUT_SPECS = [
    pl.BlockSpec((_BLK, HD), lambda i: (i, 0)),
    pl.BlockSpec((_BLK, HD), lambda i: (i, 0)),
    pl.BlockSpec((1, 1, _BLK), lambda i: (i, 0, 0)),
    pl.BlockSpec((1, 1, _BLK), lambda i: (i, 0, 0)),
]
_LIN_OUT_SHAPE = [
    jax.ShapeDtypeStruct((NP, HD), jnp.float32),
    jax.ShapeDtypeStruct((NP, HD), jnp.float32),
    jax.ShapeDtypeStruct((_NBLK, 1, _BLK), jnp.float32),
    jax.ShapeDtypeStruct((_NBLK, 1, _BLK), jnp.float32),
]


def _linear_attn(x, w, a_src, a_dst):
    hlo, hhi, a_s, a_d = pl.pallas_call(
        _lin_body,
        grid=(_NBLK,),
        in_specs=[
            pl.BlockSpec((_BLK, D), lambda i: (i, 0)),
            pl.BlockSpec((D, D), lambda i: (0, 0)),
            pl.BlockSpec((1, D), lambda i: (0, 0)),
            pl.BlockSpec((1, D), lambda i: (0, 0)),
        ],
        out_specs=_LIN_OUT_SPECS,
        out_shape=_LIN_OUT_SHAPE,
    )(x, w, a_src.reshape(1, D), a_dst.reshape(1, D))
    return hlo, hhi, a_s.reshape(NP), a_d.reshape(NP)


def _ae_body(er_ref, s_ref, we1_ref, ae1_ref, we2_ref, ae2_ref, out_ref):
    w1 = jnp.dot(we1_ref[...], ae1_ref[...],
                 preferred_element_type=jnp.float32)
    w2 = jnp.dot(we2_ref[...], ae2_ref[...],
                 preferred_element_type=jnp.float32)
    wr1 = jnp.concatenate([w1] * 8, axis=0)
    wr2 = jnp.concatenate([w2] * 8, axis=0)
    s = s_ref[...]
    sw = jnp.concatenate([s * wr1, s * wr2], axis=1)
    out_ref[...] = jnp.dot(er_ref[...], sw,
                           preferred_element_type=jnp.float32)


def _edge_logits(edge_features, we1, a_e1, we2, a_e2):
    er = edge_features.reshape(E // 8, 8 * DE)
    i2 = lax.broadcasted_iota(jnp.int32, (8 * DE, 8), 0)
    j2 = lax.broadcasted_iota(jnp.int32, (8 * DE, 8), 1)
    sel = (i2 // DE == j2).astype(jnp.float32)
    blk = 8000
    nblk = (E // 8) // blk
    out = pl.pallas_call(
        _ae_body,
        grid=(nblk,),
        in_specs=[
            pl.BlockSpec((blk, 8 * DE), lambda i: (i, 0)),
            pl.BlockSpec((8 * DE, 8), lambda i: (0, 0)),
            pl.BlockSpec((DE, D), lambda i: (0, 0)),
            pl.BlockSpec((D, 1), lambda i: (0, 0)),
            pl.BlockSpec((DE, D), lambda i: (0, 0)),
            pl.BlockSpec((D, 1), lambda i: (0, 0)),
        ],
        out_specs=pl.BlockSpec((blk, 16), lambda i: (i, 0)),
        out_shape=jax.ShapeDtypeStruct((E // 8, 16), jnp.float32),
    )(er, sel, we1, a_e1.reshape(D, 1), we2, a_e2.reshape(D, 1))
    ae1 = out[:, :8].reshape(E)
    ae2 = out[:, 8:].reshape(E)
    return ae1, ae2


def _gat_out(a00, a01, a10, a11, b_ref):
    num = jnp.concatenate(
        [a00[:, :HD] + a10[:, :HD], a01[:, :HD] + a11[:, :HD]], axis=1)
    den = a00[:, HD:HD + 1] + a10[:, HD:HD + 1]
    return num / (den + 1e-16) + b_ref


def _combine_lin_body(a00_ref, a01_ref, a10_ref, a11_ref, b_ref, w_ref,
                      asrc_ref, adst_ref, hlo_ref, hhi_ref, as_ref, ad_ref):
    z = _gat_out(a00_ref[...], a01_ref[...], a10_ref[...], a11_ref[...],
                 b_ref[...])
    z = jnp.maximum(z, 0.0)
    h = jnp.dot(z, w_ref[...], preferred_element_type=jnp.float32)
    hlo_ref[...] = h[:, :HD]
    hhi_ref[...] = h[:, HD:]
    as_ref[...] = jnp.sum(h * asrc_ref[...], axis=1).reshape(1, 1, -1)
    ad_ref[...] = jnp.sum(h * adst_ref[...], axis=1).reshape(1, 1, -1)


_ACC_SPECS = [pl.BlockSpec((_BLK, HW), lambda i: (i, 0)) for _ in range(4)]


def _combine_linear_attn(acc, b, w, a_src, a_dst):
    hlo, hhi, a_s, a_d = pl.pallas_call(
        _combine_lin_body,
        grid=(_NBLK,),
        in_specs=_ACC_SPECS + [
            pl.BlockSpec((1, D), lambda i: (0, 0)),
            pl.BlockSpec((D, D), lambda i: (0, 0)),
            pl.BlockSpec((1, D), lambda i: (0, 0)),
            pl.BlockSpec((1, D), lambda i: (0, 0)),
        ],
        out_specs=_LIN_OUT_SPECS,
        out_shape=_LIN_OUT_SHAPE,
    )(acc[0, 0], acc[0, 1], acc[1, 0], acc[1, 1], b.reshape(1, D), w,
      a_src.reshape(1, D), a_dst.reshape(1, D))
    return hlo, hhi, a_s.reshape(NP), a_d.reshape(NP)


def _final_body(a00_ref, a01_ref, a10_ref, a11_ref, b_ref, out_ref):
    out_ref[...] = _gat_out(a00_ref[...], a01_ref[...], a10_ref[...],
                            a11_ref[...], b_ref[...])


def _final_combine(acc, b):
    return pl.pallas_call(
        _final_body,
        grid=(_NBLK,),
        in_specs=_ACC_SPECS + [pl.BlockSpec((1, D), lambda i: (0, 0))],
        out_specs=pl.BlockSpec((_BLK, D), lambda i: (i, 0)),
        out_shape=jax.ShapeDtypeStruct((NP, D), jnp.float32),
    )(acc[0, 0], acc[0, 1], acc[1, 0], acc[1, 1], b.reshape(1, D))



def _sc_edge_body(hlo_hbm, hhi_hbm, asv_hbm, adv_hbm, src_hbm, dst_hbm,
                  ae_hbm, out_hbm, src_t, dst_t, ae_t, as_t, ad_t, rows_t,
                  scaled_t, acc_sh, gsem0, gsem1, ssem0, ssem1):
    c = lax.axis_index("c")
    s = lax.axis_index("s")
    t = c * NS + s

    pltpu.sync_copy(src_hbm.at[t], src_t)
    pltpu.sync_copy(dst_hbm.at[t], dst_t)
    pltpu.sync_copy(ae_hbm.at[t], ae_t)
    pltpu.sync_copy(asv_hbm, as_t)
    pltpu.sync_copy(adv_hbm, ad_t)

    zv = jnp.zeros((16,), jnp.float32)
    col_den = jnp.full((16,), HD, jnp.int32)
    lane = lax.iota(jnp.int32, 16)
    base = s * ROWS_PER_TILE

    gsems = (gsem0, gsem1)
    ssems = (ssem0, ssem1)

    for half, h_hbm in ((0, hlo_hbm), (1, hhi_hbm)):
        def zrow(i, carry):
            for b in range(2):
                for j in range(HW // 16):
                    scaled_t[b, i, pl.ds(16 * j, 16)] = zv
            return carry

        lax.fori_loop(0, 8, zrow, 0)
        plsc.subcore_barrier()

        pltpu.async_copy(h_hbm.at[src_t.at[0, pl.ds(0, 64)]],
                         rows_t.at[0, pl.ds(0, 64)], gsems[0])
        pltpu.async_copy(h_hbm.at[src_t.at[0, pl.ds(64, 64)]],
                         rows_t.at[0, pl.ds(64, 64)], ssems[0])

        def dbl_body(ci2, carry):
            for b in range(2):
                c = ci2 * 2 + b

                @pl.when(c + 1 < NCHUNK)
                def _():
                    pltpu.async_copy(h_hbm.at[src_t.at[c + 1, pl.ds(0, 64)]],
                                     rows_t.at[1 - b, pl.ds(0, 64)],
                                     gsems[1 - b])
                    pltpu.async_copy(h_hbm.at[src_t.at[c + 1, pl.ds(64, 64)]],
                                     rows_t.at[1 - b, pl.ds(64, 64)],
                                     ssems[1 - b])

                pltpu.make_async_copy(h_hbm.at[src_t.at[c, pl.ds(0, 64)]],
                                      rows_t.at[b, pl.ds(0, 64)],
                                      gsems[b]).wait()
                pltpu.make_async_copy(h_hbm.at[src_t.at[c, pl.ds(64, 64)]],
                                      rows_t.at[b, pl.ds(64, 64)],
                                      ssems[b]).wait()

            return carry

        lax.fori_loop(0, NCHUNK // 2, dbl_body, 0)
        plsc.subcore_barrier()

        for k in range(ROWS_PER_TILE // CHUNK):
            sl = pl.ds(base + k * CHUNK, CHUNK)
            pltpu.sync_copy(acc_sh.at[sl], out_hbm.at[c].at[half].at[sl])


@functools.partial(
    pl.kernel,
    out_type=jax.ShapeDtypeStruct((NC, 2, NP, HW), jnp.float32),
    mesh=plsc.VectorSubcoreMesh(core_axis_name="c", subcore_axis_name="s"),
    compiler_params=pltpu.CompilerParams(
        needs_layout_passes=False, use_tc_tiling_on_sc=False),
    scratch_types=[
        pltpu.VMEM((NCHUNK, CHUNK), jnp.int32),
        pltpu.VMEM((NCHUNK, CHUNK), jnp.int32),
        pltpu.VMEM((NCHUNK, CHUNK), jnp.float32),
        pltpu.VMEM((NP,), jnp.float32),
        pltpu.VMEM((NP,), jnp.float32),
        pltpu.VMEM((2, CHUNK, HD), jnp.float32),
        pltpu.VMEM((2, 8, HW), jnp.float32),
        pltpu.VMEM_SHARED((NP, HW), jnp.float32),
        pltpu.SemaphoreType.DMA,
        pltpu.SemaphoreType.DMA,
        pltpu.SemaphoreType.DMA,
        pltpu.SemaphoreType.DMA,
    ],
)
def _sc_edge(*args):
    _sc_edge_body(*args)



def _partition_edges(v, fill, dtype):
    v2 = v.astype(dtype).reshape(NT, EPT)
    v2 = jnp.pad(v2, ((0, 0), (0, EPT_PAD - EPT)), constant_values=fill)
    return v2.reshape(NT, NCHUNK, CHUNK)


def kernel(x, edge_index, edge_features, W1, a_src1, a_dst1, We1, a_e1, b1,
           W2, a_src2, a_dst2, We2, a_e2, b2):
    xp = jnp.pad(x, ((0, NP - N), (0, 0)))
    src_p = _partition_edges(edge_index[0], 0, jnp.int32)
    dst_p = _partition_edges(edge_index[1], 0, jnp.int32)

    ae1, ae2 = _edge_logits(edge_features, We1, a_e1, We2, a_e2)
    ae1_p = _partition_edges(ae1, -1e30, jnp.float32)
    ae2_p = _partition_edges(ae2, -1e30, jnp.float32)

    hlo1, hhi1, as1, ad1 = _linear_attn(xp, W1, a_src1, a_dst1)
    acc1 = _sc_edge(hlo1, hhi1, as1, ad1, src_p, dst_p, ae1_p)
    hlo2, hhi2, as2, ad2 = _combine_linear_attn(acc1, b1, W2, a_src2, a_dst2)
    acc2 = _sc_edge(hlo2, hhi2, as2, ad2, src_p, dst_p, ae2_p)
    return _final_combine(acc2, b2)[:N]

# --- scband reference (transcript-rebuilt; emitter-appended) ---
"""Pipeline reference for scband-gcn-v1-38620345926216 (READ-ONLY COPY).

The authoritative reference and input builder live on the scoring server;
editing this copy changes nothing except your own understanding.
"""

import jax, jax.numpy as jnp
import numpy as np

N = 10000
E = 320000
D_IN = 128
D_HID = 128
D_OUT = 128
D_E = 16


def _glorot(key, shape, fan):
    return jax.random.normal(key, shape, dtype=jnp.float32) * (1.0 / np.sqrt(fan))


def setup_inputs(seed: int = 0) -> dict:
    key = jax.random.key(seed)
    ks = jax.random.split(key, 16)
    x = jax.random.normal(ks[0], (N, D_IN), dtype=jnp.float32)
    edge_index = jax.random.randint(ks[1], (2, E), 0, N)
    edge_features = jax.random.normal(ks[2], (E, D_E), dtype=jnp.float32)
    return {
        'x': x,
        'edge_index': edge_index,
        'edge_features': edge_features,
        'W1': _glorot(ks[3], (D_IN, D_HID), D_IN),
        'a_src1': _glorot(ks[4], (D_HID,), D_HID),
        'a_dst1': _glorot(ks[5], (D_HID,), D_HID),
        'We1': _glorot(ks[6], (D_E, D_HID), D_E),
        'a_e1': _glorot(ks[7], (D_HID,), D_HID),
        'b1': jnp.zeros((D_HID,), dtype=jnp.float32),
        'W2': _glorot(ks[8], (D_HID, D_OUT), D_HID),
        'a_src2': _glorot(ks[9], (D_OUT,), D_OUT),
        'a_dst2': _glorot(ks[10], (D_OUT,), D_OUT),
        'We2': _glorot(ks[11], (D_E, D_OUT), D_E),
        'a_e2': _glorot(ks[12], (D_OUT,), D_OUT),
        'b2': jnp.zeros((D_OUT,), dtype=jnp.float32),
    }


def _gat_layer(x, eattr, src, dst, W, a_src, a_dst, We, a_e, b):
    # PyG GATConv (heads=1, concat=True) with edge features in attention
    h = x @ W                              # [N, D]
    he = eattr @ We                        # [E, D]
    alpha_src = h @ a_src                  # [N]
    alpha_dst = h @ a_dst                  # [N]
    alpha_e = he @ a_e                     # [E]
    e = alpha_src[src] + alpha_dst[dst] + alpha_e
    e = jax.nn.leaky_relu(e, negative_slope=0.2)
    # softmax over incoming edges per destination node
    m = jax.ops.segment_max(e, dst, num_segments=N)
    e = jnp.exp(e - m[dst])
    s = jax.ops.segment_sum(e, dst, num_segments=N)
    alpha = e / (s[dst] + 1e-16)
    out = jax.ops.segment_sum(alpha[:, None] * h[src], dst, num_segments=N)
    return out + b


def reference(x, edge_index, edge_features, W1, a_src1, a_dst1, We1, a_e1, b1, W2, a_src2, a_dst2, We2, a_e2, b2):
    src = edge_index[0]
    dst = edge_index[1]
    h = _gat_layer(x, edge_features, src, dst, W1, a_src1, a_dst1, We1, a_e1, b1)
    h = jax.nn.relu(h)
    out = _gat_layer(h, edge_features, src, dst, W2, a_src2, a_dst2, We2, a_e2, b2)
    return out

if __name__ == "__main__":
    import jax
    _d = setup_inputs()
    print(jax.jit(kernel)(*tuple(_d.values())))

</pallas_src>

<mosaic_0001>
#map = affine_map<(d0, d1) -> (0, 0)>
#map1 = affine_map<(d0, d1) -> (0)>
#map2 = affine_map<(d0, d1) -> (0, 0, 0)>
#map3 = affine_map<(d0, d1) -> (0, 0, 0, 0)>
module attributes {stable_mosaic.version = 14 : i64} {
  func.func @_sc_edge(%arg0: i32, %arg1: i32, %arg2: memref<10240x64xf32, #tpu.memory_space<hbm>>, %arg3: memref<10240x64xf32, #tpu.memory_space<hbm>>, %arg4: memref<10240xf32, #tpu.memory_space<hbm>>, %arg5: memref<10240xf32, #tpu.memory_space<hbm>>, %arg6: memref<32x80x128xi32, #tpu.memory_space<hbm>>, %arg7: memref<32x80x128xi32, #tpu.memory_space<hbm>>, %arg8: memref<32x80x128xf32, #tpu.memory_space<hbm>>, %arg9: memref<2x2x10240x80xf32, #tpu.memory_space<hbm>>, %arg10: memref<80x128xi32, #tpu.memory_space<vmem>>, %arg11: memref<80x128xi32, #tpu.memory_space<vmem>>, %arg12: memref<80x128xf32, #tpu.memory_space<vmem>>, %arg13: memref<10240xf32, #tpu.memory_space<vmem>>, %arg14: memref<10240xf32, #tpu.memory_space<vmem>>, %arg15: memref<2x128x64xf32, #tpu.memory_space<vmem>>, %arg16: memref<2x8x80xf32, #tpu.memory_space<vmem>>, %arg17: memref<10240x80xf32, #tpu.memory_space<vmem_shared>>, %arg18: memref<!tpu.dma_semaphore, #tpu.memory_space<semaphore_mem>>, %arg19: memref<!tpu.dma_semaphore, #tpu.memory_space<semaphore_mem>>, %arg20: memref<!tpu.dma_semaphore, #tpu.memory_space<semaphore_mem>>, %arg21: memref<!tpu.dma_semaphore, #tpu.memory_space<semaphore_mem>>) attributes {dimension_semantics = [#tpu.dimension_semantics<core_parallel>, #tpu.dimension_semantics<subcore_parallel>], iteration_bounds = array<i64: 2, 16>, scalar_prefetch = 0 : i64, scratch_operands = 12 : i64, tpu.core_type = #tpu.core_type<sc_vector_subcore>, window_params = [{transform_indices = #map}, {transform_indices = #map}, {transform_indices = #map1}, {transform_indices = #map1}, {transform_indices = #map2}, {transform_indices = #map2}, {transform_indices = #map2}, {transform_indices = #map3}]} {
    %mul3A = arith.constant 16 : i32
    %mul3A_0 = arith.muli %arg0, %mul3A : i32
    %add3A = arith.addi %mul3A_0, %arg1 : i32
    "tpu.region"() ({
      %run_scoped3A_108 = tpu.sem_alloc : memref<!tpu.dma_semaphore, #tpu.memory_space<semaphore_mem>>
      %dma_start3A_109 = arith.constant 0 : i32
      %dma_start3A_110 = arith.constant 0 : i32
      %dma_start3A_111 = tpu.memref_slice %arg6[%add3A, %dma_start3A_109, %dma_start3A_110] : memref<32x80x128xi32, #tpu.memory_space<hbm>> -> memref<1x80x128xi32, #tpu.memory_space<hbm>>
      %dma_start3A_112 = tpu.memref_squeeze %dma_start3A_111 : memref<1x80x128xi32, #tpu.memory_space<hbm>> -> memref<80x128xi32, #tpu.memory_space<hbm>>
      %dma_start3A_113 = arith.constant 0 : i32
      %dma_start3A_114 = arith.constant 0 : i32
      %dma_start3A_115 = tpu.memref_slice %arg6[%add3A, %dma_start3A_113, %dma_start3A_114] : memref<32x80x128xi32, #tpu.memory_space<hbm>> -> memref<1x80x128xi32, #tpu.memory_space<hbm>>
      %dma_start3A_116 = tpu.memref_squeeze %dma_start3A_115 : memref<1x80x128xi32, #tpu.memory_space<hbm>> -> memref<80x128xi32, #tpu.memory_space<hbm>>
      tpu.enqueue_dma source(%dma_start3A_116 : memref<80x128xi32, #tpu.memory_space<hbm>>) target(%arg10 : memref<80x128xi32, #tpu.memory_space<vmem>>) target_semaphore(%run_scoped3A_108 : memref<!tpu.dma_semaphore, #tpu.memory_space<semaphore_mem>>)
      %dma_wait3A = arith.constant 0 : i32
      %dma_wait3A_117 = arith.constant 0 : i32
      %dma_wait3A_118 = tpu.memref_slice %arg6[%add3A, %dma_wait3A, %dma_wait3A_117] : memref<32x80x128xi32, #tpu.memory_space<hbm>> -> memref<1x80x128xi32, #tpu.memory_space<hbm>>
      %dma_wait3A_119 = tpu.memref_squeeze %dma_wait3A_118 : memref<1x80x128xi32, #tpu.memory_space<hbm>> -> memref<80x128xi32, #tpu.memory_space<hbm>>
      %dma_wait3A_120 = arith.constant 0 : i32
      %dma_wait3A_121 = arith.constant 0 : i32
      %dma_wait3A_122 = tpu.memref_slice %arg6[%add3A, %dma_wait3A_120, %dma_wait3A_121] : memref<32x80x128xi32, #tpu.memory_space<hbm>> -> memref<1x80x128xi32, #tpu.memory_space<hbm>>
      %dma_wait3A_123 = tpu.memref_squeeze %dma_wait3A_122 : memref<1x80x128xi32, #tpu.memory_space<hbm>> -> memref<80x128xi32, #tpu.memory_space<hbm>>
      tpu.wait_dma2 semaphore(%run_scoped3A_108 : memref<!tpu.dma_semaphore, #tpu.memory_space<semaphore_mem>>) src(%dma_wait3A_123 : memref<80x128xi32, #tpu.memory_space<hbm>>) dst(%arg10 : memref<80x128xi32, #tpu.memory_space<vmem>>)
      tpu.yield
    }) : () -> ()
    "tpu.region"() ({
      %run_scoped3A_108 = tpu.sem_alloc : memref<!tpu.dma_semaphore, #tpu.memory_space<semaphore_mem>>
      %dma_start3A_109 = arith.constant 0 : i32
      %dma_start3A_110 = arith.constant 0 : i32
      %dma_start3A_111 = tpu.memref_slice %arg7[%add3A, %dma_start3A_109, %dma_start3A_110] : memref<32x80x128xi32, #tpu.memory_space<hbm>> -> memref<1x80x128xi32, #tpu.memory_space<hbm>>
      %dma_start3A_112 = tpu.memref_squeeze %dma_start3A_111 : memref<1x80x128xi32, #tpu.memory_space<hbm>> -> memref<80x128xi32, #tpu.memory_space<hbm>>
      %dma_start3A_113 = arith.constant 0 : i32
      %dma_start3A_114 = arith.constant 0 : i32
      %dma_start3A_115 = tpu.memref_slice %arg7[%add3A, %dma_start3A_113, %dma_start3A_114] : memref<32x80x128xi32, #tpu.memory_space<hbm>> -> memref<1x80x128xi32, #tpu.memory_space<hbm>>
      %dma_start3A_116 = tpu.memref_squeeze %dma_start3A_115 : memref<1x80x128xi32, #tpu.memory_space<hbm>> -> memref<80x128xi32, #tpu.memory_space<hbm>>
      tpu.enqueue_dma source(%dma_start3A_116 : memref<80x128xi32, #tpu.memory_space<hbm>>) target(%arg11 : memref<80x128xi32, #tpu.memory_space<vmem>>) target_semaphore(%run_scoped3A_108 : memref<!tpu.dma_semaphore, #tpu.memory_space<semaphore_mem>>)
      %dma_wait3A = arith.constant 0 : i32
      %dma_wait3A_117 = arith.constant 0 : i32
      %dma_wait3A_118 = tpu.memref_slice %arg7[%add3A, %dma_wait3A, %dma_wait3A_117] : memref<32x80x128xi32, #tpu.memory_space<hbm>> -> memref<1x80x128xi32, #tpu.memory_space<hbm>>
      %dma_wait3A_119 = tpu.memref_squeeze %dma_wait3A_118 : memref<1x80x128xi32, #tpu.memory_space<hbm>> -> memref<80x128xi32, #tpu.memory_space<hbm>>
      %dma_wait3A_120 = arith.constant 0 : i32
      %dma_wait3A_121 = arith.constant 0 : i32
      %dma_wait3A_122 = tpu.memref_slice %arg7[%add3A, %dma_wait3A_120, %dma_wait3A_121] : memref<32x80x128xi32, #tpu.memory_space<hbm>> -> memref<1x80x128xi32, #tpu.memory_space<hbm>>
      %dma_wait3A_123 = tpu.memref_squeeze %dma_wait3A_122 : memref<1x80x128xi32, #tpu.memory_space<hbm>> -> memref<80x128xi32, #tpu.memory_space<hbm>>
      tpu.wait_dma2 semaphore(%run_scoped3A_108 : memref<!tpu.dma_semaphore, #tpu.memory_space<semaphore_mem>>) src(%dma_wait3A_123 : memref<80x128xi32, #tpu.memory_space<hbm>>) dst(%arg11 : memref<80x128xi32, #tpu.memory_space<vmem>>)
      tpu.yield
    }) : () -> ()
    "tpu.region"() ({
      %run_scoped3A_108 = tpu.sem_alloc : memref<!tpu.dma_semaphore, #tpu.memory_space<semaphore_mem>>
      %dma_start3A_109 = arith.constant 0 : i32
      %dma_start3A_110 = arith.constant 0 : i32
      %dma_start3A_111 = tpu.memref_slice %arg8[%add3A, %dma_start3A_109, %dma_start3A_110] : memref<32x80x128xf32, #tpu.memory_space<hbm>> -> memref<1x80x128xf32, #tpu.memory_space<hbm>>
      %dma_start3A_112 = tpu.memref_squeeze %dma_start3A_111 : memref<1x80x128xf32, #tpu.memory_space<hbm>> -> memref<80x128xf32, #tpu.memory_space<hbm>>
      %dma_start3A_113 = arith.constant 0 : i32
      %dma_start3A_114 = arith.constant 0 : i32
      %dma_start3A_115 = tpu.memref_slice %arg8[%add3A, %dma_start3A_113, %dma_start3A_114] : memref<32x80x128xf32, #tpu.memory_space<hbm>> -> memref<1x80x128xf32, #tpu.memory_space<hbm>>
      %dma_start3A_116 = tpu.memref_squeeze %dma_start3A_115 : memref<1x80x128xf32, #tpu.memory_space<hbm>> -> memref<80x128xf32, #tpu.memory_space<hbm>>
      tpu.enqueue_dma source(%dma_start3A_116 : memref<80x128xf32, #tpu.memory_space<hbm>>) target(%arg12 : memref<80x128xf32, #tpu.memory_space<vmem>>) target_semaphore(%run_scoped3A_108 : memref<!tpu.dma_semaphore, #tpu.memory_space<semaphore_mem>>)
      %dma_wait3A = arith.constant 0 : i32
      %dma_wait3A_117 = arith.constant 0 : i32
      %dma_wait3A_118 = tpu.memref_slice %arg8[%add3A, %dma_wait3A, %dma_wait3A_117] : memref<32x80x128xf32, #tpu.memory_space<hbm>> -> memref<1x80x128xf32, #tpu.memory_space<hbm>>
      %dma_wait3A_119 = tpu.memref_squeeze %dma_wait3A_118 : memref<1x80x128xf32, #tpu.memory_space<hbm>> -> memref<80x128xf32, #tpu.memory_space<hbm>>
      %dma_wait3A_120 = arith.constant 0 : i32
      %dma_wait3A_121 = arith.constant 0 : i32
      %dma_wait3A_122 = tpu.memref_slice %arg8[%add3A, %dma_wait3A_120, %dma_wait3A_121] : memref<32x80x128xf32, #tpu.memory_space<hbm>> -> memref<1x80x128xf32, #tpu.memory_space<hbm>>
      %dma_wait3A_123 = tpu.memref_squeeze %dma_wait3A_122 : memref<1x80x128xf32, #tpu.memory_space<hbm>> -> memref<80x128xf32, #tpu.memory_space<hbm>>
      tpu.wait_dma2 semaphore(%run_scoped3A_108 : memref<!tpu.dma_semaphore, #tpu.memory_space<semaphore_mem>>) src(%dma_wait3A_123 : memref<80x128xf32, #tpu.memory_space<hbm>>) dst(%arg12 : memref<80x128xf32, #tpu.memory_space<vmem>>)
      tpu.yield
    }) : () -> ()
    "tpu.region"() ({
      %run_scoped3A_108 = tpu.sem_alloc : memref<!tpu.dma_semaphore, #tpu.memory_space<semaphore_mem>>
      tpu.enqueue_dma source(%arg4 : memref<10240xf32, #tpu.memory_space<hbm>>) target(%arg13 : memref<10240xf32, #tpu.memory_space<vmem>>) target_semaphore(%run_scoped3A_108 : memref<!tpu.dma_semaphore, #tpu.memory_space<semaphore_mem>>)
      tpu.wait_dma2 semaphore(%run_scoped3A_108 : memref<!tpu.dma_semaphore, #tpu.memory_space<semaphore_mem>>) src(%arg4 : memref<10240xf32, #tpu.memory_space<hbm>>) dst(%arg13 : memref<10240xf32, #tpu.memory_space<vmem>>)
      tpu.yield
    }) : () -> ()
    "tpu.region"() ({
      %run_scoped3A_108 = tpu.sem_alloc : memref<!tpu.dma_semaphore, #tpu.memory_space<semaphore_mem>>
      tpu.enqueue_dma source(%arg5 : memref<10240xf32, #tpu.memory_space<hbm>>) target(%arg14 : memref<10240xf32, #tpu.memory_space<vmem>>) target_semaphore(%run_scoped3A_108 : memref<!tpu.dma_semaphore, #tpu.memory_space<semaphore_mem>>)
      tpu.wait_dma2 semaphore(%run_scoped3A_108 : memref<!tpu.dma_semaphore, #tpu.memory_space<semaphore_mem>>) src(%arg5 : memref<10240xf32, #tpu.memory_space<hbm>>) dst(%arg14 : memref<10240xf32, #tpu.memory_space<vmem>>)
      tpu.yield
    }) : () -> ()
    %broadcast_in_dim3A = arith.constant 0.000000e+00 : f32
    %broadcast_in_dim3A_1 = vector.broadcast %broadcast_in_dim3A : f32 to vector<16xf32>
    %broadcast_in_dim3A_2 = arith.constant 64 : i32
    %broadcast_in_dim3A_3 = vector.broadcast %broadcast_in_dim3A_2 : i32 to vector<16xi32>
    %iota3A = tpu.iota {dimensions = array<i32: 0>} : vector<16xi32>
    %mul3A_4 = arith.constant 640 : i32
    %mul3A_5 = arith.muli %arg1, %mul3A_4 : i32
    %scan3A = arith.constant 0 : i32
    %scan3A_6 = arith.constant 0 : i32
    %scan3A_7 = arith.constant 8 : i32
    %scan3A_8 = arith.addi %scan3A_6, %scan3A_7 : i32
    %scan3A_9 = arith.constant 1 : i32
    scf.for %scan3A_108 = %scan3A_6 to %scan3A_8 step %scan3A_9  : i32 {
      %swap3A = arith.constant 0 : i32
      %swap3A_109 = arith.index_cast %swap3A : i32 to index
      %swap3A_110 = arith.index_cast %scan3A_108 : i32 to index
      %swap3A_111 = arith.constant 0 : index
      %swap3A_112 = tpu.vector_load %arg16[%swap3A_109, %swap3A_110, %swap3A_111] {strides = array<i32>} : memref<2x8x80xf32, #tpu.memory_space<vmem>>, vector<16xf32>,
      tpu.vector_store %arg16[%swap3A_109, %swap3A_110, %swap3A_111], %broadcast_in_dim3A_1 {strides = array<i32>} : memref<2x8x80xf32, #tpu.memory_space<vmem>>, vector<16xf32>,
      %swap3A_113 = arith.constant 0 : i32
      %swap3A_114 = arith.index_cast %swap3A_113 : i32 to index
      %swap3A_115 = arith.index_cast %scan3A_108 : i32 to index
      %swap3A_116 = arith.constant 16 : index
      %swap3A_117 = tpu.vector_load %arg16[%swap3A_114, %swap3A_115, %swap3A_116] {strides = array<i32>} : memref<2x8x80xf32, #tpu.memory_space<vmem>>, vector<16xf32>,
      tpu.vector_store %arg16[%swap3A_114, %swap3A_115, %swap3A_116], %broadcast_in_dim3A_1 {strides = array<i32>} : memref<2x8x80xf32, #tpu.memory_space<vmem>>, vector<16xf32>,
      %swap3A_118 = arith.constant 0 : i32
      %swap3A_119 = arith.index_cast %swap3A_118 : i32 to index
      %swap3A_120 = arith.index_cast %scan3A_108 : i32 to index
      %swap3A_121 = arith.constant 32 : index
      %swap3A_122 = tpu.vector_load %arg16[%swap3A_119, %swap3A_120, %swap3A_121] {strides = array<i32>} : memref<2x8x80xf32, #tpu.memory_space<vmem>>, vector<16xf32>,
      tpu.vector_store %arg16[%swap3A_119, %swap3A_120, %swap3A_121], %broadcast_in_dim3A_1 {strides = array<i32>} : memref<2x8x80xf32, #tpu.memory_space<vmem>>, vector<16xf32>,
      %swap3A_123 = arith.constant 0 : i32
      %swap3A_124 = arith.index_cast %swap3A_123 : i32 to index
      %swap3A_125 = arith.index_cast %scan3A_108 : i32 to index
      %swap3A_126 = arith.constant 48 : index
      %swap3A_127 = tpu.vector_load %arg16[%swap3A_124, %swap3A_125, %swap3A_126] {strides = array<i32>} : memref<2x8x80xf32, #tpu.memory_space<vmem>>, vector<16xf32>,
      tpu.vector_store %arg16[%swap3A_124, %swap3A_125, %swap3A_126], %broadcast_in_dim3A_1 {strides = array<i32>} : memref<2x8x80xf32, #tpu.memory_space<vmem>>, vector<16xf32>,
      %swap3A_128 = arith.constant 0 : i32
      %swap3A_129 = arith.index_cast %swap3A_128 : i32 to index
      %swap3A_130 = arith.index_cast %scan3A_108 : i32 to index
      %swap3A_131 = arith.constant 64 : index
      %swap3A_132 = tpu.vector_load %arg16[%swap3A_129, %swap3A_130, %swap3A_131] {strides = array<i32>} : memref<2x8x80xf32, #tpu.memory_space<vmem>>, vector<16xf32>,
      tpu.vector_store %arg16[%swap3A_129, %swap3A_130, %swap3A_131], %broadcast_in_dim3A_1 {strides = array<i32>} : memref<2x8x80xf32, #tpu.memory_space<vmem>>, vector<16xf32>,
      %swap3A_133 = arith.constant 1 : i32
      %swap3A_134 = arith.index_cast %swap3A_133 : i32 to index
      %swap3A_135 = arith.index_cast %scan3A_108 : i32 to index
      %swap3A_136 = arith.constant 0 : index
      %swap3A_137 = tpu.vector_load %arg16[%swap3A_134, %swap3A_135, %swap3A_136] {strides = array<i32>} : memref<2x8x80xf32, #tpu.memory_space<vmem>>, vector<16xf32>,
      tpu.vector_store %arg16[%swap3A_134, %swap3A_135, %swap3A_136], %broadcast_in_dim3A_1 {strides = array<i32>} : memref<2x8x80xf32, #tpu.memory_space<vmem>>, vector<16xf32>,
      %swap3A_138 = arith.constant 1 : i32
      %swap3A_139 = arith.index_cast %swap3A_138 : i32 to index
      %swap3A_140 = arith.index_cast %scan3A_108 : i32 to index
      %swap3A_141 = arith.constant 16 : index
      %swap3A_142 = tpu.vector_load %arg16[%swap3A_139, %swap3A_140, %swap3A_141] {strides = array<i32>} : memref<2x8x80xf32, #tpu.memory_space<vmem>>, vector<16xf32>,
      tpu.vector_store %arg16[%swap3A_139, %swap3A_140, %swap3A_141], %broadcast_in_dim3A_1 {strides = array<i32>} : memref<2x8x80xf32, #tpu.memory_space<vmem>>, vector<16xf32>,
      %swap3A_143 = arith.constant 1 : i32
      %swap3A_144 = arith.index_cast %swap3A_143 : i32 to index
      %swap3A_145 = arith.index_cast %scan3A_108 : i32 to index
      %swap3A_146 = arith.constant 32 : index
      %swap3A_147 = tpu.vector_load %arg16[%swap3A_144, %swap3A_145, %swap3A_146] {strides = array<i32>} : memref<2x8x80xf32, #tpu.memory_space<vmem>>, vector<16xf32>,
      tpu.vector_store %arg16[%swap3A_144, %swap3A_145, %swap3A_146], %broadcast_in_dim3A_1 {strides = array<i32>} : memref<2x8x80xf32, #tpu.memory_space<vmem>>, vector<16xf32>,
      %swap3A_148 = arith.constant 1 : i32
      %swap3A_149 = arith.index_cast %swap3A_148 : i32 to index
      %swap3A_150 = arith.index_cast %scan3A_108 : i32 to index
      %swap3A_151 = arith.constant 48 : index
      %swap3A_152 = tpu.vector_load %arg16[%swap3A_149, %swap3A_150, %swap3A_151] {strides = array<i32>} : memref<2x8x80xf32, #tpu.memory_space<vmem>>, vector<16xf32>,
      tpu.vector_store %arg16[%swap3A_149, %swap3A_150, %swap3A_151], %broadcast_in_dim3A_1 {strides = array<i32>} : memref<2x8x80xf32, #tpu.memory_space<vmem>>, vector<16xf32>,
      %swap3A_153 = arith.constant 1 : i32
      %swap3A_154 = arith.index_cast %swap3A_153 : i32 to index
      %swap3A_155 = arith.index_cast %scan3A_108 : i32 to index
      %swap3A_156 = arith.constant 64 : index
      %swap3A_157 = tpu.vector_load %arg16[%swap3A_154, %swap3A_155, %swap3A_156] {strides = array<i32>} : memref<2x8x80xf32, #tpu.memory_space<vmem>>, vector<16xf32>,
      tpu.vector_store %arg16[%swap3A_154, %swap3A_155, %swap3A_156], %broadcast_in_dim3A_1 {strides = array<i32>} : memref<2x8x80xf32, #tpu.memory_space<vmem>>, vector<16xf32>,
    }
    %scan3A_10 = arith.constant 8 : i32
    %barrier3A = arith.constant 0 : index
    tpu.barrier barrier_id(%barrier3A)
    %dma_start3A = arith.constant 0 : i32
    %dma_start3A_11 = arith.constant 0 : i32
    %dma_start3A_12 = arith.constant 0 : i32
    %dma_start3A_13 = arith.constant 0 : i32
    %dma_start3A_14 = tpu.memref_slice %arg15[%dma_start3A_11, %dma_start3A_12, %dma_start3A_13] : memref<2x128x64xf32, #tpu.memory_space<vmem>> -> memref<1x64x64xf32, #tpu.memory_space<vmem>>
    %dma_start3A_15 = tpu.memref_squeeze %dma_start3A_14 : memref<1x64x64xf32, #tpu.memory_space<vmem>> -> memref<64x64xf32, #tpu.memory_space<vmem>>
    %dma_start3A_16 = arith.constant 0 : i32
    %dma_start3A_17 = tpu.memref_slice %arg10[%dma_start3A, %dma_start3A_16] : memref<80x128xi32, #tpu.memory_space<vmem>> -> memref<1x64xi32, #tpu.memory_space<vmem>>
    %dma_start3A_18 = tpu.memref_squeeze %dma_start3A_17 : memref<1x64xi32, #tpu.memory_space<vmem>> -> memref<64xi32, #tpu.memory_space<vmem>>
    %dma_start3A_19 = arith.constant 0 : i32
    %dma_start3A_20 = arith.constant 0 : i32
    %dma_start3A_21 = tpu.memref_slice %arg2[%dma_start3A_19, %dma_start3A_20] : memref<10240x64xf32, #tpu.memory_space<hbm>> -> memref<10240x64xf32, #tpu.memory_space<hbm>>
    tpu.enqueue_indirect_dma source(%dma_start3A_21 : memref<10240x64xf32, #tpu.memory_space<hbm>>) target(%dma_start3A_15 : memref<64x64xf32, #tpu.memory_space<vmem>>) offsets(%dma_start3A_18 : memref<64xi32, #tpu.memory_space<vmem>>) semaphore(%arg18 : memref<!tpu.dma_semaphore, #tpu.memory_space<semaphore_mem>>)
    %dma_start3A_22 = arith.constant 0 : i32
    %dma_start3A_23 = arith.constant 0 : i32
    %dma_start3A_24 = arith.constant 64 : i32
    %dma_start3A_25 = arith.constant 0 : i32
    %dma_start3A_26 = tpu.memref_slice %arg15[%dma_start3A_23, %dma_start3A_24, %dma_start3A_25] : memref<2x128x64xf32, #tpu.memory_space<vmem>> -> memref<1x64x64xf32, #tpu.memory_space<vmem>>
    %dma_start3A_27 = tpu.memref_squeeze %dma_start3A_26 : memref<1x64x64xf32, #tpu.memory_space<vmem>> -> memref<64x64xf32, #tpu.memory_space<vmem>>
    %dma_start3A_28 = arith.constant 64 : i32
    %dma_start3A_29 = tpu.memref_slice %arg10[%dma_start3A_22, %dma_start3A_28] : memref<80x128xi32, #tpu.memory_space<vmem>> -> memref<1x64xi32, #tpu.memory_space<vmem>>
    %dma_start3A_30 = tpu.memref_squeeze %dma_start3A_29 : memref<1x64xi32, #tpu.memory_space<vmem>> -> memref<64xi32, #tpu.memory_space<vmem>>
    %dma_start3A_31 = arith.constant 0 : i32
    %dma_start3A_32 = arith.constant 0 : i32
    %dma_start3A_33 = tpu.memref_slice %arg2[%dma_start3A_31, %dma_start3A_32] : memref<10240x64xf32, #tpu.memory_space<hbm>> -> memref<10240x64xf32, #tpu.memory_space<hbm>>
    tpu.enqueue_indirect_dma source(%dma_start3A_33 : memref<10240x64xf32, #tpu.memory_space<hbm>>) target(%dma_start3A_27 : memref<64x64xf32, #tpu.memory_space<vmem>>) offsets(%dma_start3A_30 : memref<64xi32, #tpu.memory_space<vmem>>) semaphore(%arg20 : memref<!tpu.dma_semaphore, #tpu.memory_space<semaphore_mem>>)
    %scan3A_34 = arith.constant 0 : i32
    %scan3A_35 = arith.constant 0 : i32
    %scan3A_36 = arith.constant 40 : i32
    %scan3A_37 = arith.addi %scan3A_35, %scan3A_36 : i32
    %scan3A_38 = arith.constant 1 : i32
    scf.for %scan3A_108 = %scan3A_35 to %scan3A_37 step %scan3A_38  : i32 {
      %mul3A_109 = arith.constant 2 : i32
      %mul3A_110 = arith.muli %scan3A_108, %mul3A_109 : i32
      %add3A_111 = arith.constant 0 : i32
      %add3A_112 = arith.addi %mul3A_110, %add3A_111 : i32
      %add3A_113 = arith.constant 1 : i32
      %add3A_114 = arith.addi %add3A_112, %add3A_113 : i32
      %lt3A = arith.constant 80 : i32
      %lt3A_115 = arith.cmpi slt, %add3A_114, %lt3A : i32
      %convert_element_type3A = arith.extui %lt3A_115 : i1 to i32
      %cond3A = arith.constant 0 : i32
      %cond3A_116 = arith.cmpi ne, %convert_element_type3A, %cond3A : i32
      scf.if %cond3A_116 {
        %add3A_171 = arith.constant 1 : i32
        %add3A_172 = arith.addi %add3A_112, %add3A_171 : i32
        %dma_start3A_173 = arith.constant 1 : i32
        %dma_start3A_174 = arith.constant 0 : i32
        %dma_start3A_175 = arith.constant 0 : i32
        %dma_start3A_176 = tpu.memref_slice %arg15[%dma_start3A_173, %dma_start3A_174, %dma_start3A_175] : memref<2x128x64xf32, #tpu.memory_space<vmem>> -> memref<1x64x64xf32, #tpu.memory_space<vmem>>
        %dma_start3A_177 = tpu.memref_squeeze %dma_start3A_176 : memref<1x64x64xf32, #tpu.memory_space<vmem>> -> memref<64x64xf32, #tpu.memory_space<vmem>>
        %dma_start3A_178 = arith.constant 0 : i32
        %dma_start3A_179 = tpu.memref_slice %arg10[%add3A_172, %dma_start3A_178] : memref<80x128xi32, #tpu.memory_space<vmem>> -> memref<1x64xi32, #tpu.memory_space<vmem>>
        %dma_start3A_180 = tpu.memref_squeeze %dma_start3A_179 : memref<1x64xi32, #tpu.memory_space<vmem>> -> memref<64xi32, #tpu.memory_space<vmem>>
        %dma_start3A_181 = arith.constant 0 : i32
        %dma_start3A_182 = arith.constant 0 : i32
        %dma_start3A_183 = tpu.memref_slice %arg2[%dma_start3A_181, %dma_start3A_182] : memref<10240x64xf32, #tpu.memory_space<hbm>> -> memref<10240x64xf32, #tpu.memory_space<hbm>>
        tpu.enqueue_indirect_dma source(%dma_start3A_183 : memref<10240x64xf32, #tpu.memory_space<hbm>>) target(%dma_start3A_177 : memref<64x64xf32, #tpu.memory_space<vmem>>) offsets(%dma_start3A_180 : memref<64xi32, #tpu.memory_space<vmem>>) semaphore(%arg19 : memref<!tpu.dma_semaphore, #tpu.memory_space<semaphore_mem>>)
        %add3A_184 = arith.constant 1 : i32
        %add3A_185 = arith.addi %add3A_112, %add3A_184 : i32
        %dma_start3A_186 = arith.constant 1 : i32
        %dma_start3A_187 = arith.constant 64 : i32
        %dma_start3A_188 = arith.constant 0 : i32
        %dma_start3A_189 = tpu.memref_slice %arg15[%dma_start3A_186, %dma_start3A_187, %dma_start3A_188] : memref<2x128x64xf32, #tpu.memory_space<vmem>> -> memref<1x64x64xf32, #tpu.memory_space<vmem>>
        %dma_start3A_190 = tpu.memref_squeeze %dma_start3A_189 : memref<1x64x64xf32, #tpu.memory_space<vmem>> -> memref<64x64xf32, #tpu.memory_space<vmem>>
        %dma_start3A_191 = arith.constant 64 : i32
        %dma_start3A_192 = tpu.memref_slice %arg10[%add3A_185, %dma_start3A_191] : memref<80x128xi32, #tpu.memory_space<vmem>> -> memref<1x64xi32, #tpu.memory_space<vmem>>
        %dma_start3A_193 = tpu.memref_squeeze %dma_start3A_192 : memref<1x64xi32, #tpu.memory_space<vmem>> -> memref<64xi32, #tpu.memory_space<vmem>>
        %dma_start3A_194 = arith.constant 0 : i32
        %dma_start3A_195 = arith.constant 0 : i32
        %dma_start3A_196 = tpu.memref_slice %arg2[%dma_start3A_194, %dma_start3A_195] : memref<10240x64xf32, #tpu.memory_space<hbm>> -> memref<10240x64xf32, #tpu.memory_space<hbm>>
        tpu.enqueue_indirect_dma source(%dma_start3A_196 : memref<10240x64xf32, #tpu.memory_space<hbm>>) target(%dma_start3A_190 : memref<64x64xf32, #tpu.memory_space<vmem>>) offsets(%dma_start3A_193 : memref<64xi32, #tpu.memory_space<vmem>>) semaphore(%arg21 : memref<!tpu.dma_semaphore, #tpu.memory_space<semaphore_mem>>)
      } else {
      }
      %dma_wait3A = arith.constant 0 : i32
      %dma_wait3A_117 = arith.constant 0 : i32
      %dma_wait3A_118 = arith.constant 0 : i32
      %dma_wait3A_119 = tpu.memref_slice %arg15[%dma_wait3A, %dma_wait3A_117, %dma_wait3A_118] : memref<2x128x64xf32, #tpu.memory_space<vmem>> -> memref<1x64x64xf32, #tpu.memory_space<vmem>>
      %dma_wait3A_120 = tpu.memref_squeeze %dma_wait3A_119 : memref<1x64x64xf32, #tpu.memory_space<vmem>> -> memref<64x64xf32, #tpu.memory_space<vmem>>
      %dma_wait3A_121 = arith.constant 0 : i32
      %dma_wait3A_122 = tpu.memref_slice %arg10[%add3A_112, %dma_wait3A_121] : memref<80x128xi32, #tpu.memory_space<vmem>> -> memref<1x64xi32, #tpu.memory_space<vmem>>
      %dma_wait3A_123 = tpu.memref_squeeze %dma_wait3A_122 : memref<1x64xi32, #tpu.memory_space<vmem>> -> memref<64xi32, #tpu.memory_space<vmem>>
      %dma_wait3A_124 = arith.constant 0 : i32
      %dma_wait3A_125 = arith.constant 0 : i32
      %dma_wait3A_126 = tpu.memref_slice %arg2[%dma_wait3A_124, %dma_wait3A_125] : memref<10240x64xf32, #tpu.memory_space<hbm>> -> memref<10240x64xf32, #tpu.memory_space<hbm>>
      tpu.wait_indirect_dma semaphore(%arg18 : memref<!tpu.dma_semaphore, #tpu.memory_space<semaphore_mem>>) src(%dma_wait3A_126 : memref<10240x64xf32, #tpu.memory_space<hbm>>) dst(%dma_wait3A_120 : memref<64x64xf32, #tpu.memory_space<vmem>>)
      %dma_wait3A_127 = arith.constant 0 : i32
      %dma_wait3A_128 = arith.constant 64 : i32
      %dma_wait3A_129 = arith.constant 0 : i32
      %dma_wait3A_130 = tpu.memref_slice %arg15[%dma_wait3A_127, %dma_wait3A_128, %dma_wait3A_129] : memref<2x128x64xf32, #tpu.memory_space<vmem>> -> memref<1x64x64xf32, #tpu.memory_space<vmem>>
      %dma_wait3A_131 = tpu.memref_squeeze %dma_wait3A_130 : memref<1x64x64xf32, #tpu.memory_space<vmem>> -> memref<64x64xf32, #tpu.memory_space<vmem>>
      %dma_wait3A_132 = arith.constant 64 : i32
      %dma_wait3A_133 = tpu.memref_slice %arg10[%add3A_112, %dma_wait3A_132] : memref<80x128xi32, #tpu.memory_space<vmem>> -> memref<1x64xi32, #tpu.memory_space<vmem>>
      %dma_wait3A_134 = tpu.memref_squeeze %dma_wait3A_133 : memref<1x64xi32, #tpu.memory_space<vmem>> -> memref<64xi32, #tpu.memory_space<vmem>>
      %dma_wait3A_135 = arith.constant 0 : i32
      %dma_wait3A_136 = arith.constant 0 : i32
      %dma_wait3A_137 = tpu.memref_slice %arg2[%dma_wait3A_135, %dma_wait3A_136] : memref<10240x64xf32, #tpu.memory_space<hbm>> -> memref<10240x64xf32, #tpu.memory_space<hbm>>
      tpu.wait_indirect_dma semaphore(%arg20 : memref<!tpu.dma_semaphore, #tpu.memory_space<semaphore_mem>>) src(%dma_wait3A_137 : memref<10240x64xf32, #tpu.memory_space<hbm>>) dst(%dma_wait3A_131 : memref<64x64xf32, #tpu.memory_space<vmem>>)
      %mul3A_138 = arith.constant 2 : i32
      %mul3A_139 = arith.muli %scan3A_108, %mul3A_138 : i32
      %add3A_140 = arith.constant 1 : i32
      %add3A_141 = arith.addi %mul3A_139, %add3A_140 : i32
      %add3A_142 = arith.constant 1 : i32
      %add3A_143 = arith.addi %add3A_141, %add3A_142 : i32
      %lt3A_144 = arith.constant 80 : i32
      %lt3A_145 = arith.cmpi slt, %add3A_143, %lt3A_144 : i32
      %convert_element_type3A_146 = arith.extui %lt3A_145 : i1 to i32
      %cond3A_147 = arith.constant 0 : i32
      %cond3A_148 = arith.cmpi ne, %convert_element_type3A_146, %cond3A_147 : i32
      scf.if %cond3A_148 {
        %add3A_171 = arith.constant 1 : i32
        %add3A_172 = arith.addi %add3A_141, %add3A_171 : i32
        %dma_start3A_173 = arith.constant 0 : i32
        %dma_start3A_174 = arith.constant 0 : i32
        %dma_start3A_175 = arith.constant 0 : i32
        %dma_start3A_176 = tpu.memref_slice %arg15[%dma_start3A_173, %dma_start3A_174, %dma_start3A_175] : memref<2x128x64xf32, #tpu.memory_space<vmem>> -> memref<1x64x64xf32, #tpu.memory_space<vmem>>
        %dma_start3A_177 = tpu.memref_squeeze %dma_start3A_176 : memref<1x64x64xf32, #tpu.memory_space<vmem>> -> memref<64x64xf32, #tpu.memory_space<vmem>>
        %dma_start3A_178 = arith.constant 0 : i32
        %dma_start3A_179 = tpu.memref_slice %arg10[%add3A_172, %dma_start3A_178] : memref<80x128xi32, #tpu.memory_space<vmem>> -> memref<1x64xi32, #tpu.memory_space<vmem>>
        %dma_start3A_180 = tpu.memref_squeeze %dma_start3A_179 : memref<1x64xi32, #tpu.memory_space<vmem>> -> memref<64xi32, #tpu.memory_space<vmem>>
        %dma_start3A_181 = arith.constant 0 : i32
        %dma_start3A_182 = arith.constant 0 : i32
        %dma_start3A_183 = tpu.memref_slice %arg2[%dma_start3A_181, %dma_start3A_182] : memref<10240x64xf32, #tpu.memory_space<hbm>> -> memref<10240x64xf32, #tpu.memory_space<hbm>>
        tpu.enqueue_indirect_dma source(%dma_start3A_183 : memref<10240x64xf32, #tpu.memory_space<hbm>>) target(%dma_start3A_177 : memref<64x64xf32, #tpu.memory_space<vmem>>) offsets(%dma_start3A_180 : memref<64xi32, #tpu.memory_space<vmem>>) semaphore(%arg18 : memref<!tpu.dma_semaphore, #tpu.memory_space<semaphore_mem>>)
        %add3A_184 = arith.constant 1 : i32
        %add3A_185 = arith.addi %add3A_141, %add3A_184 : i32
        %dma_start3A_186 = arith.constant 0 : i32
        %dma_start3A_187 = arith.constant 64 : i32
        %dma_start3A_188 = arith.constant 0 : i32
        %dma_start3A_189 = tpu.memref_slice %arg15[%dma_start3A_186, %dma_start3A_187, %dma_start3A_188] : memref<2x128x64xf32, #tpu.memory_space<vmem>> -> memref<1x64x64xf32, #tpu.memory_space<vmem>>
        %dma_start3A_190 = tpu.memref_squeeze %dma_start3A_189 : memref<1x64x64xf32, #tpu.memory_space<vmem>> -> memref<64x64xf32, #tpu.memory_space<vmem>>
        %dma_start3A_191 = arith.constant 64 : i32
        %dma_start3A_192 = tpu.memref_slice %arg10[%add3A_185, %dma_start3A_191] : memref<80x128xi32, #tpu.memory_space<vmem>> -> memref<1x64xi32, #tpu.memory_space<vmem>>
        %dma_start3A_193 = tpu.memref_squeeze %dma_start3A_192 : memref<1x64xi32, #tpu.memory_space<vmem>> -> memref<64xi32, #tpu.memory_space<vmem>>
        %dma_start3A_194 = arith.constant 0 : i32
        %dma_start3A_195 = arith.constant 0 : i32
        %dma_start3A_196 = tpu.memref_slice %arg2[%dma_start3A_194, %dma_start3A_195] : memref<10240x64xf32, #tpu.memory_space<hbm>> -> memref<10240x64xf32, #tpu.memory_space<hbm>>
        tpu.enqueue_indirect_dma source(%dma_start3A_196 : memref<10240x64xf32, #tpu.memory_space<hbm>>) target(%dma_start3A_190 : memref<64x64xf32, #tpu.memory_space<vmem>>) offsets(%dma_start3A_193 : memref<64xi32, #tpu.memory_space<vmem>>) semaphore(%arg20 : memref<!tpu.dma_semaphore, #tpu.memory_space<semaphore_mem>>)
      } else {
      }
      %dma_wait3A_149 = arith.constant 1 : i32
      %dma_wait3A_150 = arith.constant 0 : i32
      %dma_wait3A_151 = arith.constant 0 : i32
      %dma_wait3A_152 = tpu.memref_slice %arg15[%dma_wait3A_149, %dma_wait3A_150, %dma_wait3A_151] : memref<2x128x64xf32, #tpu.memory_space<vmem>> -> memref<1x64x64xf32, #tpu.memory_space<vmem>>
      %dma_wait3A_153 = tpu.memref_squeeze %dma_wait3A_152 : memref<1x64x64xf32, #tpu.memory_space<vmem>> -> memref<64x64xf32, #tpu.memory_space<vmem>>
      %dma_wait3A_154 = arith.constant 0 : i32
      %dma_wait3A_155 = tpu.memref_slice %arg10[%add3A_141, %dma_wait3A_154] : memref<80x128xi32, #tpu.memory_space<vmem>> -> memref<1x64xi32, #tpu.memory_space<vmem>>
      %dma_wait3A_156 = tpu.memref_squeeze %dma_wait3A_155 : memref<1x64xi32, #tpu.memory_space<vmem>> -> memref<64xi32, #tpu.memory_space<vmem>>
      %dma_wait3A_157 = arith.constant 0 : i32
      %dma_wait3A_158 = arith.constant 0 : i32
      %dma_wait3A_159 = tpu.memref_slice %arg2[%dma_wait3A_157, %dma_wait3A_158] : memref<10240x64xf32, #tpu.memory_space<hbm>> -> memref<10240x64xf32, #tpu.memory_space<hbm>>
      tpu.wait_indirect_dma semaphore(%arg19 : memref<!tpu.dma_semaphore, #tpu.memory_space<semaphore_mem>>) src(%dma_wait3A_159 : memref<10240x64xf32, #tpu.memory_space<hbm>>) dst(%dma_wait3A_153 : memref<64x64xf32, #tpu.memory_space<vmem>>)
      %dma_wait3A_160 = arith.constant 1 : i32
      %dma_wait3A_161 = arith.constant 64 : i32
      %dma_wait3A_162 = arith.constant 0 : i32
      %dma_wait3A_163 = tpu.memref_slice %arg15[%dma_wait3A_160, %dma_wait3A_161, %dma_wait3A_162] : memref<2x128x64xf32, #tpu.memory_space<vmem>> -> memref<1x64x64xf32, #tpu.memory_space<vmem>>
      %dma_wait3A_164 = tpu.memref_squeeze %dma_wait3A_163 : memref<1x64x64xf32, #tpu.memory_space<vmem>> -> memref<64x64xf32, #tpu.memory_space<vmem>>
      %dma_wait3A_165 = arith.constant 64 : i32
      %dma_wait3A_166 = tpu.memref_slice %arg10[%add3A_141, %dma_wait3A_165] : memref<80x128xi32, #tpu.memory_space<vmem>> -> memref<1x64xi32, #tpu.memory_space<vmem>>
      %dma_wait3A_167 = tpu.memref_squeeze %dma_wait3A_166 : memref<1x64xi32, #tpu.memory_space<vmem>> -> memref<64xi32, #tpu.memory_space<vmem>>
      %dma_wait3A_168 = arith.constant 0 : i32
      %dma_wait3A_169 = arith.constant 0 : i32
      %dma_wait3A_170 = tpu.memref_slice %arg2[%dma_wait3A_168, %dma_wait3A_169] : memref<10240x64xf32, #tpu.memory_space<hbm>> -> memref<10240x64xf32, #tpu.memory_space<hbm>>
      tpu.wait_indirect_dma semaphore(%arg21 : memref<!tpu.dma_semaphore, #tpu.memory_space<semaphore_mem>>) src(%dma_wait3A_170 : memref<10240x64xf32, #tpu.memory_space<hbm>>) dst(%dma_wait3A_164 : memref<64x64xf32, #tpu.memory_space<vmem>>)
    }
    %scan3A_39 = arith.constant 40 : i32
    %barrier3A_40 = arith.constant 0 : index
    tpu.barrier barrier_id(%barrier3A_40)
    %add3A_41 = arith.constant 0 : i32
    %add3A_42 = arith.addi %mul3A_5, %add3A_41 : i32
    %run_scoped3A = arith.constant 0 : i32
    "tpu.region"() ({
      %run_scoped3A_108 = tpu.sem_alloc : memref<!tpu.dma_semaphore, #tpu.memory_space<semaphore_mem>>
      %dma_start3A_109 = arith.constant 0 : i32
      %dma_start3A_110 = arith.constant 0 : i32
      %dma_start3A_111 = arith.constant 0 : i32
      %dma_start3A_112 = tpu.memref_slice %arg9[%arg0, %dma_start3A_109, %dma_start3A_110, %dma_start3A_111] : memref<2x2x10240x80xf32, #tpu.memory_space<hbm>> -> memref<1x2x10240x80xf32, #tpu.memory_space<hbm>>
      %dma_start3A_113 = tpu.memref_squeeze %dma_start3A_112 : memref<1x2x10240x80xf32, #tpu.memory_space<hbm>> -> memref<2x10240x80xf32, #tpu.memory_space<hbm>>
      %dma_start3A_114 = arith.constant 0 : i32
      %dma_start3A_115 = arith.constant 0 : i32
      %dma_start3A_116 = tpu.memref_slice %dma_start3A_113[%run_scoped3A, %dma_start3A_114, %dma_start3A_115] : memref<2x10240x80xf32, #tpu.memory_space<hbm>> -> memref<1x10240x80xf32, #tpu.memory_space<hbm>>
      %dma_start3A_117 = tpu.memref_squeeze %dma_start3A_116 : memref<1x10240x80xf32, #tpu.memory_space<hbm>> -> memref<10240x80xf32, #tpu.memory_space<hbm>>
      %dma_start3A_118 = arith.constant 0 : i32
      %dma_start3A_119 = tpu.memref_slice %dma_start3A_117[%add3A_42, %dma_start3A_118] : memref<10240x80xf32, #tpu.memory_space<hbm>> -> memref<128x80xf32, #tpu.memory_space<hbm>>
      %dma_start3A_120 = arith.constant 0 : i32
      %dma_start3A_121 = tpu.memref_slice %arg17[%add3A_42, %dma_start3A_120] : memref<10240x80xf32, #tpu.memory_space<vmem_shared>> -> memref<128x80xf32, #tpu.memory_space<vmem_shared>>
      tpu.enqueue_dma source(%dma_start3A_121 : memref<128x80xf32, #tpu.memory_space<vmem_shared>>) target(%dma_start3A_119 : memref<128x80xf32, #tpu.memory_space<hbm>>) target_semaphore(%run_scoped3A_108 : memref<!tpu.dma_semaphore, #tpu.memory_space<semaphore_mem>>)
      %dma_wait3A = arith.constant 0 : i32
      %dma_wait3A_122 = arith.constant 0 : i32
      %dma_wait3A_123 = arith.constant 0 : i32
      %dma_wait3A_124 = tpu.memref_slice %arg9[%arg0, %dma_wait3A, %dma_wait3A_122, %dma_wait3A_123] : memref<2x2x10240x80xf32, #tpu.memory_space<hbm>> -> memref<1x2x10240x80xf32, #tpu.memory_space<hbm>>
      %dma_wait3A_125 = tpu.memref_squeeze %dma_wait3A_124 : memref<1x2x10240x80xf32, #tpu.memory_space<hbm>> -> memref<2x10240x80xf32, #tpu.memory_space<hbm>>
      %dma_wait3A_126 = arith.constant 0 : i32
      %dma_wait3A_127 = arith.constant 0 : i32
      %dma_wait3A_128 = tpu.memref_slice %dma_wait3A_125[%run_scoped3A, %dma_wait3A_126, %dma_wait3A_127] : memref<2x10240x80xf32, #tpu.memory_space<hbm>> -> memref<1x10240x80xf32, #tpu.memory_space<hbm>>
      %dma_wait3A_129 = tpu.memref_squeeze %dma_wait3A_128 : memref<1x10240x80xf32, #tpu.memory_space<hbm>> -> memref<10240x80xf32, #tpu.memory_space<hbm>>
      %dma_wait3A_130 = arith.constant 0 : i32
      %dma_wait3A_131 = tpu.memref_slice %dma_wait3A_129[%add3A_42, %dma_wait3A_130] : memref<10240x80xf32, #tpu.memory_space<hbm>> -> memref<128x80xf32, #tpu.memory_space<hbm>>
      %dma_wait3A_132 = arith.constant 0 : i32
      %dma_wait3A_133 = tpu.memref_slice %arg17[%add3A_42, %dma_wait3A_132] : memref<10240x80xf32, #tpu.memory_space<vmem_shared>> -> memref<128x80xf32, #tpu.memory_space<vmem_shared>>
      tpu.wait_dma2 semaphore(%run_scoped3A_108 : memref<!tpu.dma_semaphore, #tpu.memory_space<semaphore_mem>>) src(%dma_wait3A_133 : memref<128x80xf32, #tpu.memory_space<vmem_shared>>) dst(%dma_wait3A_131 : memref<128x80xf32, #tpu.memory_space<hbm>>)
      tpu.yield
    }) : () -> ()
    %add3A_43 = arith.constant 128 : i32
    %add3A_44 = arith.addi %mul3A_5, %add3A_43 : i32
    %run_scoped3A_45 = arith.constant 0 : i32
    "tpu.region"() ({
      %run_scoped3A_108 = tpu.sem_alloc : memref<!tpu.dma_semaphore, #tpu.memory_space<semaphore_mem>>
      %dma_start3A_109 = arith.constant 0 : i32
      %dma_start3A_110 = arith.constant 0 : i32
      %dma_start3A_111 = arith.constant 0 : i32
      %dma_start3A_112 = tpu.memref_slice %arg9[%arg0, %dma_start3A_109, %dma_start3A_110, %dma_start3A_111] : memref<2x2x10240x80xf32, #tpu.memory_space<hbm>> -> memref<1x2x10240x80xf32, #tpu.memory_space<hbm>>
      %dma_start3A_113 = tpu.memref_squeeze %dma_start3A_112 : memref<1x2x10240x80xf32, #tpu.memory_space<hbm>> -> memref<2x10240x80xf32, #tpu.memory_space<hbm>>
      %dma_start3A_114 = arith.constant 0 : i32
      %dma_start3A_115 = arith.constant 0 : i32
      %dma_start3A_116 = tpu.memref_slice %dma_start3A_113[%run_scoped3A_45, %dma_start3A_114, %dma_start3A_115] : memref<2x10240x80xf32, #tpu.memory_space<hbm>> -> memref<1x10240x80xf32, #tpu.memory_space<hbm>>
      %dma_start3A_117 = tpu.memref_squeeze %dma_start3A_116 : memref<1x10240x80xf32, #tpu.memory_space<hbm>> -> memref<10240x80xf32, #tpu.memory_space<hbm>>
      %dma_start3A_118 = arith.constant 0 : i32
      %dma_start3A_119 = tpu.memref_slice %dma_start3A_117[%add3A_44, %dma_start3A_118] : memref<10240x80xf32, #tpu.memory_space<hbm>> -> memref<128x80xf32, #tpu.memory_space<hbm>>
      %dma_start3A_120 = arith.constant 0 : i32
      %dma_start3A_121 = tpu.memref_slice %arg17[%add3A_44, %dma_start3A_120] : memref<10240x80xf32, #tpu.memory_space<vmem_shared>> -> memref<128x80xf32, #tpu.memory_space<vmem_shared>>
      tpu.enqueue_dma source(%dma_start3A_121 : memref<128x80xf32, #tpu.memory_space<vmem_shared>>) target(%dma_start3A_119 : memref<128x80xf32, #tpu.memory_space<hbm>>) target_semaphore(%run_scoped3A_108 : memref<!tpu.dma_semaphore, #tpu.memory_space<semaphore_mem>>)
      %dma_wait3A = arith.constant 0 : i32
      %dma_wait3A_122 = arith.constant 0 : i32
      %dma_wait3A_123 = arith.constant 0 : i32
      %dma_wait3A_124 = tpu.memref_slice %arg9[%arg0, %dma_wait3A, %dma_wait3A_122, %dma_wait3A_123] : memref<2x2x10240x80xf32, #tpu.memory_space<hbm>> -> memref<1x2x10240x80xf32, #tpu.memory_space<hbm>>
      %dma_wait3A_125 = tpu.memref_squeeze %dma_wait3A_124 : memref<1x2x10240x80xf32, #tpu.memory_space<hbm>> -> memref<2x10240x80xf32, #tpu.memory_space<hbm>>
      %dma_wait3A_126 = arith.constant 0 : i32
      %dma_wait3A_127 = arith.constant 0 : i32
      %dma_wait3A_128 = tpu.memref_slice %dma_wait3A_125[%run_scoped3A_45, %dma_wait3A_126, %dma_wait3A_127] : memref<2x10240x80xf32, #tpu.memory_space<hbm>> -> memref<1x10240x80xf32, #tpu.memory_space<hbm>>
      %dma_wait3A_129 = tpu.memref_squeeze %dma_wait3A_128 : memref<1x10240x80xf32, #tpu.memory_space<hbm>> -> memref<10240x80xf32, #tpu.memory_space<hbm>>
      %dma_wait3A_130 = arith.constant 0 : i32
      %dma_wait3A_131 = tpu.memref_slice %dma_wait3A_129[%add3A_44, %dma_wait3A_130] : memref<10240x80xf32, #tpu.memory_space<hbm>> -> memref<128x80xf32, #tpu.memory_space<hbm>>
      %dma_wait3A_132 = arith.constant 0 : i32
      %dma_wait3A_133 = tpu.memref_slice %arg17[%add3A_44, %dma_wait3A_132] : memref<10240x80xf32, #tpu.memory_space<vmem_shared>> -> memref<128x80xf32, #tpu.memory_space<vmem_shared>>
      tpu.wait_dma2 semaphore(%run_scoped3A_108 : memref<!tpu.dma_semaphore, #tpu.memory_space<semaphore_mem>>) src(%dma_wait3A_133 : memref<128x80xf32, #tpu.memory_space<vmem_shared>>) dst(%dma_wait3A_131 : memref<128x80xf32, #tpu.memory_space<hbm>>)
      tpu.yield
    }) : () -> ()
    %add3A_46 = arith.constant 256 : i32
    %add3A_47 = arith.addi %mul3A_5, %add3A_46 : i32
    %run_scoped3A_48 = arith.constant 0 : i32
    "tpu.region"() ({
      %run_scoped3A_108 = tpu.sem_alloc : memref<!tpu.dma_semaphore, #tpu.memory_space<semaphore_mem>>
      %dma_start3A_109 = arith.constant 0 : i32
      %dma_start3A_110 = arith.constant 0 : i32
      %dma_start3A_111 = arith.constant 0 : i32
      %dma_start3A_112 = tpu.memref_slice %arg9[%arg0, %dma_start3A_109, %dma_start3A_110, %dma_start3A_111] : memref<2x2x10240x80xf32, #tpu.memory_space<hbm>> -> memref<1x2x10240x80xf32, #tpu.memory_space<hbm>>
      %dma_start3A_113 = tpu.memref_squeeze %dma_start3A_112 : memref<1x2x10240x80xf32, #tpu.memory_space<hbm>> -> memref<2x10240x80xf32, #tpu.memory_space<hbm>>
      %dma_start3A_114 = arith.constant 0 : i32
      %dma_start3A_115 = arith.constant 0 : i32
      %dma_start3A_116 = tpu.memref_slice %dma_start3A_113[%run_scoped3A_48, %dma_start3A_114, %dma_start3A_115] : memref<2x10240x80xf32, #tpu.memory_space<hbm>> -> memref<1x10240x80xf32, #tpu.memory_space<hbm>>
      %dma_start3A_117 = tpu.memref_squeeze %dma_start3A_116 : memref<1x10240x80xf32, #tpu.memory_space<hbm>> -> memref<10240x80xf32, #tpu.memory_space<hbm>>
      %dma_start3A_118 = arith.constant 0 : i32
      %dma_start3A_119 = tpu.memref_slice %dma_start3A_117[%add3A_47, %dma_start3A_118] : memref<10240x80xf32, #tpu.memory_space<hbm>> -> memref<128x80xf32, #tpu.memory_space<hbm>>
      %dma_start3A_120 = arith.constant 0 : i32
      %dma_start3A_121 = tpu.memref_slice %arg17[%add3A_47, %dma_start3A_120] : memref<10240x80xf32, #tpu.memory_space<vmem_shared>> -> memref<128x80xf32, #tpu.memory_space<vmem_shared>>
      tpu.enqueue_dma source(%dma_start3A_121 : memref<128x80xf32, #tpu.memory_space<vmem_shared>>) target(%dma_start3A_119 : memref<128x80xf32, #tpu.memory_space<hbm>>) target_semaphore(%run_scoped3A_108 : memref<!tpu.dma_semaphore, #tpu.memory_space<semaphore_mem>>)
      %dma_wait3A = arith.constant 0 : i32
      %dma_wait3A_122 = arith.constant 0 : i32
      %dma_wait3A_123 = arith.constant 0 : i32
      %dma_wait3A_124 = tpu.memref_slice %arg9[%arg0, %dma_wait3A, %dma_wait3A_122, %dma_wait3A_123] : memref<2x2x10240x80xf32, #tpu.memory_space<hbm>> -> memref<1x2x10240x80xf32, #tpu.memory_space<hbm>>
      %dma_wait3A_125 = tpu.memref_squeeze %dma_wait3A_124 : memref<1x2x10240x80xf32, #tpu.memory_space<hbm>> -> memref<2x10240x80xf32, #tpu.memory_space<hbm>>
      %dma_wait3A_126 = arith.constant 0 : i32
      %dma_wait3A_127 = arith.constant 0 : i32
      %dma_wait3A_128 = tpu.memref_slice %dma_wait3A_125[%run_scoped3A_48, %dma_wait3A_126, %dma_wait3A_127] : memref<2x10240x80xf32, #tpu.memory_space<hbm>> -> memref<1x10240x80xf32, #tpu.memory_space<hbm>>
      %dma_wait3A_129 = tpu.memref_squeeze %dma_wait3A_128 : memref<1x10240x80xf32, #tpu.memory_space<hbm>> -> memref<10240x80xf32, #tpu.memory_space<hbm>>
      %dma_wait3A_130 = arith.constant 0 : i32
      %dma_wait3A_131 = tpu.memref_slice %dma_wait3A_129[%add3A_47, %dma_wait3A_130] : memref<10240x80xf32, #tpu.memory_space<hbm>> -> memref<128x80xf32, #tpu.memory_space<hbm>>
      %dma_wait3A_132 = arith.constant 0 : i32
      %dma_wait3A_133 = tpu.memref_slice %arg17[%add3A_47, %dma_wait3A_132] : memref<10240x80xf32, #tpu.memory_space<vmem_shared>> -> memref<128x80xf32, #tpu.memory_space<vmem_shared>>
      tpu.wait_dma2 semaphore(%run_scoped3A_108 : memref<!tpu.dma_semaphore, #tpu.memory_space<semaphore_mem>>) src(%dma_wait3A_133 : memref<128x80xf32, #tpu.memory_space<vmem_shared>>) dst(%dma_wait3A_131 : memref<128x80xf32, #tpu.memory_space<hbm>>)
      tpu.yield
    }) : () -> ()
    %add3A_49 = arith.constant 384 : i32
    %add3A_50 = arith.addi %mul3A_5, %add3A_49 : i32
    %run_scoped3A_51 = arith.constant 0 : i32
    "tpu.region"() ({
      %run_scoped3A_108 = tpu.sem_alloc : memref<!tpu.dma_semaphore, #tpu.memory_space<semaphore_mem>>
      %dma_start3A_109 = arith.constant 0 : i32
      %dma_start3A_110 = arith.constant 0 : i32
      %dma_start3A_111 = arith.constant 0 : i32
      %dma_start3A_112 = tpu.memref_slice %arg9[%arg0, %dma_start3A_109, %dma_start3A_110, %dma_start3A_111] : memref<2x2x10240x80xf32, #tpu.memory_space<hbm>> -> memref<1x2x10240x80xf32, #tpu.memory_space<hbm>>
      %dma_start3A_113 = tpu.memref_squeeze %dma_start3A_112 : memref<1x2x10240x80xf32, #tpu.memory_space<hbm>> -> memref<2x10240x80xf32, #tpu.memory_space<hbm>>
      %dma_start3A_114 = arith.constant 0 : i32
      %dma_start3A_115 = arith.constant 0 : i32
      %dma_start3A_116 = tpu.memref_slice %dma_start3A_113[%run_scoped3A_51, %dma_start3A_114, %dma_start3A_115] : memref<2x10240x80xf32, #tpu.memory_space<hbm>> -> memref<1x10240x80xf32, #tpu.memory_space<hbm>>
      %dma_start3A_117 = tpu.memref_squeeze %dma_start3A_116 : memref<1x10240x80xf32, #tpu.memory_space<hbm>> -> memref<10240x80xf32, #tpu.memory_space<hbm>>
      %dma_start3A_118 = arith.constant 0 : i32
      %dma_start3A_119 = tpu.memref_slice %dma_start3A_117[%add3A_50, %dma_start3A_118] : memref<10240x80xf32, #tpu.memory_space<hbm>> -> memref<128x80xf32, #tpu.memory_space<hbm>>
      %dma_start3A_120 = arith.constant 0 : i32
      %dma_start3A_121 = tpu.memref_slice %arg17[%add3A_50, %dma_start3A_120] : memref<10240x80xf32, #tpu.memory_space<vmem_shared>> -> memref<128x80xf32, #tpu.memory_space<vmem_shared>>
      tpu.enqueue_dma source(%dma_start3A_121 : memref<128x80xf32, #tpu.memory_space<vmem_shared>>) target(%dma_start3A_119 : memref<128x80xf32, #tpu.memory_space<hbm>>) target_semaphore(%run_scoped3A_108 : memref<!tpu.dma_semaphore, #tpu.memory_space<semaphore_mem>>)
      %dma_wait3A = arith.constant 0 : i32
      %dma_wait3A_122 = arith.constant 0 : i32
      %dma_wait3A_123 = arith.constant 0 : i32
      %dma_wait3A_124 = tpu.memref_slice %arg9[%arg0, %dma_wait3A, %dma_wait3A_122, %dma_wait3A_123] : memref<2x2x10240x80xf32, #tpu.memory_space<hbm>> -> memref<1x2x10240x80xf32, #tpu.memory_space<hbm>>
      %dma_wait3A_125 = tpu.memref_squeeze %dma_wait3A_124 : memref<1x2x10240x80xf32, #tpu.memory_space<hbm>> -> memref<2x10240x80xf32, #tpu.memory_space<hbm>>
      %dma_wait3A_126 = arith.constant 0 : i32
      %dma_wait3A_127 = arith.constant 0 : i32
      %dma_wait3A_128 = tpu.memref_slice %dma_wait3A_125[%run_scoped3A_51, %dma_wait3A_126, %dma_wait3A_127] : memref<2x10240x80xf32, #tpu.memory_space<hbm>> -> memref<1x10240x80xf32, #tpu.memory_space<hbm>>
      %dma_wait3A_129 = tpu.memref_squeeze %dma_wait3A_128 : memref<1x10240x80xf32, #tpu.memory_space<hbm>> -> memref<10240x80xf32, #tpu.memory_space<hbm>>
      %dma_wait3A_130 = arith.constant 0 : i32
      %dma_wait3A_131 = tpu.memref_slice %dma_wait3A_129[%add3A_50, %dma_wait3A_130] : memref<10240x80xf32, #tpu.memory_space<hbm>> -> memref<128x80xf32, #tpu.memory_space<hbm>>
      %dma_wait3A_132 = arith.constant 0 : i32
      %dma_wait3A_133 = tpu.memref_slice %arg17[%add3A_50, %dma_wait3A_132] : memref<10240x80xf32, #tpu.memory_space<vmem_shared>> -> memref<128x80xf32, #tpu.memory_space<vmem_shared>>
      tpu.wait_dma2 semaphore(%run_scoped3A_108 : memref<!tpu.dma_semaphore, #tpu.memory_space<semaphore_mem>>) src(%dma_wait3A_133 : memref<128x80xf32, #tpu.memory_space<vmem_shared>>) dst(%dma_wait3A_131 : memref<128x80xf32, #tpu.memory_space<hbm>>)
      tpu.yield
    }) : () -> ()
    %add3A_52 = arith.constant 512 : i32
    %add3A_53 = arith.addi %mul3A_5, %add3A_52 : i32
    %run_scoped3A_54 = arith.constant 0 : i32
    "tpu.region"() ({
      %run_scoped3A_108 = tpu.sem_alloc : memref<!tpu.dma_semaphore, #tpu.memory_space<semaphore_mem>>
      %dma_start3A_109 = arith.constant 0 : i32
      %dma_start3A_110 = arith.constant 0 : i32
      %dma_start3A_111 = arith.constant 0 : i32
      %dma_start3A_112 = tpu.memref_slice %arg9[%arg0, %dma_start3A_109, %dma_start3A_110, %dma_start3A_111] : memref<2x2x10240x80xf32, #tpu.memory_space<hbm>> -> memref<1x2x10240x80xf32, #tpu.memory_space<hbm>>
      %dma_start3A_113 = tpu.memref_squeeze %dma_start3A_112 : memref<1x2x10240x80xf32, #tpu.memory_space<hbm>> -> memref<2x10240x80xf32, #tpu.memory_space<hbm>>
      %dma_start3A_114 = arith.constant 0 : i32
      %dma_start3A_115 = arith.constant 0 : i32
      %dma_start3A_116 = tpu.memref_slice %dma_start3A_113[%run_scoped3A_54, %dma_start3A_114, %dma_start3A_115] : memref<2x10240x80xf32, #tpu.memory_space<hbm>> -> memref<1x10240x80xf32, #tpu.memory_space<hbm>>
      %dma_start3A_117 = tpu.memref_squeeze %dma_start3A_116 : memref<1x10240x80xf32, #tpu.memory_space<hbm>> -> memref<10240x80xf32, #tpu.memory_space<hbm>>
      %dma_start3A_118 = arith.constant 0 : i32
      %dma_start3A_119 = tpu.memref_slice %dma_start3A_117[%add3A_53, %dma_start3A_118] : memref<10240x80xf32, #tpu.memory_space<hbm>> -> memref<128x80xf32, #tpu.memory_space<hbm>>
      %dma_start3A_120 = arith.constant 0 : i32
      %dma_start3A_121 = tpu.memref_slice %arg17[%add3A_53, %dma_start3A_120] : memref<10240x80xf32, #tpu.memory_space<vmem_shared>> -> memref<128x80xf32, #tpu.memory_space<vmem_shared>>
      tpu.enqueue_dma source(%dma_start3A_121 : memref<128x80xf32, #tpu.memory_space<vmem_shared>>) target(%dma_start3A_119 : memref<128x80xf32, #tpu.memory_space<hbm>>) target_semaphore(%run_scoped3A_108 : memref<!tpu.dma_semaphore, #tpu.memory_space<semaphore_mem>>)
      %dma_wait3A = arith.constant 0 : i32
      %dma_wait3A_122 = arith.constant 0 : i32
      %dma_wait3A_123 = arith.constant 0 : i32
      %dma_wait3A_124 = tpu.memref_slice %arg9[%arg0, %dma_wait3A, %dma_wait3A_122, %dma_wait3A_123] : memref<2x2x10240x80xf32, #tpu.memory_space<hbm>> -> memref<1x2x10240x80xf32, #tpu.memory_space<hbm>>
      %dma_wait3A_125 = tpu.memref_squeeze %dma_wait3A_124 : memref<1x2x10240x80xf32, #tpu.memory_space<hbm>> -> memref<2x10240x80xf32, #tpu.memory_space<hbm>>
      %dma_wait3A_126 = arith.constant 0 : i32
      %dma_wait3A_127 = arith.constant 0 : i32
      %dma_wait3A_128 = tpu.memref_slice %dma_wait3A_125[%run_scoped3A_54, %dma_wait3A_126, %dma_wait3A_127] : memref<2x10240x80xf32, #tpu.memory_space<hbm>> -> memref<1x10240x80xf32, #tpu.memory_space<hbm>>
      %dma_wait3A_129 = tpu.memref_squeeze %dma_wait3A_128 : memref<1x10240x80xf32, #tpu.memory_space<hbm>> -> memref<10240x80xf32, #tpu.memory_space<hbm>>
      %dma_wait3A_130 = arith.constant 0 : i32
      %dma_wait3A_131 = tpu.memref_slice %dma_wait3A_129[%add3A_53, %dma_wait3A_130] : memref<10240x80xf32, #tpu.memory_space<hbm>> -> memref<128x80xf32, #tpu.memory_space<hbm>>
      %dma_wait3A_132 = arith.constant 0 : i32
      %dma_wait3A_133 = tpu.memref_slice %arg17[%add3A_53, %dma_wait3A_132] : memref<10240x80xf32, #tpu.memory_space<vmem_shared>> -> memref<128x80xf32, #tpu.memory_space<vmem_shared>>
      tpu.wait_dma2 semaphore(%run_scoped3A_108 : memref<!tpu.dma_semaphore, #tpu.memory_space<semaphore_mem>>) src(%dma_wait3A_133 : memref<128x80xf32, #tpu.memory_space<vmem_shared>>) dst(%dma_wait3A_131 : memref<128x80xf32, #tpu.memory_space<hbm>>)
      tpu.yield
    }) : () -> ()
    %scan3A_55 = arith.constant 0 : i32
    %scan3A_56 = arith.constant 0 : i32
    %scan3A_57 = arith.constant 8 : i32
    %scan3A_58 = arith.addi %scan3A_56, %scan3A_57 : i32
    %scan3A_59 = arith.constant 1 : i32
    scf.for %scan3A_108 = %scan3A_56 to %scan3A_58 step %scan3A_59  : i32 {
      %swap3A = arith.constant 0 : i32
      %swap3A_109 = arith.index_cast %swap3A : i32 to index
      %swap3A_110 = arith.index_cast %scan3A_108 : i32 to index
      %swap3A_111 = arith.constant 0 : index
      %swap3A_112 = tpu.vector_load %arg16[%swap3A_109, %swap3A_110, %swap3A_111] {strides = array<i32>} : memref<2x8x80xf32, #tpu.memory_space<vmem>>, vector<16xf32>,
      tpu.vector_store %arg16[%swap3A_109, %swap3A_110, %swap3A_111], %broadcast_in_dim3A_1 {strides = array<i32>} : memref<2x8x80xf32, #tpu.memory_space<vmem>>, vector<16xf32>,
      %swap3A_113 = arith.constant 0 : i32
      %swap3A_114 = arith.index_cast %swap3A_113 : i32 to index
      %swap3A_115 = arith.index_cast %scan3A_108 : i32 to index
      %swap3A_116 = arith.constant 16 : index
      %swap3A_117 = tpu.vector_load %arg16[%swap3A_114, %swap3A_115, %swap3A_116] {strides = array<i32>} : memref<2x8x80xf32, #tpu.memory_space<vmem>>, vector<16xf32>,
      tpu.vector_store %arg16[%swap3A_114, %swap3A_115, %swap3A_116], %broadcast_in_dim3A_1 {strides = array<i32>} : memref<2x8x80xf32, #tpu.memory_space<vmem>>, vector<16xf32>,
      %swap3A_118 = arith.constant 0 : i32
      %swap3A_119 = arith.index_cast %swap3A_118 : i32 to index
      %swap3A_120 = arith.index_cast %scan3A_108 : i32 to index
      %swap3A_121 = arith.constant 32 : index
      %swap3A_122 = tpu.vector_load %arg16[%swap3A_119, %swap3A_120, %swap3A_121] {strides = array<i32>} : memref<2x8x80xf32, #tpu.memory_space<vmem>>, vector<16xf32>,
      tpu.vector_store %arg16[%swap3A_119, %swap3A_120, %swap3A_121], %broadcast_in_dim3A_1 {strides = array<i32>} : memref<2x8x80xf32, #tpu.memory_space<vmem>>, vector<16xf32>,
      %swap3A_123 = arith.constant 0 : i32
      %swap3A_124 = arith.index_cast %swap3A_123 : i32 to index
      %swap3A_125 = arith.index_cast %scan3A_108 : i32 to index
      %swap3A_126 = arith.constant 48 : index
      %swap3A_127 = tpu.vector_load %arg16[%swap3A_124, %swap3A_125, %swap3A_126] {strides = array<i32>} : memref<2x8x80xf32, #tpu.memory_space<vmem>>, vector<16xf32>,
      tpu.vector_store %arg16[%swap3A_124, %swap3A_125, %swap3A_126], %broadcast_in_dim3A_1 {strides = array<i32>} : memref<2x8x80xf32, #tpu.memory_space<vmem>>, vector<16xf32>,
      %swap3A_128 = arith.constant 0 : i32
      %swap3A_129 = arith.index_cast %swap3A_128 : i32 to index
      %swap3A_130 = arith.index_cast %scan3A_108 : i32 to index
      %swap3A_131 = arith.constant 64 : index
      %swap3A_132 = tpu.vector_load %arg16[%swap3A_129, %swap3A_130, %swap3A_131] {strides = array<i32>} : memref<2x8x80xf32, #tpu.memory_space<vmem>>, vector<16xf32>,
      tpu.vector_store %arg16[%swap3A_129, %swap3A_130, %swap3A_131], %broadcast_in_dim3A_1 {strides = array<i32>} : memref<2x8x80xf32, #tpu.memory_space<vmem>>, vector<16xf32>,
      %swap3A_133 = arith.constant 1 : i32
      %swap3A_134 = arith.index_cast %swap3A_133 : i32 to index
      %swap3A_135 = arith.index_cast %scan3A_108 : i32 to index
      %swap3A_136 = arith.constant 0 : index
      %swap3A_137 = tpu.vector_load %arg16[%swap3A_134, %swap3A_135, %swap3A_136] {strides = array<i32>} : memref<2x8x80xf32, #tpu.memory_space<vmem>>, vector<16xf32>,
      tpu.vector_store %arg16[%swap3A_134, %swap3A_135, %swap3A_136], %broadcast_in_dim3A_1 {strides = array<i32>} : memref<2x8x80xf32, #tpu.memory_space<vmem>>, vector<16xf32>,
      %swap3A_138 = arith.constant 1 : i32
      %swap3A_139 = arith.index_cast %swap3A_138 : i32 to index
      %swap3A_140 = arith.index_cast %scan3A_108 : i32 to index
      %swap3A_141 = arith.constant 16 : index
      %swap3A_142 = tpu.vector_load %arg16[%swap3A_139, %swap3A_140, %swap3A_141] {strides = array<i32>} : memref<2x8x80xf32, #tpu.memory_space<vmem>>, vector<16xf32>,
      tpu.vector_store %arg16[%swap3A_139, %swap3A_140, %swap3A_141], %broadcast_in_dim3A_1 {strides = array<i32>} : memref<2x8x80xf32, #tpu.memory_space<vmem>>, vector<16xf32>,
      %swap3A_143 = arith.constant 1 : i32
      %swap3A_144 = arith.index_cast %swap3A_143 : i32 to index
      %swap3A_145 = arith.index_cast %scan3A_108 : i32 to index
      %swap3A_146 = arith.constant 32 : index
      %swap3A_147 = tpu.vector_load %arg16[%swap3A_144, %swap3A_145, %swap3A_146] {strides = array<i32>} : memref<2x8x80xf32, #tpu.memory_space<vmem>>, vector<16xf32>,
      tpu.vector_store %arg16[%swap3A_144, %swap3A_145, %swap3A_146], %broadcast_in_dim3A_1 {strides = array<i32>} : memref<2x8x80xf32, #tpu.memory_space<vmem>>, vector<16xf32>,
      %swap3A_148 = arith.constant 1 : i32
      %swap3A_149 = arith.index_cast %swap3A_148 : i32 to index
      %swap3A_150 = arith.index_cast %scan3A_108 : i32 to index
      %swap3A_151 = arith.constant 48 : index
      %swap3A_152 = tpu.vector_load %arg16[%swap3A_149, %swap3A_150, %swap3A_151] {strides = array<i32>} : memref<2x8x80xf32, #tpu.memory_space<vmem>>, vector<16xf32>,
      tpu.vector_store %arg16[%swap3A_149, %swap3A_150, %swap3A_151], %broadcast_in_dim3A_1 {strides = array<i32>} : memref<2x8x80xf32, #tpu.memory_space<vmem>>, vector<16xf32>,
      %swap3A_153 = arith.constant 1 : i32
      %swap3A_154 = arith.index_cast %swap3A_153 : i32 to index
      %swap3A_155 = arith.index_cast %scan3A_108 : i32 to index
      %swap3A_156 = arith.constant 64 : index
      %swap3A_157 = tpu.vector_load %arg16[%swap3A_154, %swap3A_155, %swap3A_156] {strides = array<i32>} : memref<2x8x80xf32, #tpu.memory_space<vmem>>, vector<16xf32>,
      tpu.vector_store %arg16[%swap3A_154, %swap3A_155, %swap3A_156], %broadcast_in_dim3A_1 {strides = array<i32>} : memref<2x8x80xf32, #tpu.memory_space<vmem>>, vector<16xf32>,
    }
    %scan3A_60 = arith.constant 8 : i32
    %barrier3A_61 = arith.constant 0 : index
    tpu.barrier barrier_id(%barrier3A_61)
    %dma_start3A_62 = arith.constant 0 : i32
    %dma_start3A_63 = arith.constant 0 : i32
    %dma_start3A_64 = arith.constant 0 : i32
    %dma_start3A_65 = arith.constant 0 : i32
    %dma_start3A_66 = tpu.memref_slice %arg15[%dma_start3A_63, %dma_start3A_64, %dma_start3A_65] : memref<2x128x64xf32, #tpu.memory_space<vmem>> -> memref<1x64x64xf32, #tpu.memory_space<vmem>>
    %dma_start3A_67 = tpu.memref_squeeze %dma_start3A_66 : memref<1x64x64xf32, #tpu.memory_space<vmem>> -> memref<64x64xf32, #tpu.memory_space<vmem>>
    %dma_start3A_68 = arith.constant 0 : i32
    %dma_start3A_69 = tpu.memref_slice %arg10[%dma_start3A_62, %dma_start3A_68] : memref<80x128xi32, #tpu.memory_space<vmem>> -> memref<1x64xi32, #tpu.memory_space<vmem>>
    %dma_start3A_70 = tpu.memref_squeeze %dma_start3A_69 : memref<1x64xi32, #tpu.memory_space<vmem>> -> memref<64xi32, #tpu.memory_space<vmem>>
    %dma_start3A_71 = arith.constant 0 : i32
    %dma_start3A_72 = arith.constant 0 : i32
    %dma_start3A_73 = tpu.memref_slice %arg3[%dma_start3A_71, %dma_start3A_72] : memref<10240x64xf32, #tpu.memory_space<hbm>> -> memref<10240x64xf32, #tpu.memory_space<hbm>>
    tpu.enqueue_indirect_dma source(%dma_start3A_73 : memref<10240x64xf32, #tpu.memory_space<hbm>>) target(%dma_start3A_67 : memref<64x64xf32, #tpu.memory_space<vmem>>) offsets(%dma_start3A_70 : memref<64xi32, #tpu.memory_space<vmem>>) semaphore(%arg18 : memref<!tpu.dma_semaphore, #tpu.memory_space<semaphore_mem>>)
    %dma_start3A_74 = arith.constant 0 : i32
    %dma_start3A_75 = arith.constant 0 : i32
    %dma_start3A_76 = arith.constant 64 : i32
    %dma_start3A_77 = arith.constant 0 : i32
    %dma_start3A_78 = tpu.memref_slice %arg15[%dma_start3A_75, %dma_start3A_76, %dma_start3A_77] : memref<2x128x64xf32, #tpu.memory_space<vmem>> -> memref<1x64x64xf32, #tpu.memory_space<vmem>>
    %dma_start3A_79 = tpu.memref_squeeze %dma_start3A_78 : memref<1x64x64xf32, #tpu.memory_space<vmem>> -> memref<64x64xf32, #tpu.memory_space<vmem>>
    %dma_start3A_80 = arith.constant 64 : i32
    %dma_start3A_81 = tpu.memref_slice %arg10[%dma_start3A_74, %dma_start3A_80] : memref<80x128xi32, #tpu.memory_space<vmem>> -> memref<1x64xi32, #tpu.memory_space<vmem>>
    %dma_start3A_82 = tpu.memref_squeeze %dma_start3A_81 : memref<1x64xi32, #tpu.memory_space<vmem>> -> memref<64xi32, #tpu.memory_space<vmem>>
    %dma_start3A_83 = arith.constant 0 : i32
    %dma_start3A_84 = arith.constant 0 : i32
    %dma_start3A_85 = tpu.memref_slice %arg3[%dma_start3A_83, %dma_start3A_84] : memref<10240x64xf32, #tpu.memory_space<hbm>> -> memref<10240x64xf32, #tpu.memory_space<hbm>>
    tpu.enqueue_indirect_dma source(%dma_start3A_85 : memref<10240x64xf32, #tpu.memory_space<hbm>>) target(%dma_start3A_79 : memref<64x64xf32, #tpu.memory_space<vmem>>) offsets(%dma_start3A_82 : memref<64xi32, #tpu.memory_space<vmem>>) semaphore(%arg20 : memref<!tpu.dma_semaphore, #tpu.memory_space<semaphore_mem>>)
    %scan3A_86 = arith.constant 0 : i32
    %scan3A_87 = arith.constant 0 : i32
    %scan3A_88 = arith.constant 40 : i32
    %scan3A_89 = arith.addi %scan3A_87, %scan3A_88 : i32
    %scan3A_90 = arith.constant 1 : i32
    scf.for %scan3A_108 = %scan3A_87 to %scan3A_89 step %scan3A_90  : i32 {
      %mul3A_109 = arith.constant 2 : i32
      %mul3A_110 = arith.muli %scan3A_108, %mul3A_109 : i32
      %add3A_111 = arith.constant 0 : i32
      %add3A_112 = arith.addi %mul3A_110, %add3A_111 : i32
      %add3A_113 = arith.constant 1 : i32
      %add3A_114 = arith.addi %add3A_112, %add3A_113 : i32
      %lt3A = arith.constant 80 : i32
      %lt3A_115 = arith.cmpi slt, %add3A_114, %lt3A : i32
      %convert_element_type3A = arith.extui %lt3A_115 : i1 to i32
      %cond3A = arith.constant 0 : i32
      %cond3A_116 = arith.cmpi ne, %convert_element_type3A, %cond3A : i32
      scf.if %cond3A_116 {
        %add3A_171 = arith.constant 1 : i32
        %add3A_172 = arith.addi %add3A_112, %add3A_171 : i32
        %dma_start3A_173 = arith.constant 1 : i32
        %dma_start3A_174 = arith.constant 0 : i32
        %dma_start3A_175 = arith.constant 0 : i32
        %dma_start3A_176 = tpu.memref_slice %arg15[%dma_start3A_173, %dma_start3A_174, %dma_start3A_175] : memref<2x128x64xf32, #tpu.memory_space<vmem>> -> memref<1x64x64xf32, #tpu.memory_space<vmem>>
        %dma_start3A_177 = tpu.memref_squeeze %dma_start3A_176 : memref<1x64x64xf32, #tpu.memory_space<vmem>> -> memref<64x64xf32, #tpu.memory_space<vmem>>
        %dma_start3A_178 = arith.constant 0 : i32
        %dma_start3A_179 = tpu.memref_slice %arg10[%add3A_172, %dma_start3A_178] : memref<80x128xi32, #tpu.memory_space<vmem>> -> memref<1x64xi32, #tpu.memory_space<vmem>>
        %dma_start3A_180 = tpu.memref_squeeze %dma_start3A_179 : memref<1x64xi32, #tpu.memory_space<vmem>> -> memref<64xi32, #tpu.memory_space<vmem>>
        %dma_start3A_181 = arith.constant 0 : i32
        %dma_start3A_182 = arith.constant 0 : i32
        %dma_start3A_183 = tpu.memref_slice %arg3[%dma_start3A_181, %dma_start3A_182] : memref<10240x64xf32, #tpu.memory_space<hbm>> -> memref<10240x64xf32, #tpu.memory_space<hbm>>
        tpu.enqueue_indirect_dma source(%dma_start3A_183 : memref<10240x64xf32, #tpu.memory_space<hbm>>) target(%dma_start3A_177 : memref<64x64xf32, #tpu.memory_space<vmem>>) offsets(%dma_start3A_180 : memref<64xi32, #tpu.memory_space<vmem>>) semaphore(%arg19 : memref<!tpu.dma_semaphore, #tpu.memory_space<semaphore_mem>>)
        %add3A_184 = arith.constant 1 : i32
        %add3A_185 = arith.addi %add3A_112, %add3A_184 : i32
        %dma_start3A_186 = arith.constant 1 : i32
        %dma_start3A_187 = arith.constant 64 : i32
        %dma_start3A_188 = arith.constant 0 : i32
        %dma_start3A_189 = tpu.memref_slice %arg15[%dma_start3A_186, %dma_start3A_187, %dma_start3A_188] : memref<2x128x64xf32, #tpu.memory_space<vmem>> -> memref<1x64x64xf32, #tpu.memory_space<vmem>>
        %dma_start3A_190 = tpu.memref_squeeze %dma_start3A_189 : memref<1x64x64xf32, #tpu.memory_space<vmem>> -> memref<64x64xf32, #tpu.memory_space<vmem>>
        %dma_start3A_191 = arith.constant 64 : i32
        %dma_start3A_192 = tpu.memref_slice %arg10[%add3A_185, %dma_start3A_191] : memref<80x128xi32, #tpu.memory_space<vmem>> -> memref<1x64xi32, #tpu.memory_space<vmem>>
        %dma_start3A_193 = tpu.memref_squeeze %dma_start3A_192 : memref<1x64xi32, #tpu.memory_space<vmem>> -> memref<64xi32, #tpu.memory_space<vmem>>
        %dma_start3A_194 = arith.constant 0 : i32
        %dma_start3A_195 = arith.constant 0 : i32
        %dma_start3A_196 = tpu.memref_slice %arg3[%dma_start3A_194, %dma_start3A_195] : memref<10240x64xf32, #tpu.memory_space<hbm>> -> memref<10240x64xf32, #tpu.memory_space<hbm>>
        tpu.enqueue_indirect_dma source(%dma_start3A_196 : memref<10240x64xf32, #tpu.memory_space<hbm>>) target(%dma_start3A_190 : memref<64x64xf32, #tpu.memory_space<vmem>>) offsets(%dma_start3A_193 : memref<64xi32, #tpu.memory_space<vmem>>) semaphore(%arg21 : memref<!tpu.dma_semaphore, #tpu.memory_space<semaphore_mem>>)
      } else {
      }
      %dma_wait3A = arith.constant 0 : i32
      %dma_wait3A_117 = arith.constant 0 : i32
      %dma_wait3A_118 = arith.constant 0 : i32
      %dma_wait3A_119 = tpu.memref_slice %arg15[%dma_wait3A, %dma_wait3A_117, %dma_wait3A_118] : memref<2x128x64xf32, #tpu.memory_space<vmem>> -> memref<1x64x64xf32, #tpu.memory_space<vmem>>
      %dma_wait3A_120 = tpu.memref_squeeze %dma_wait3A_119 : memref<1x64x64xf32, #tpu.memory_space<vmem>> -> memref<64x64xf32, #tpu.memory_space<vmem>>
      %dma_wait3A_121 = arith.constant 0 : i32
      %dma_wait3A_122 = tpu.memref_slice %arg10[%add3A_112, %dma_wait3A_121] : memref<80x128xi32, #tpu.memory_space<vmem>> -> memref<1x64xi32, #tpu.memory_space<vmem>>
      %dma_wait3A_123 = tpu.memref_squeeze %dma_wait3A_122 : memref<1x64xi32, #tpu.memory_space<vmem>> -> memref<64xi32, #tpu.memory_space<vmem>>
      %dma_wait3A_124 = arith.constant 0 : i32
      %dma_wait3A_125 = arith.constant 0 : i32
      %dma_wait3A_126 = tpu.memref_slice %arg3[%dma_wait3A_124, %dma_wait3A_125] : memref<10240x64xf32, #tpu.memory_space<hbm>> -> memref<10240x64xf32, #tpu.memory_space<hbm>>
      tpu.wait_indirect_dma semaphore(%arg18 : memref<!tpu.dma_semaphore, #tpu.memory_space<semaphore_mem>>) src(%dma_wait3A_126 : memref<10240x64xf32, #tpu.memory_space<hbm>>) dst(%dma_wait3A_120 : memref<64x64xf32, #tpu.memory_space<vmem>>)
      %dma_wait3A_127 = arith.constant 0 : i32
      %dma_wait3A_128 = arith.constant 64 : i32
      %dma_wait3A_129 = arith.constant 0 : i32
      %dma_wait3A_130 = tpu.memref_slice %arg15[%dma_wait3A_127, %dma_wait3A_128, %dma_wait3A_129] : memref<2x128x64xf32, #tpu.memory_space<vmem>> -> memref<1x64x64xf32, #tpu.memory_space<vmem>>
      %dma_wait3A_131 = tpu.memref_squeeze %dma_wait3A_130 : memref<1x64x64xf32, #tpu.memory_space<vmem>> -> memref<64x64xf32, #tpu.memory_space<vmem>>
      %dma_wait3A_132 = arith.constant 64 : i32
      %dma_wait3A_133 = tpu.memref_slice %arg10[%add3A_112, %dma_wait3A_132] : memref<80x128xi32, #tpu.memory_space<vmem>> -> memref<1x64xi32, #tpu.memory_space<vmem>>
      %dma_wait3A_134 = tpu.memref_squeeze %dma_wait3A_133 : memref<1x64xi32, #tpu.memory_space<vmem>> -> memref<64xi32, #tpu.memory_space<vmem>>
      %dma_wait3A_135 = arith.constant 0 : i32
      %dma_wait3A_136 = arith.constant 0 : i32
      %dma_wait3A_137 = tpu.memref_slice %arg3[%dma_wait3A_135, %dma_wait3A_136] : memref<10240x64xf32, #tpu.memory_space<hbm>> -> memref<10240x64xf32, #tpu.memory_space<hbm>>
      tpu.wait_indirect_dma semaphore(%arg20 : memref<!tpu.dma_semaphore, #tpu.memory_space<semaphore_mem>>) src(%dma_wait3A_137 : memref<10240x64xf32, #tpu.memory_space<hbm>>) dst(%dma_wait3A_131 : memref<64x64xf32, #tpu.memory_space<vmem>>)
      %mul3A_138 = arith.constant 2 : i32
      %mul3A_139 = arith.muli %scan3A_108, %mul3A_138 : i32
      %add3A_140 = arith.constant 1 : i32
      %add3A_141 = arith.addi %mul3A_139, %add3A_140 : i32
      %add3A_142 = arith.constant 1 : i32
      %add3A_143 = arith.addi %add3A_141, %add3A_142 : i32
      %lt3A_144 = arith.constant 80 : i32
      %lt3A_145 = arith.cmpi slt, %add3A_143, %lt3A_144 : i32
      %convert_element_type3A_146 = arith.extui %lt3A_145 : i1 to i32
      %cond3A_147 = arith.constant 0 : i32
      %cond3A_148 = arith.cmpi ne, %convert_element_type3A_146, %cond3A_147 : i32
      scf.if %cond3A_148 {
        %add3A_171 = arith.constant 1 : i32
        %add3A_172 = arith.addi %add3A_141, %add3A_171 : i32
        %dma_start3A_173 = arith.constant 0 : i32
        %dma_start3A_174 = arith.constant 0 : i32
        %dma_start3A_175 = arith.constant 0 : i32
        %dma_start3A_176 = tpu.memref_slice %arg15[%dma_start3A_173, %dma_start3A_174, %dma_start3A_175] : memref<2x128x64xf32, #tpu.memory_space<vmem>> -> memref<1x64x64xf32, #tpu.memory_space<vmem>>
        %dma_start3A_177 = tpu.memref_squeeze %dma_start3A_176 : memref<1x64x64xf32, #tpu.memory_space<vmem>> -> memref<64x64xf32, #tpu.memory_space<vmem>>
        %dma_start3A_178 = arith.constant 0 : i32
        %dma_start3A_179 = tpu.memref_slice %arg10[%add3A_172, %dma_start3A_178] : memref<80x128xi32, #tpu.memory_space<vmem>> -> memref<1x64xi32, #tpu.memory_space<vmem>>
        %dma_start3A_180 = tpu.memref_squeeze %dma_start3A_179 : memref<1x64xi32, #tpu.memory_space<vmem>> -> memref<64xi32, #tpu.memory_space<vmem>>
        %dma_start3A_181 = arith.constant 0 : i32
        %dma_start3A_182 = arith.constant 0 : i32
        %dma_start3A_183 = tpu.memref_slice %arg3[%dma_start3A_181, %dma_start3A_182] : memref<10240x64xf32, #tpu.memory_space<hbm>> -> memref<10240x64xf32, #tpu.memory_space<hbm>>
        tpu.enqueue_indirect_dma source(%dma_start3A_183 : memref<10240x64xf32, #tpu.memory_space<hbm>>) target(%dma_start3A_177 : memref<64x64xf32, #tpu.memory_space<vmem>>) offsets(%dma_start3A_180 : memref<64xi32, #tpu.memory_space<vmem>>) semaphore(%arg18 : memref<!tpu.dma_semaphore, #tpu.memory_space<semaphore_mem>>)
        %add3A_184 = arith.constant 1 : i32
        %add3A_185 = arith.addi %add3A_141, %add3A_184 : i32
        %dma_start3A_186 = arith.constant 0 : i32
        %dma_start3A_187 = arith.constant 64 : i32
        %dma_start3A_188 = arith.constant 0 : i32
        %dma_start3A_189 = tpu.memref_slice %arg15[%dma_start3A_186, %dma_start3A_187, %dma_start3A_188] : memref<2x128x64xf32, #tpu.memory_space<vmem>> -> memref<1x64x64xf32, #tpu.memory_space<vmem>>
        %dma_start3A_190 = tpu.memref_squeeze %dma_start3A_189 : memref<1x64x64xf32, #tpu.memory_space<vmem>> -> memref<64x64xf32, #tpu.memory_space<vmem>>
        %dma_start3A_191 = arith.constant 64 : i32
        %dma_start3A_192 = tpu.memref_slice %arg10[%add3A_185, %dma_start3A_191] : memref<80x128xi32, #tpu.memory_space<vmem>> -> memref<1x64xi32, #tpu.memory_space<vmem>>
        %dma_start3A_193 = tpu.memref_squeeze %dma_start3A_192 : memref<1x64xi32, #tpu.memory_space<vmem>> -> memref<64xi32, #tpu.memory_space<vmem>>
        %dma_start3A_194 = arith.constant 0 : i32
        %dma_start3A_195 = arith.constant 0 : i32
        %dma_start3A_196 = tpu.memref_slice %arg3[%dma_start3A_194, %dma_start3A_195] : memref<10240x64xf32, #tpu.memory_space<hbm>> -> memref<10240x64xf32, #tpu.memory_space<hbm>>
        tpu.enqueue_indirect_dma source(%dma_start3A_196 : memref<10240x64xf32, #tpu.memory_space<hbm>>) target(%dma_start3A_190 : memref<64x64xf32, #tpu.memory_space<vmem>>) offsets(%dma_start3A_193 : memref<64xi32, #tpu.memory_space<vmem>>) semaphore(%arg20 : memref<!tpu.dma_semaphore, #tpu.memory_space<semaphore_mem>>)
      } else {
      }
      %dma_wait3A_149 = arith.constant 1 : i32
      %dma_wait3A_150 = arith.constant 0 : i32
      %dma_wait3A_151 = arith.constant 0 : i32
      %dma_wait3A_152 = tpu.memref_slice %arg15[%dma_wait3A_149, %dma_wait3A_150, %dma_wait3A_151] : memref<2x128x64xf32, #tpu.memory_space<vmem>> -> memref<1x64x64xf32, #tpu.memory_space<vmem>>
      %dma_wait3A_153 = tpu.memref_squeeze %dma_wait3A_152 : memref<1x64x64xf32, #tpu.memory_space<vmem>> -> memref<64x64xf32, #tpu.memory_space<vmem>>
      %dma_wait3A_154 = arith.constant 0 : i32
      %dma_wait3A_155 = tpu.memref_slice %arg10[%add3A_141, %dma_wait3A_154] : memref<80x128xi32, #tpu.memory_space<vmem>> -> memref<1x64xi32, #tpu.memory_space<vmem>>
      %dma_wait3A_156 = tpu.memref_squeeze %dma_wait3A_155 : memref<1x64xi32, #tpu.memory_space<vmem>> -> memref<64xi32, #tpu.memory_space<vmem>>
      %dma_wait3A_157 = arith.constant 0 : i32
      %dma_wait3A_158 = arith.constant 0 : i32
      %dma_wait3A_159 = tpu.memref_slice %arg3[%dma_wait3A_157, %dma_wait3A_158] : memref<10240x64xf32, #tpu.memory_space<hbm>> -> memref<10240x64xf32, #tpu.memory_space<hbm>>
      tpu.wait_indirect_dma semaphore(%arg19 : memref<!tpu.dma_semaphore, #tpu.memory_space<semaphore_mem>>) src(%dma_wait3A_159 : memref<10240x64xf32, #tpu.memory_space<hbm>>) dst(%dma_wait3A_153 : memref<64x64xf32, #tpu.memory_space<vmem>>)
      %dma_wait3A_160 = arith.constant 1 : i32
      %dma_wait3A_161 = arith.constant 64 : i32
      %dma_wait3A_162 = arith.constant 0 : i32
      %dma_wait3A_163 = tpu.memref_slice %arg15[%dma_wait3A_160, %dma_wait3A_161, %dma_wait3A_162] : memref<2x128x64xf32, #tpu.memory_space<vmem>> -> memref<1x64x64xf32, #tpu.memory_space<vmem>>
      %dma_wait3A_164 = tpu.memref_squeeze %dma_wait3A_163 : memref<1x64x64xf32, #tpu.memory_space<vmem>> -> memref<64x64xf32, #tpu.memory_space<vmem>>
      %dma_wait3A_165 = arith.constant 64 : i32
      %dma_wait3A_166 = tpu.memref_slice %arg10[%add3A_141, %dma_wait3A_165] : memref<80x128xi32, #tpu.memory_space<vmem>> -> memref<1x64xi32, #tpu.memory_space<vmem>>
      %dma_wait3A_167 = tpu.memref_squeeze %dma_wait3A_166 : memref<1x64xi32, #tpu.memory_space<vmem>> -> memref<64xi32, #tpu.memory_space<vmem>>
      %dma_wait3A_168 = arith.constant 0 : i32
      %dma_wait3A_169 = arith.constant 0 : i32
      %dma_wait3A_170 = tpu.memref_slice %arg3[%dma_wait3A_168, %dma_wait3A_169] : memref<10240x64xf32, #tpu.memory_space<hbm>> -> memref<10240x64xf32, #tpu.memory_space<hbm>>
      tpu.wait_indirect_dma semaphore(%arg21 : memref<!tpu.dma_semaphore, #tpu.memory_space<semaphore_mem>>) src(%dma_wait3A_170 : memref<10240x64xf32, #tpu.memory_space<hbm>>) dst(%dma_wait3A_164 : memref<64x64xf32, #tpu.memory_space<vmem>>)
    }
    %scan3A_91 = arith.constant 40 : i32
    %barrier3A_92 = arith.constant 0 : index
    tpu.barrier barrier_id(%barrier3A_92)
    %add3A_93 = arith.constant 0 : i32
    %add3A_94 = arith.addi %mul3A_5, %add3A_93 : i32
    %run_scoped3A_95 = arith.constant 1 : i32
    "tpu.region"() ({
      %run_scoped3A_108 = tpu.sem_alloc : memref<!tpu.dma_semaphore, #tpu.memory_space<semaphore_mem>>
      %dma_start3A_109 = arith.constant 0 : i32
      %dma_start3A_110 = arith.constant 0 : i32
      %dma_start3A_111 = arith.constant 0 : i32
      %dma_start3A_112 = tpu.memref_slice %arg9[%arg0, %dma_start3A_109, %dma_start3A_110, %dma_start3A_111] : memref<2x2x10240x80xf32, #tpu.memory_space<hbm>> -> memref<1x2x10240x80xf32, #tpu.memory_space<hbm>>
      %dma_start3A_113 = tpu.memref_squeeze %dma_start3A_112 : memref<1x2x10240x80xf32, #tpu.memory_space<hbm>> -> memref<2x10240x80xf32, #tpu.memory_space<hbm>>
      %dma_start3A_114 = arith.constant 0 : i32
      %dma_start3A_115 = arith.constant 0 : i32
      %dma_start3A_116 = tpu.memref_slice %dma_start3A_113[%run_scoped3A_95, %dma_start3A_114, %dma_start3A_115] : memref<2x10240x80xf32, #tpu.memory_space<hbm>> -> memref<1x10240x80xf32, #tpu.memory_space<hbm>>
      %dma_start3A_117 = tpu.memref_squeeze %dma_start3A_116 : memref<1x10240x80xf32, #tpu.memory_space<hbm>> -> memref<10240x80xf32, #tpu.memory_space<hbm>>
      %dma_start3A_118 = arith.constant 0 : i32
      %dma_start3A_119 = tpu.memref_slice %dma_start3A_117[%add3A_94, %dma_start3A_118] : memref<10240x80xf32, #tpu.memory_space<hbm>> -> memref<128x80xf32, #tpu.memory_space<hbm>>
      %dma_start3A_120 = arith.constant 0 : i32
      %dma_start3A_121 = tpu.memref_slice %arg17[%add3A_94, %dma_start3A_120] : memref<10240x80xf32, #tpu.memory_space<vmem_shared>> -> memref<128x80xf32, #tpu.memory_space<vmem_shared>>
      tpu.enqueue_dma source(%dma_start3A_121 : memref<128x80xf32, #tpu.memory_space<vmem_shared>>) target(%dma_start3A_119 : memref<128x80xf32, #tpu.memory_space<hbm>>) target_semaphore(%run_scoped3A_108 : memref<!tpu.dma_semaphore, #tpu.memory_space<semaphore_mem>>)
      %dma_wait3A = arith.constant 0 : i32
      %dma_wait3A_122 = arith.constant 0 : i32
      %dma_wait3A_123 = arith.constant 0 : i32
      %dma_wait3A_124 = tpu.memref_slice %arg9[%arg0, %dma_wait3A, %dma_wait3A_122, %dma_wait3A_123] : memref<2x2x10240x80xf32, #tpu.memory_space<hbm>> -> memref<1x2x10240x80xf32, #tpu.memory_space<hbm>>
      %dma_wait3A_125 = tpu.memref_squeeze %dma_wait3A_124 : memref<1x2x10240x80xf32, #tpu.memory_space<hbm>> -> memref<2x10240x80xf32, #tpu.memory_space<hbm>>
      %dma_wait3A_126 = arith.constant 0 : i32
      %dma_wait3A_127 = arith.constant 0 : i32
      %dma_wait3A_128 = tpu.memref_slice %dma_wait3A_125[%run_scoped3A_95, %dma_wait3A_126, %dma_wait3A_127] : memref<2x10240x80xf32, #tpu.memory_space<hbm>> -> memref<1x10240x80xf32, #tpu.memory_space<hbm>>
      %dma_wait3A_129 = tpu.memref_squeeze %dma_wait3A_128 : memref<1x10240x80xf32, #tpu.memory_space<hbm>> -> memref<10240x80xf32, #tpu.memory_space<hbm>>
      %dma_wait3A_130 = arith.constant 0 : i32
      %dma_wait3A_131 = tpu.memref_slice %dma_wait3A_129[%add3A_94, %dma_wait3A_130] : memref<10240x80xf32, #tpu.memory_space<hbm>> -> memref<128x80xf32, #tpu.memory_space<hbm>>
      %dma_wait3A_132 = arith.constant 0 : i32
      %dma_wait3A_133 = tpu.memref_slice %arg17[%add3A_94, %dma_wait3A_132] : memref<10240x80xf32, #tpu.memory_space<vmem_shared>> -> memref<128x80xf32, #tpu.memory_space<vmem_shared>>
      tpu.wait_dma2 semaphore(%run_scoped3A_108 : memref<!tpu.dma_semaphore, #tpu.memory_space<semaphore_mem>>) src(%dma_wait3A_133 : memref<128x80xf32, #tpu.memory_space<vmem_shared>>) dst(%dma_wait3A_131 : memref<128x80xf32, #tpu.memory_space<hbm>>)
      tpu.yield
    }) : () -> ()
    %add3A_96 = arith.constant 128 : i32
    %add3A_97 = arith.addi %mul3A_5, %add3A_96 : i32
    %run_scoped3A_98 = arith.constant 1 : i32
    "tpu.region"() ({
      %run_scoped3A_108 = tpu.sem_alloc : memref<!tpu.dma_semaphore, #tpu.memory_space<semaphore_mem>>
      %dma_start3A_109 = arith.constant 0 : i32
      %dma_start3A_110 = arith.constant 0 : i32
      %dma_start3A_111 = arith.constant 0 : i32
      %dma_start3A_112 = tpu.memref_slice %arg9[%arg0, %dma_start3A_109, %dma_start3A_110, %dma_start3A_111] : memref<2x2x10240x80xf32, #tpu.memory_space<hbm>> -> memref<1x2x10240x80xf32, #tpu.memory_space<hbm>>
      %dma_start3A_113 = tpu.memref_squeeze %dma_start3A_112 : memref<1x2x10240x80xf32, #tpu.memory_space<hbm>> -> memref<2x10240x80xf32, #tpu.memory_space<hbm>>
      %dma_start3A_114 = arith.constant 0 : i32
      %dma_start3A_115 = arith.constant 0 : i32
      %dma_start3A_116 = tpu.memref_slice %dma_start3A_113[%run_scoped3A_98, %dma_start3A_114, %dma_start3A_115] : memref<2x10240x80xf32, #tpu.memory_space<hbm>> -> memref<1x10240x80xf32, #tpu.memory_space<hbm>>
      %dma_start3A_117 = tpu.memref_squeeze %dma_start3A_116 : memref<1x10240x80xf32, #tpu.memory_space<hbm>> -> memref<10240x80xf32, #tpu.memory_space<hbm>>
      %dma_start3A_118 = arith.constant 0 : i32
      %dma_start3A_119 = tpu.memref_slice %dma_start3A_117[%add3A_97, %dma_start3A_118] : memref<10240x80xf32, #tpu.memory_space<hbm>> -> memref<128x80xf32, #tpu.memory_space<hbm>>
      %dma_start3A_120 = arith.constant 0 : i32
      %dma_start3A_121 = tpu.memref_slice %arg17[%add3A_97, %dma_start3A_120] : memref<10240x80xf32, #tpu.memory_space<vmem_shared>> -> memref<128x80xf32, #tpu.memory_space<vmem_shared>>
      tpu.enqueue_dma source(%dma_start3A_121 : memref<128x80xf32, #tpu.memory_space<vmem_shared>>) target(%dma_start3A_119 : memref<128x80xf32, #tpu.memory_space<hbm>>) target_semaphore(%run_scoped3A_108 : memref<!tpu.dma_semaphore, #tpu.memory_space<semaphore_mem>>)
      %dma_wait3A = arith.constant 0 : i32
      %dma_wait3A_122 = arith.constant 0 : i32
      %dma_wait3A_123 = arith.constant 0 : i32
      %dma_wait3A_124 = tpu.memref_slice %arg9[%arg0, %dma_wait3A, %dma_wait3A_122, %dma_wait3A_123] : memref<2x2x10240x80xf32, #tpu.memory_space<hbm>> -> memref<1x2x10240x80xf32, #tpu.memory_space<hbm>>
      %dma_wait3A_125 = tpu.memref_squeeze %dma_wait3A_124 : memref<1x2x10240x80xf32, #tpu.memory_space<hbm>> -> memref<2x10240x80xf32, #tpu.memory_space<hbm>>
      %dma_wait3A_126 = arith.constant 0 : i32
      %dma_wait3A_127 = arith.constant 0 : i32
      %dma_wait3A_128 = tpu.memref_slice %dma_wait3A_125[%run_scoped3A_98, %dma_wait3A_126, %dma_wait3A_127] : memref<2x10240x80xf32, #tpu.memory_space<hbm>> -> memref<1x10240x80xf32, #tpu.memory_space<hbm>>
      %dma_wait3A_129 = tpu.memref_squeeze %dma_wait3A_128 : memref<1x10240x80xf32, #tpu.memory_space<hbm>> -> memref<10240x80xf32, #tpu.memory_space<hbm>>
      %dma_wait3A_130 = arith.constant 0 : i32
      %dma_wait3A_131 = tpu.memref_slice %dma_wait3A_129[%add3A_97, %dma_wait3A_130] : memref<10240x80xf32, #tpu.memory_space<hbm>> -> memref<128x80xf32, #tpu.memory_space<hbm>>
      %dma_wait3A_132 = arith.constant 0 : i32
      %dma_wait3A_133 = tpu.memref_slice %arg17[%add3A_97, %dma_wait3A_132] : memref<10240x80xf32, #tpu.memory_space<vmem_shared>> -> memref<128x80xf32, #tpu.memory_space<vmem_shared>>
      tpu.wait_dma2 semaphore(%run_scoped3A_108 : memref<!tpu.dma_semaphore, #tpu.memory_space<semaphore_mem>>) src(%dma_wait3A_133 : memref<128x80xf32, #tpu.memory_space<vmem_shared>>) dst(%dma_wait3A_131 : memref<128x80xf32, #tpu.memory_space<hbm>>)
      tpu.yield
    }) : () -> ()
    %add3A_99 = arith.constant 256 : i32
    %add3A_100 = arith.addi %mul3A_5, %add3A_99 : i32
    %run_scoped3A_101 = arith.constant 1 : i32
    "tpu.region"() ({
      %run_scoped3A_108 = tpu.sem_alloc : memref<!tpu.dma_semaphore, #tpu.memory_space<semaphore_mem>>
      %dma_start3A_109 = arith.constant 0 : i32
      %dma_start3A_110 = arith.constant 0 : i32
      %dma_start3A_111 = arith.constant 0 : i32
      %dma_start3A_112 = tpu.memref_slice %arg9[%arg0, %dma_start3A_109, %dma_start3A_110, %dma_start3A_111] : memref<2x2x10240x80xf32, #tpu.memory_space<hbm>> -> memref<1x2x10240x80xf32, #tpu.memory_space<hbm>>
      %dma_start3A_113 = tpu.memref_squeeze %dma_start3A_112 : memref<1x2x10240x80xf32, #tpu.memory_space<hbm>> -> memref<2x10240x80xf32, #tpu.memory_space<hbm>>
      %dma_start3A_114 = arith.constant 0 : i32
      %dma_start3A_115 = arith.constant 0 : i32
      %dma_start3A_116 = tpu.memref_slice %dma_start3A_113[%run_scoped3A_101, %dma_start3A_114, %dma_start3A_115] : memref<2x10240x80xf32, #tpu.memory_space<hbm>> -> memref<1x10240x80xf32, #tpu.memory_space<hbm>>
      %dma_start3A_117 = tpu.memref_squeeze %dma_start3A_116 : memref<1x10240x80xf32, #tpu.memory_space<hbm>> -> memref<10240x80xf32, #tpu.memory_space<hbm>>
      %dma_start3A_118 = arith.constant 0 : i32
      %dma_start3A_119 = tpu.memref_slice %dma_start3A_117[%add3A_100, %dma_start3A_118] : memref<10240x80xf32, #tpu.memory_space<hbm>> -> memref<128x80xf32, #tpu.memory_space<hbm>>
      %dma_start3A_120 = arith.constant 0 : i32
      %dma_start3A_121 = tpu.memref_slice %arg17[%add3A_100, %dma_start3A_120] : memref<10240x80xf32, #tpu.memory_space<vmem_shared>> -> memref<128x80xf32, #tpu.memory_space<vmem_shared>>
      tpu.enqueue_dma source(%dma_start3A_121 : memref<128x80xf32, #tpu.memory_space<vmem_shared>>) target(%dma_start3A_119 : memref<128x80xf32, #tpu.memory_space<hbm>>) target_semaphore(%run_scoped3A_108 : memref<!tpu.dma_semaphore, #tpu.memory_space<semaphore_mem>>)
      %dma_wait3A = arith.constant 0 : i32
      %dma_wait3A_122 = arith.constant 0 : i32
      %dma_wait3A_123 = arith.constant 0 : i32
      %dma_wait3A_124 = tpu.memref_slice %arg9[%arg0, %dma_wait3A, %dma_wait3A_122, %dma_wait3A_123] : memref<2x2x10240x80xf32, #tpu.memory_space<hbm>> -> memref<1x2x10240x80xf32, #tpu.memory_space<hbm>>
      %dma_wait3A_125 = tpu.memref_squeeze %dma_wait3A_124 : memref<1x2x10240x80xf32, #tpu.memory_space<hbm>> -> memref<2x10240x80xf32, #tpu.memory_space<hbm>>
      %dma_wait3A_126 = arith.constant 0 : i32
      %dma_wait3A_127 = arith.constant 0 : i32
      %dma_wait3A_128 = tpu.memref_slice %dma_wait3A_125[%run_scoped3A_101, %dma_wait3A_126, %dma_wait3A_127] : memref<2x10240x80xf32, #tpu.memory_space<hbm>> -> memref<1x10240x80xf32, #tpu.memory_space<hbm>>
      %dma_wait3A_129 = tpu.memref_squeeze %dma_wait3A_128 : memref<1x10240x80xf32, #tpu.memory_space<hbm>> -> memref<10240x80xf32, #tpu.memory_space<hbm>>
      %dma_wait3A_130 = arith.constant 0 : i32
      %dma_wait3A_131 = tpu.memref_slice %dma_wait3A_129[%add3A_100, %dma_wait3A_130] : memref<10240x80xf32, #tpu.memory_space<hbm>> -> memref<128x80xf32, #tpu.memory_space<hbm>>
      %dma_wait3A_132 = arith.constant 0 : i32
      %dma_wait3A_133 = tpu.memref_slice %arg17[%add3A_100, %dma_wait3A_132] : memref<10240x80xf32, #tpu.memory_space<vmem_shared>> -> memref<128x80xf32, #tpu.memory_space<vmem_shared>>
      tpu.wait_dma2 semaphore(%run_scoped3A_108 : memref<!tpu.dma_semaphore, #tpu.memory_space<semaphore_mem>>) src(%dma_wait3A_133 : memref<128x80xf32, #tpu.memory_space<vmem_shared>>) dst(%dma_wait3A_131 : memref<128x80xf32, #tpu.memory_space<hbm>>)
      tpu.yield
    }) : () -> ()
    %add3A_102 = arith.constant 384 : i32
    %add3A_103 = arith.addi %mul3A_5, %add3A_102 : i32
    %run_scoped3A_104 = arith.constant 1 : i32
    "tpu.region"() ({
      %run_scoped3A_108 = tpu.sem_alloc : memref<!tpu.dma_semaphore, #tpu.memory_space<semaphore_mem>>
      %dma_start3A_109 = arith.constant 0 : i32
      %dma_start3A_110 = arith.constant 0 : i32
      %dma_start3A_111 = arith.constant 0 : i32
      %dma_start3A_112 = tpu.memref_slice %arg9[%arg0, %dma_start3A_109, %dma_start3A_110, %dma_start3A_111] : memref<2x2x10240x80xf32, #tpu.memory_space<hbm>> -> memref<1x2x10240x80xf32, #tpu.memory_space<hbm>>
      %dma_start3A_113 = tpu.memref_squeeze %dma_start3A_112 : memref<1x2x10240x80xf32, #tpu.memory_space<hbm>> -> memref<2x10240x80xf32, #tpu.memory_space<hbm>>
      %dma_start3A_114 = arith.constant 0 : i32
      %dma_start3A_115 = arith.constant 0 : i32
      %dma_start3A_116 = tpu.memref_slice %dma_start3A_113[%run_scoped3A_104, %dma_start3A_114, %dma_start3A_115] : memref<2x10240x80xf32, #tpu.memory_space<hbm>> -> memref<1x10240x80xf32, #tpu.memory_space<hbm>>
      %dma_start3A_117 = tpu.memref_squeeze %dma_start3A_116 : memref<1x10240x80xf32, #tpu.memory_space<hbm>> -> memref<10240x80xf32, #tpu.memory_space<hbm>>
      %dma_start3A_118 = arith.constant 0 : i32
      %dma_start3A_119 = tpu.memref_slice %dma_start3A_117[%add3A_103, %dma_start3A_118] : memref<10240x80xf32, #tpu.memory_space<hbm>> -> memref<128x80xf32, #tpu.memory_space<hbm>>
      %dma_start3A_120 = arith.constant 0 : i32
      %dma_start3A_121 = tpu.memref_slice %arg17[%add3A_103, %dma_start3A_120] : memref<10240x80xf32, #tpu.memory_space<vmem_shared>> -> memref<128x80xf32, #tpu.memory_space<vmem_shared>>
      tpu.enqueue_dma source(%dma_start3A_121 : memref<128x80xf32, #tpu.memory_space<vmem_shared>>) target(%dma_start3A_119 : memref<128x80xf32, #tpu.memory_space<hbm>>) target_semaphore(%run_scoped3A_108 : memref<!tpu.dma_semaphore, #tpu.memory_space<semaphore_mem>>)
      %dma_wait3A = arith.constant 0 : i32
      %dma_wait3A_122 = arith.constant 0 : i32
      %dma_wait3A_123 = arith.constant 0 : i32
      %dma_wait3A_124 = tpu.memref_slice %arg9[%arg0, %dma_wait3A, %dma_wait3A_122, %dma_wait3A_123] : memref<2x2x10240x80xf32, #tpu.memory_space<hbm>> -> memref<1x2x10240x80xf32, #tpu.memory_space<hbm>>
      %dma_wait3A_125 = tpu.memref_squeeze %dma_wait3A_124 : memref<1x2x10240x80xf32, #tpu.memory_space<hbm>> -> memref<2x10240x80xf32, #tpu.memory_space<hbm>>
      %dma_wait3A_126 = arith.constant 0 : i32
      %dma_wait3A_127 = arith.constant 0 : i32
      %dma_wait3A_128 = tpu.memref_slice %dma_wait3A_125[%run_scoped3A_104, %dma_wait3A_126, %dma_wait3A_127] : memref<2x10240x80xf32, #tpu.memory_space<hbm>> -> memref<1x10240x80xf32, #tpu.memory_space<hbm>>
      %dma_wait3A_129 = tpu.memref_squeeze %dma_wait3A_128 : memref<1x10240x80xf32, #tpu.memory_space<hbm>> -> memref<10240x80xf32, #tpu.memory_space<hbm>>
      %dma_wait3A_130 = arith.constant 0 : i32
      %dma_wait3A_131 = tpu.memref_slice %dma_wait3A_129[%add3A_103, %dma_wait3A_130] : memref<10240x80xf32, #tpu.memory_space<hbm>> -> memref<128x80xf32, #tpu.memory_space<hbm>>
      %dma_wait3A_132 = arith.constant 0 : i32
      %dma_wait3A_133 = tpu.memref_slice %arg17[%add3A_103, %dma_wait3A_132] : memref<10240x80xf32, #tpu.memory_space<vmem_shared>> -> memref<128x80xf32, #tpu.memory_space<vmem_shared>>
      tpu.wait_dma2 semaphore(%run_scoped3A_108 : memref<!tpu.dma_semaphore, #tpu.memory_space<semaphore_mem>>) src(%dma_wait3A_133 : memref<128x80xf32, #tpu.memory_space<vmem_shared>>) dst(%dma_wait3A_131 : memref<128x80xf32, #tpu.memory_space<hbm>>)
      tpu.yield
    }) : () -> ()
    %add3A_105 = arith.constant 512 : i32
    %add3A_106 = arith.addi %mul3A_5, %add3A_105 : i32
    %run_scoped3A_107 = arith.constant 1 : i32
    "tpu.region"() ({
      %run_scoped3A_108 = tpu.sem_alloc : memref<!tpu.dma_semaphore, #tpu.memory_space<semaphore_mem>>
      %dma_start3A_109 = arith.constant 0 : i32
      %dma_start3A_110 = arith.constant 0 : i32
      %dma_start3A_111 = arith.constant 0 : i32
      %dma_start3A_112 = tpu.memref_slice %arg9[%arg0, %dma_start3A_109, %dma_start3A_110, %dma_start3A_111] : memref<2x2x10240x80xf32, #tpu.memory_space<hbm>> -> memref<1x2x10240x80xf32, #tpu.memory_space<hbm>>
      %dma_start3A_113 = tpu.memref_squeeze %dma_start3A_112 : memref<1x2x10240x80xf32, #tpu.memory_space<hbm>> -> memref<2x10240x80xf32, #tpu.memory_space<hbm>>
      %dma_start3A_114 = arith.constant 0 : i32
      %dma_start3A_115 = arith.constant 0 : i32
      %dma_start3A_116 = tpu.memref_slice %dma_start3A_113[%run_scoped3A_107, %dma_start3A_114, %dma_start3A_115] : memref<2x10240x80xf32, #tpu.memory_space<hbm>> -> memref<1x10240x80xf32, #tpu.memory_space<hbm>>
      %dma_start3A_117 = tpu.memref_squeeze %dma_start3A_116 : memref<1x10240x80xf32, #tpu.memory_space<hbm>> -> memref<10240x80xf32, #tpu.memory_space<hbm>>
      %dma_start3A_118 = arith.constant 0 : i32
      %dma_start3A_119 = tpu.memref_slice %dma_start3A_117[%add3A_106, %dma_start3A_118] : memref<10240x80xf32, #tpu.memory_space<hbm>> -> memref<128x80xf32, #tpu.memory_space<hbm>>
      %dma_start3A_120 = arith.constant 0 : i32
      %dma_start3A_121 = tpu.memref_slice %arg17[%add3A_106, %dma_start3A_120] : memref<10240x80xf32, #tpu.memory_space<vmem_shared>> -> memref<128x80xf32, #tpu.memory_space<vmem_shared>>
      tpu.enqueue_dma source(%dma_start3A_121 : memref<128x80xf32, #tpu.memory_space<vmem_shared>>) target(%dma_start3A_119 : memref<128x80xf32, #tpu.memory_space<hbm>>) target_semaphore(%run_scoped3A_108 : memref<!tpu.dma_semaphore, #tpu.memory_space<semaphore_mem>>)
      %dma_wait3A = arith.constant 0 : i32
      %dma_wait3A_122 = arith.constant 0 : i32
      %dma_wait3A_123 = arith.constant 0 : i32
      %dma_wait3A_124 = tpu.memref_slice %arg9[%arg0, %dma_wait3A, %dma_wait3A_122, %dma_wait3A_123] : memref<2x2x10240x80xf32, #tpu.memory_space<hbm>> -> memref<1x2x10240x80xf32, #tpu.memory_space<hbm>>
      %dma_wait3A_125 = tpu.memref_squeeze %dma_wait3A_124 : memref<1x2x10240x80xf32, #tpu.memory_space<hbm>> -> memref<2x10240x80xf32, #tpu.memory_space<hbm>>
      %dma_wait3A_126 = arith.constant 0 : i32
      %dma_wait3A_127 = arith.constant 0 : i32
      %dma_wait3A_128 = tpu.memref_slice %dma_wait3A_125[%run_scoped3A_107, %dma_wait3A_126, %dma_wait3A_127] : memref<2x10240x80xf32, #tpu.memory_space<hbm>> -> memref<1x10240x80xf32, #tpu.memory_space<hbm>>
      %dma_wait3A_129 = tpu.memref_squeeze %dma_wait3A_128 : memref<1x10240x80xf32, #tpu.memory_space<hbm>> -> memref<10240x80xf32, #tpu.memory_space<hbm>>
      %dma_wait3A_130 = arith.constant 0 : i32
      %dma_wait3A_131 = tpu.memref_slice %dma_wait3A_129[%add3A_106, %dma_wait3A_130] : memref<10240x80xf32, #tpu.memory_space<hbm>> -> memref<128x80xf32, #tpu.memory_space<hbm>>
      %dma_wait3A_132 = arith.constant 0 : i32
      %dma_wait3A_133 = tpu.memref_slice %arg17[%add3A_106, %dma_wait3A_132] : memref<10240x80xf32, #tpu.memory_space<vmem_shared>> -> memref<128x80xf32, #tpu.memory_space<vmem_shared>>
      tpu.wait_dma2 semaphore(%run_scoped3A_108 : memref<!tpu.dma_semaphore, #tpu.memory_space<semaphore_mem>>) src(%dma_wait3A_133 : memref<128x80xf32, #tpu.memory_space<vmem_shared>>) dst(%dma_wait3A_131 : memref<128x80xf32, #tpu.memory_space<hbm>>)
      tpu.yield
    }) : () -> ()
    return
  }
}

#map = affine_map<(d0, d1) -> (0, 0)>
#map1 = affine_map<(d0, d1) -> (0)>
#map2 = affine_map<(d0, d1) -> (0, 0, 0)>
#map3 = affine_map<(d0, d1) -> (0, 0, 0, 0)>
module attributes {stable_mosaic.version = 14 : i64} {
  func.func @_sc_edge(%arg0: i32, %arg1: i32, %arg2: memref<10240x64xf32, #tpu.memory_space<hbm>>, %arg3: memref<10240x64xf32, #tpu.memory_space<hbm>>, %arg4: memref<10240xf32, #tpu.memory_space<hbm>>, %arg5: memref<10240xf32, #tpu.memory_space<hbm>>, %arg6: memref<32x80x128xi32, #tpu.memory_space<hbm>>, %arg7: memref<32x80x128xi32, #tpu.memory_space<hbm>>, %arg8: memref<32x80x128xf32, #tpu.memory_space<hbm>>, %arg9: memref<2x2x10240x80xf32, #tpu.memory_space<hbm>>, %arg10: memref<80x128xi32, #tpu.memory_space<vmem>>, %arg11: memref<80x128xi32, #tpu.memory_space<vmem>>, %arg12: memref<80x128xf32, #tpu.memory_space<vmem>>, %arg13: memref<10240xf32, #tpu.memory_space<vmem>>, %arg14: memref<10240xf32, #tpu.memory_space<vmem>>, %arg15: memref<2x128x64xf32, #tpu.memory_space<vmem>>, %arg16: memref<2x8x80xf32, #tpu.memory_space<vmem>>, %arg17: memref<10240x80xf32, #tpu.memory_space<vmem_shared>>, %arg18: memref<!tpu.dma_semaphore, #tpu.memory_space<semaphore_mem>>, %arg19: memref<!tpu.dma_semaphore, #tpu.memory_space<semaphore_mem>>, %arg20: memref<!tpu.dma_semaphore, #tpu.memory_space<semaphore_mem>>, %arg21: memref<!tpu.dma_semaphore, #tpu.memory_space<semaphore_mem>>) attributes {dimension_semantics = [#tpu.dimension_semantics<core_parallel>, #tpu.dimension_semantics<subcore_parallel>], iteration_bounds = array<i64: 2, 16>, scalar_prefetch = 0 : i64, scratch_operands = 12 : i64, tpu.core_type = #tpu.core_type<sc_vector_subcore>, window_params = [{transform_indices = #map}, {transform_indices = #map}, {transform_indices = #map1}, {transform_indices = #map1}, {transform_indices = #map2}, {transform_indices = #map2}, {transform_indices = #map2}, {transform_indices = #map3}]} {
    %mul3A = arith.constant 16 : i32
    %mul3A_0 = arith.muli %arg0, %mul3A : i32
    %add3A = arith.addi %mul3A_0, %arg1 : i32
    "tpu.region"() ({
      %run_scoped3A_108 = tpu.sem_alloc : memref<!tpu.dma_semaphore, #tpu.memory_space<semaphore_mem>>
      %dma_start3A_109 = arith.constant 0 : i32
      %dma_start3A_110 = arith.constant 0 : i32
      %dma_start3A_111 = tpu.memref_slice %arg6[%add3A, %dma_start3A_109, %dma_start3A_110] : memref<32x80x128xi32, #tpu.memory_space<hbm>> -> memref<1x80x128xi32, #tpu.memory_space<hbm>>
      %dma_start3A_112 = tpu.memref_squeeze %dma_start3A_111 : memref<1x80x128xi32, #tpu.memory_space<hbm>> -> memref<80x128xi32, #tpu.memory_space<hbm>>
      %dma_start3A_113 = arith.constant 0 : i32
      %dma_start3A_114 = arith.constant 0 : i32
      %dma_start3A_115 = tpu.memref_slice %arg6[%add3A, %dma_start3A_113, %dma_start3A_114] : memref<32x80x128xi32, #tpu.memory_space<hbm>> -> memref<1x80x128xi32, #tpu.memory_space<hbm>>
      %dma_start3A_116 = tpu.memref_squeeze %dma_start3A_115 : memref<1x80x128xi32, #tpu.memory_space<hbm>> -> memref<80x128xi32, #tpu.memory_space<hbm>>
      tpu.enqueue_dma source(%dma_start3A_116 : memref<80x128xi32, #tpu.memory_space<hbm>>) target(%arg10 : memref<80x128xi32, #tpu.memory_space<vmem>>) target_semaphore(%run_scoped3A_108 : memref<!tpu.dma_semaphore, #tpu.memory_space<semaphore_mem>>)
      %dma_wait3A = arith.constant 0 : i32
      %dma_wait3A_117 = arith.constant 0 : i32
      %dma_wait3A_118 = tpu.memref_slice %arg6[%add3A, %dma_wait3A, %dma_wait3A_117] : memref<32x80x128xi32, #tpu.memory_space<hbm>> -> memref<1x80x128xi32, #tpu.memory_space<hbm>>
      %dma_wait3A_119 = tpu.memref_squeeze %dma_wait3A_118 : memref<1x80x128xi32, #tpu.memory_space<hbm>> -> memref<80x128xi32, #tpu.memory_space<hbm>>
      %dma_wait3A_120 = arith.constant 0 : i32
      %dma_wait3A_121 = arith.constant 0 : i32
      %dma_wait3A_122 = tpu.memref_slice %arg6[%add3A, %dma_wait3A_120, %dma_wait3A_121] : memref<32x80x128xi32, #tpu.memory_space<hbm>> -> memref<1x80x128xi32, #tpu.memory_space<hbm>>
      %dma_wait3A_123 = tpu.memref_squeeze %dma_wait3A_122 : memref<1x80x128xi32, #tpu.memory_space<hbm>> -> memref<80x128xi32, #tpu.memory_space<hbm>>
      tpu.wait_dma2 semaphore(%run_scoped3A_108 : memref<!tpu.dma_semaphore, #tpu.memory_space<semaphore_mem>>) src(%dma_wait3A_123 : memref<80x128xi32, #tpu.memory_space<hbm>>) dst(%arg10 : memref<80x128xi32, #tpu.memory_space<vmem>>)
      tpu.yield
    }) : () -> ()
    "tpu.region"() ({
      %run_scoped3A_108 = tpu.sem_alloc : memref<!tpu.dma_semaphore, #tpu.memory_space<semaphore_mem>>
      %dma_start3A_109 = arith.constant 0 : i32
      %dma_start3A_110 = arith.constant 0 : i32
      %dma_start3A_111 = tpu.memref_slice %arg7[%add3A, %dma_start3A_109, %dma_start3A_110] : memref<32x80x128xi32, #tpu.memory_space<hbm>> -> memref<1x80x128xi32, #tpu.memory_space<hbm>>
      %dma_start3A_112 = tpu.memref_squeeze %dma_start3A_111 : memref<1x80x128xi32, #tpu.memory_space<hbm>> -> memref<80x128xi32, #tpu.memory_space<hbm>>
      %dma_start3A_113 = arith.constant 0 : i32
      %dma_start3A_114 = arith.constant 0 : i32
      %dma_start3A_115 = tpu.memref_slice %arg7[%add3A, %dma_start3A_113, %dma_start3A_114] : memref<32x80x128xi32, #tpu.memory_space<hbm>> -> memref<1x80x128xi32, #tpu.memory_space<hbm>>
      %dma_start3A_116 = tpu.memref_squeeze %dma_start3A_115 : memref<1x80x128xi32, #tpu.memory_space<hbm>> -> memref<80x128xi32, #tpu.memory_space<hbm>>
      tpu.enqueue_dma source(%dma_start3A_116 : memref<80x128xi32, #tpu.memory_space<hbm>>) target(%arg11 : memref<80x128xi32, #tpu.memory_space<vmem>>) target_semaphore(%run_scoped3A_108 : memref<!tpu.dma_semaphore, #tpu.memory_space<semaphore_mem>>)
      %dma_wait3A = arith.constant 0 : i32
      %dma_wait3A_117 = arith.constant 0 : i32
      %dma_wait3A_118 = tpu.memref_slice %arg7[%add3A, %dma_wait3A, %dma_wait3A_117] : memref<32x80x128xi32, #tpu.memory_space<hbm>> -> memref<1x80x128xi32, #tpu.memory_space<hbm>>
      %dma_wait3A_119 = tpu.memref_squeeze %dma_wait3A_118 : memref<1x80x128xi32, #tpu.memory_space<hbm>> -> memref<80x128xi32, #tpu.memory_space<hbm>>
      %dma_wait3A_120 = arith.constant 0 : i32
      %dma_wait3A_121 = arith.constant 0 : i32
      %dma_wait3A_122 = tpu.memref_slice %arg7[%add3A, %dma_wait3A_120, %dma_wait3A_121] : memref<32x80x128xi32, #tpu.memory_space<hbm>> -> memref<1x80x128xi32, #tpu.memory_space<hbm>>
      %dma_wait3A_123 = tpu.memref_squeeze %dma_wait3A_122 : memref<1x80x128xi32, #tpu.memory_space<hbm>> -> memref<80x128xi32, #tpu.memory_space<hbm>>
      tpu.wait_dma2 semaphore(%run_scoped3A_108 : memref<!tpu.dma_semaphore, #tpu.memory_space<semaphore_mem>>) src(%dma_wait3A_123 : memref<80x128xi32, #tpu.memory_space<hbm>>) dst(%arg11 : memref<80x128xi32, #tpu.memory_space<vmem>>)
      tpu.yield
    }) : () -> ()
    "tpu.region"() ({
      %run_scoped3A_108 = tpu.sem_alloc : memref<!tpu.dma_semaphore, #tpu.memory_space<semaphore_mem>>
      %dma_start3A_109 = arith.constant 0 : i32
      %dma_start3A_110 = arith.constant 0 : i32
      %dma_start3A_111 = tpu.memref_slice %arg8[%add3A, %dma_start3A_109, %dma_start3A_110] : memref<32x80x128xf32, #tpu.memory_space<hbm>> -> memref<1x80x128xf32, #tpu.memory_space<hbm>>
      %dma_start3A_112 = tpu.memref_squeeze %dma_start3A_111 : memref<1x80x128xf32, #tpu.memory_space<hbm>> -> memref<80x128xf32, #tpu.memory_space<hbm>>
      %dma_start3A_113 = arith.constant 0 : i32
      %dma_start3A_114 = arith.constant 0 : i32
      %dma_start3A_115 = tpu.memref_slice %arg8[%add3A, %dma_start3A_113, %dma_start3A_114] : memref<32x80x128xf32, #tpu.memory_space<hbm>> -> memref<1x80x128xf32, #tpu.memory_space<hbm>>
      %dma_start3A_116 = tpu.memref_squeeze %dma_start3A_115 : memref<1x80x128xf32, #tpu.memory_space<hbm>> -> memref<80x128xf32, #tpu.memory_space<hbm>>
      tpu.enqueue_dma source(%dma_start3A_116 : memref<80x128xf32, #tpu.memory_space<hbm>>) target(%arg12 : memref<80x128xf32, #tpu.memory_space<vmem>>) target_semaphore(%run_scoped3A_108 : memref<!tpu.dma_semaphore, #tpu.memory_space<semaphore_mem>>)
      %dma_wait3A = arith.constant 0 : i32
      %dma_wait3A_117 = arith.constant 0 : i32
      %dma_wait3A_118 = tpu.memref_slice %arg8[%add3A, %dma_wait3A, %dma_wait3A_117] : memref<32x80x128xf32, #tpu.memory_space<hbm>> -> memref<1x80x128xf32, #tpu.memory_space<hbm>>
      %dma_wait3A_119 = tpu.memref_squeeze %dma_wait3A_118 : memref<1x80x128xf32, #tpu.memory_space<hbm>> -> memref<80x128xf32, #tpu.memory_space<hbm>>
      %dma_wait3A_120 = arith.constant 0 : i32
      %dma_wait3A_121 = arith.constant 0 : i32
      %dma_wait3A_122 = tpu.memref_slice %arg8[%add3A, %dma_wait3A_120, %dma_wait3A_121] : memref<32x80x128xf32, #tpu.memory_space<hbm>> -> memref<1x80x128xf32, #tpu.memory_space<hbm>>
      %dma_wait3A_123 = tpu.memref_squeeze %dma_wait3A_122 : memref<1x80x128xf32, #tpu.memory_space<hbm>> -> memref<80x128xf32, #tpu.memory_space<hbm>>
      tpu.wait_dma2 semaphore(%run_scoped3A_108 : memref<!tpu.dma_semaphore, #tpu.memory_space<semaphore_mem>>) src(%dma_wait3A_123 : memref<80x128xf32, #tpu.memory_space<hbm>>) dst(%arg12 : memref<80x128xf32, #tpu.memory_space<vmem>>)
      tpu.yield
    }) : () -> ()
    "tpu.region"() ({
      %run_scoped3A_108 = tpu.sem_alloc : memref<!tpu.dma_semaphore, #tpu.memory_space<semaphore_mem>>
      tpu.enqueue_dma source(%arg4 : memref<10240xf32, #tpu.memory_space<hbm>>) target(%arg13 : memref<10240xf32, #tpu.memory_space<vmem>>) target_semaphore(%run_scoped3A_108 : memref<!tpu.dma_semaphore, #tpu.memory_space<semaphore_mem>>)
      tpu.wait_dma2 semaphore(%run_scoped3A_108 : memref<!tpu.dma_semaphore, #tpu.memory_space<semaphore_mem>>) src(%arg4 : memref<10240xf32, #tpu.memory_space<hbm>>) dst(%arg13 : memref<10240xf32, #tpu.memory_space<vmem>>)
      tpu.yield
    }) : () -> ()
    "tpu.region"() ({
      %run_scoped3A_108 = tpu.sem_alloc : memref<!tpu.dma_semaphore, #tpu.memory_space<semaphore_mem>>
      tpu.enqueue_dma source(%arg5 : memref<10240xf32, #tpu.memory_space<hbm>>) target(%arg14 : memref<10240xf32, #tpu.memory_space<vmem>>) target_semaphore(%run_scoped3A_108 : memref<!tpu.dma_semaphore, #tpu.memory_space<semaphore_mem>>)
      tpu.wait_dma2 semaphore(%run_scoped3A_108 : memref<!tpu.dma_semaphore, #tpu.memory_space<semaphore_mem>>) src(%arg5 : memref<10240xf32, #tpu.memory_space<hbm>>) dst(%arg14 : memref<10240xf32, #tpu.memory_space<vmem>>)
      tpu.yield
    }) : () -> ()
    %broadcast_in_dim3A = arith.constant 0.000000e+00 : f32
    %broadcast_in_dim3A_1 = vector.broadcast %broadcast_in_dim3A : f32 to vector<16xf32>
    %broadcast_in_dim3A_2 = arith.constant 64 : i32
    %broadcast_in_dim3A_3 = vector.broadcast %broadcast_in_dim3A_2 : i32 to vector<16xi32>
    %iota3A = tpu.iota {dimensions = array<i32: 0>} : vector<16xi32>
    %mul3A_4 = arith.constant 640 : i32
    %mul3A_5 = arith.muli %arg1, %mul3A_4 : i32
    %scan3A = arith.constant 0 : i32
    %scan3A_6 = arith.constant 0 : i32
    %scan3A_7 = arith.constant 8 : i32
    %scan3A_8 = arith.addi %scan3A_6, %scan3A_7 : i32
    %scan3A_9 = arith.constant 1 : i32
    scf.for %scan3A_108 = %scan3A_6 to %scan3A_8 step %scan3A_9  : i32 {
      %swap3A = arith.constant 0 : i32
      %swap3A_109 = arith.index_cast %swap3A : i32 to index
      %swap3A_110 = arith.index_cast %scan3A_108 : i32 to index
      %swap3A_111 = arith.constant 0 : index
      %swap3A_112 = tpu.vector_load %arg16[%swap3A_109, %swap3A_110, %swap3A_111] {strides = array<i32>} : memref<2x8x80xf32, #tpu.memory_space<vmem>>, vector<16xf32>,
      tpu.vector_store %arg16[%swap3A_109, %swap3A_110, %swap3A_111], %broadcast_in_dim3A_1 {strides = array<i32>} : memref<2x8x80xf32, #tpu.memory_space<vmem>>, vector<16xf32>,
      %swap3A_113 = arith.constant 0 : i32
      %swap3A_114 = arith.index_cast %swap3A_113 : i32 to index
      %swap3A_115 = arith.index_cast %scan3A_108 : i32 to index
      %swap3A_116 = arith.constant 16 : index
      %swap3A_117 = tpu.vector_load %arg16[%swap3A_114, %swap3A_115, %swap3A_116] {strides = array<i32>} : memref<2x8x80xf32, #tpu.memory_space<vmem>>, vector<16xf32>,
      tpu.vector_store %arg16[%swap3A_114, %swap3A_115, %swap3A_116], %broadcast_in_dim3A_1 {strides = array<i32>} : memref<2x8x80xf32, #tpu.memory_space<vmem>>, vector<16xf32>,
      %swap3A_118 = arith.constant 0 : i32
      %swap3A_119 = arith.index_cast %swap3A_118 : i32 to index
      %swap3A_120 = arith.index_cast %scan3A_108 : i32 to index
      %swap3A_121 = arith.constant 32 : index
      %swap3A_122 = tpu.vector_load %arg16[%swap3A_119, %swap3A_120, %swap3A_121] {strides = array<i32>} : memref<2x8x80xf32, #tpu.memory_space<vmem>>, vector<16xf32>,
      tpu.vector_store %arg16[%swap3A_119, %swap3A_120, %swap3A_121], %broadcast_in_dim3A_1 {strides = array<i32>} : memref<2x8x80xf32, #tpu.memory_space<vmem>>, vector<16xf32>,
      %swap3A_123 = arith.constant 0 : i32
      %swap3A_124 = arith.index_cast %swap3A_123 : i32 to index
      %swap3A_125 = arith.index_cast %scan3A_108 : i32 to index
      %swap3A_126 = arith.constant 48 : index
      %swap3A_127 = tpu.vector_load %arg16[%swap3A_124, %swap3A_125, %swap3A_126] {strides = array<i32>} : memref<2x8x80xf32, #tpu.memory_space<vmem>>, vector<16xf32>,
      tpu.vector_store %arg16[%swap3A_124, %swap3A_125, %swap3A_126], %broadcast_in_dim3A_1 {strides = array<i32>} : memref<2x8x80xf32, #tpu.memory_space<vmem>>, vector<16xf32>,
      %swap3A_128 = arith.constant 0 : i32
      %swap3A_129 = arith.index_cast %swap3A_128 : i32 to index
      %swap3A_130 = arith.index_cast %scan3A_108 : i32 to index
      %swap3A_131 = arith.constant 64 : index
      %swap3A_132 = tpu.vector_load %arg16[%swap3A_129, %swap3A_130, %swap3A_131] {strides = array<i32>} : memref<2x8x80xf32, #tpu.memory_space<vmem>>, vector<16xf32>,
      tpu.vector_store %arg16[%swap3A_129, %swap3A_130, %swap3A_131], %broadcast_in_dim3A_1 {strides = array<i32>} : memref<2x8x80xf32, #tpu.memory_space<vmem>>, vector<16xf32>,
      %swap3A_133 = arith.constant 1 : i32
      %swap3A_134 = arith.index_cast %swap3A_133 : i32 to index
      %swap3A_135 = arith.index_cast %scan3A_108 : i32 to index
      %swap3A_136 = arith.constant 0 : index
      %swap3A_137 = tpu.vector_load %arg16[%swap3A_134, %swap3A_135, %swap3A_136] {strides = array<i32>} : memref<2x8x80xf32, #tpu.memory_space<vmem>>, vector<16xf32>,
      tpu.vector_store %arg16[%swap3A_134, %swap3A_135, %swap3A_136], %broadcast_in_dim3A_1 {strides = array<i32>} : memref<2x8x80xf32, #tpu.memory_space<vmem>>, vector<16xf32>,
      %swap3A_138 = arith.constant 1 : i32
      %swap3A_139 = arith.index_cast %swap3A_138 : i32 to index
      %swap3A_140 = arith.index_cast %scan3A_108 : i32 to index
      %swap3A_141 = arith.constant 16 : index
      %swap3A_142 = tpu.vector_load %arg16[%swap3A_139, %swap3A_140, %swap3A_141] {strides = array<i32>} : memref<2x8x80xf32, #tpu.memory_space<vmem>>, vector<16xf32>,
      tpu.vector_store %arg16[%swap3A_139, %swap3A_140, %swap3A_141], %broadcast_in_dim3A_1 {strides = array<i32>} : memref<2x8x80xf32, #tpu.memory_space<vmem>>, vector<16xf32>,
      %swap3A_143 = arith.constant 1 : i32
      %swap3A_144 = arith.index_cast %swap3A_143 : i32 to index
      %swap3A_145 = arith.index_cast %scan3A_108 : i32 to index
      %swap3A_146 = arith.constant 32 : index
      %swap3A_147 = tpu.vector_load %arg16[%swap3A_144, %swap3A_145, %swap3A_146] {strides = array<i32>} : memref<2x8x80xf32, #tpu.memory_space<vmem>>, vector<16xf32>,
      tpu.vector_store %arg16[%swap3A_144, %swap3A_145, %swap3A_146], %broadcast_in_dim3A_1 {strides = array<i32>} : memref<2x8x80xf32, #tpu.memory_space<vmem>>, vector<16xf32>,
      %swap3A_148 = arith.constant 1 : i32
      %swap3A_149 = arith.index_cast %swap3A_148 : i32 to index
      %swap3A_150 = arith.index_cast %scan3A_108 : i32 to index
      %swap3A_151 = arith.constant 48 : index
      %swap3A_152 = tpu.vector_load %arg16[%swap3A_149, %swap3A_150, %swap3A_151] {strides = array<i32>} : memref<2x8x80xf32, #tpu.memory_space<vmem>>, vector<16xf32>,
      tpu.vector_store %arg16[%swap3A_149, %swap3A_150, %swap3A_151], %broadcast_in_dim3A_1 {strides = array<i32>} : memref<2x8x80xf32, #tpu.memory_space<vmem>>, vector<16xf32>,
      %swap3A_153 = arith.constant 1 : i32
      %swap3A_154 = arith.index_cast %swap3A_153 : i32 to index
      %swap3A_155 = arith.index_cast %scan3A_108 : i32 to index
      %swap3A_156 = arith.constant 64 : index
      %swap3A_157 = tpu.vector_load %arg16[%swap3A_154, %swap3A_155, %swap3A_156] {strides = array<i32>} : memref<2x8x80xf32, #tpu.memory_space<vmem>>, vector<16xf32>,
      tpu.vector_store %arg16[%swap3A_154, %swap3A_155, %swap3A_156], %broadcast_in_dim3A_1 {strides = array<i32>} : memref<2x8x80xf32, #tpu.memory_space<vmem>>, vector<16xf32>,
    }
    %scan3A_10 = arith.constant 8 : i32
    %barrier3A = arith.constant 0 : index
    tpu.barrier barrier_id(%barrier3A)
    %dma_start3A = arith.constant 0 : i32
    %dma_start3A_11 = arith.constant 0 : i32
    %dma_start3A_12 = arith.constant 0 : i32
    %dma_start3A_13 = arith.constant 0 : i32
    %dma_start3A_14 = tpu.memref_slice %arg15[%dma_start3A_11, %dma_start3A_12, %dma_start3A_13] : memref<2x128x64xf32, #tpu.memory_space<vmem>> -> memref<1x64x64xf32, #tpu.memory_space<vmem>>
    %dma_start3A_15 = tpu.memref_squeeze %dma_start3A_14 : memref<1x64x64xf32, #tpu.memory_space<vmem>> -> memref<64x64xf32, #tpu.memory_space<vmem>>
    %dma_start3A_16 = arith.constant 0 : i32
    %dma_start3A_17 = tpu.memref_slice %arg10[%dma_start3A, %dma_start3A_16] : memref<80x128xi32, #tpu.memory_space<vmem>> -> memref<1x64xi32, #tpu.memory_space<vmem>>
    %dma_start3A_18 = tpu.memref_squeeze %dma_start3A_17 : memref<1x64xi32, #tpu.memory_space<vmem>> -> memref<64xi32, #tpu.memory_space<vmem>>
    %dma_start3A_19 = arith.constant 0 : i32
    %dma_start3A_20 = arith.constant 0 : i32
    %dma_start3A_21 = tpu.memref_slice %arg2[%dma_start3A_19, %dma_start3A_20] : memref<10240x64xf32, #tpu.memory_space<hbm>> -> memref<10240x64xf32, #tpu.memory_space<hbm>>
    tpu.enqueue_indirect_dma source(%dma_start3A_21 : memref<10240x64xf32, #tpu.memory_space<hbm>>) target(%dma_start3A_15 : memref<64x64xf32, #tpu.memory_space<vmem>>) offsets(%dma_start3A_18 : memref<64xi32, #tpu.memory_space<vmem>>) semaphore(%arg18 : memref<!tpu.dma_semaphore, #tpu.memory_space<semaphore_mem>>)
    %dma_start3A_22 = arith.constant 0 : i32
    %dma_start3A_23 = arith.constant 0 : i32
    %dma_start3A_24 = arith.constant 64 : i32
    %dma_start3A_25 = arith.constant 0 : i32
    %dma_start3A_26 = tpu.memref_slice %arg15[%dma_start3A_23, %dma_start3A_24, %dma_start3A_25] : memref<2x128x64xf32, #tpu.memory_space<vmem>> -> memref<1x64x64xf32, #tpu.memory_space<vmem>>
    %dma_start3A_27 = tpu.memref_squeeze %dma_start3A_26 : memref<1x64x64xf32, #tpu.memory_space<vmem>> -> memref<64x64xf32, #tpu.memory_space<vmem>>
    %dma_start3A_28 = arith.constant 64 : i32
    %dma_start3A_29 = tpu.memref_slice %arg10[%dma_start3A_22, %dma_start3A_28] : memref<80x128xi32, #tpu.memory_space<vmem>> -> memref<1x64xi32, #tpu.memory_space<vmem>>
    %dma_start3A_30 = tpu.memref_squeeze %dma_start3A_29 : memref<1x64xi32, #tpu.memory_space<vmem>> -> memref<64xi32, #tpu.memory_space<vmem>>
    %dma_start3A_31 = arith.constant 0 : i32
    %dma_start3A_32 = arith.constant 0 : i32
    %dma_start3A_33 = tpu.memref_slice %arg2[%dma_start3A_31, %dma_start3A_32] : memref<10240x64xf32, #tpu.memory_space<hbm>> -> memref<10240x64xf32, #tpu.memory_space<hbm>>
    tpu.enqueue_indirect_dma source(%dma_start3A_33 : memref<10240x64xf32, #tpu.memory_space<hbm>>) target(%dma_start3A_27 : memref<64x64xf32, #tpu.memory_space<vmem>>) offsets(%dma_start3A_30 : memref<64xi32, #tpu.memory_space<vmem>>) semaphore(%arg20 : memref<!tpu.dma_semaphore, #tpu.memory_space<semaphore_mem>>)
    %scan3A_34 = arith.constant 0 : i32
    %scan3A_35 = arith.constant 0 : i32
    %scan3A_36 = arith.constant 40 : i32
    %scan3A_37 = arith.addi %scan3A_35, %scan3A_36 : i32
    %scan3A_38 = arith.constant 1 : i32
    scf.for %scan3A_108 = %scan3A_35 to %scan3A_37 step %scan3A_38  : i32 {
      %mul3A_109 = arith.constant 2 : i32
      %mul3A_110 = arith.muli %scan3A_108, %mul3A_109 : i32
      %add3A_111 = arith.constant 0 : i32
      %add3A_112 = arith.addi %mul3A_110, %add3A_111 : i32
      %add3A_113 = arith.constant 1 : i32
      %add3A_114 = arith.addi %add3A_112, %add3A_113 : i32
      %lt3A = arith.constant 80 : i32
      %lt3A_115 = arith.cmpi slt, %add3A_114, %lt3A : i32
      %convert_element_type3A = arith.extui %lt3A_115 : i1 to i32
      %cond3A = arith.constant 0 : i32
      %cond3A_116 = arith.cmpi ne, %convert_element_type3A, %cond3A : i32
      scf.if %cond3A_116 {
        %add3A_171 = arith.constant 1 : i32
        %add3A_172 = arith.addi %add3A_112, %add3A_171 : i32
        %dma_start3A_173 = arith.constant 1 : i32
        %dma_start3A_174 = arith.constant 0 : i32
        %dma_start3A_175 = arith.constant 0 : i32
        %dma_start3A_176 = tpu.memref_slice %arg15[%dma_start3A_173, %dma_start3A_174, %dma_start3A_175] : memref<2x128x64xf32, #tpu.memory_space<vmem>> -> memref<1x64x64xf32, #tpu.memory_space<vmem>>
        %dma_start3A_177 = tpu.memref_squeeze %dma_start3A_176 : memref<1x64x64xf32, #tpu.memory_space<vmem>> -> memref<64x64xf32, #tpu.memory_space<vmem>>
        %dma_start3A_178 = arith.constant 0 : i32
        %dma_start3A_179 = tpu.memref_slice %arg10[%add3A_172, %dma_start3A_178] : memref<80x128xi32, #tpu.memory_space<vmem>> -> memref<1x64xi32, #tpu.memory_space<vmem>>
        %dma_start3A_180 = tpu.memref_squeeze %dma_start3A_179 : memref<1x64xi32, #tpu.memory_space<vmem>> -> memref<64xi32, #tpu.memory_space<vmem>>
        %dma_start3A_181 = arith.constant 0 : i32
        %dma_start3A_182 = arith.constant 0 : i32
        %dma_start3A_183 = tpu.memref_slice %arg2[%dma_start3A_181, %dma_start3A_182] : memref<10240x64xf32, #tpu.memory_space<hbm>> -> memref<10240x64xf32, #tpu.memory_space<hbm>>
        tpu.enqueue_indirect_dma source(%dma_start3A_183 : memref<10240x64xf32, #tpu.memory_space<hbm>>) target(%dma_start3A_177 : memref<64x64xf32, #tpu.memory_space<vmem>>) offsets(%dma_start3A_180 : memref<64xi32, #tpu.memory_space<vmem>>) semaphore(%arg19 : memref<!tpu.dma_semaphore, #tpu.memory_space<semaphore_mem>>)
        %add3A_184 = arith.constant 1 : i32
        %add3A_185 = arith.addi %add3A_112, %add3A_184 : i32
        %dma_start3A_186 = arith.constant 1 : i32
        %dma_start3A_187 = arith.constant 64 : i32
        %dma_start3A_188 = arith.constant 0 : i32
        %dma_start3A_189 = tpu.memref_slice %arg15[%dma_start3A_186, %dma_start3A_187, %dma_start3A_188] : memref<2x128x64xf32, #tpu.memory_space<vmem>> -> memref<1x64x64xf32, #tpu.memory_space<vmem>>
        %dma_start3A_190 = tpu.memref_squeeze %dma_start3A_189 : memref<1x64x64xf32, #tpu.memory_space<vmem>> -> memref<64x64xf32, #tpu.memory_space<vmem>>
        %dma_start3A_191 = arith.constant 64 : i32
        %dma_start3A_192 = tpu.memref_slice %arg10[%add3A_185, %dma_start3A_191] : memref<80x128xi32, #tpu.memory_space<vmem>> -> memref<1x64xi32, #tpu.memory_space<vmem>>
        %dma_start3A_193 = tpu.memref_squeeze %dma_start3A_192 : memref<1x64xi32, #tpu.memory_space<vmem>> -> memref<64xi32, #tpu.memory_space<vmem>>
        %dma_start3A_194 = arith.constant 0 : i32
        %dma_start3A_195 = arith.constant 0 : i32
        %dma_start3A_196 = tpu.memref_slice %arg2[%dma_start3A_194, %dma_start3A_195] : memref<10240x64xf32, #tpu.memory_space<hbm>> -> memref<10240x64xf32, #tpu.memory_space<hbm>>
        tpu.enqueue_indirect_dma source(%dma_start3A_196 : memref<10240x64xf32, #tpu.memory_space<hbm>>) target(%dma_start3A_190 : memref<64x64xf32, #tpu.memory_space<vmem>>) offsets(%dma_start3A_193 : memref<64xi32, #tpu.memory_space<vmem>>) semaphore(%arg21 : memref<!tpu.dma_semaphore, #tpu.memory_space<semaphore_mem>>)
      } else {
      }
      %dma_wait3A = arith.constant 0 : i32
      %dma_wait3A_117 = arith.constant 0 : i32
      %dma_wait3A_118 = arith.constant 0 : i32
      %dma_wait3A_119 = tpu.memref_slice %arg15[%dma_wait3A, %dma_wait3A_117, %dma_wait3A_118] : memref<2x128x64xf32, #tpu.memory_space<vmem>> -> memref<1x64x64xf32, #tpu.memory_space<vmem>>
      %dma_wait3A_120 = tpu.memref_squeeze %dma_wait3A_119 : memref<1x64x64xf32, #tpu.memory_space<vmem>> -> memref<64x64xf32, #tpu.memory_space<vmem>>
      %dma_wait3A_121 = arith.constant 0 : i32
      %dma_wait3A_122 = tpu.memref_slice %arg10[%add3A_112, %dma_wait3A_121] : memref<80x128xi32, #tpu.memory_space<vmem>> -> memref<1x64xi32, #tpu.memory_space<vmem>>
      %dma_wait3A_123 = tpu.memref_squeeze %dma_wait3A_122 : memref<1x64xi32, #tpu.memory_space<vmem>> -> memref<64xi32, #tpu.memory_space<vmem>>
      %dma_wait3A_124 = arith.constant 0 : i32
      %dma_wait3A_125 = arith.constant 0 : i32
      %dma_wait3A_126 = tpu.memref_slice %arg2[%dma_wait3A_124, %dma_wait3A_125] : memref<10240x64xf32, #tpu.memory_space<hbm>> -> memref<10240x64xf32, #tpu.memory_space<hbm>>
      tpu.wait_indirect_dma semaphore(%arg18 : memref<!tpu.dma_semaphore, #tpu.memory_space<semaphore_mem>>) src(%dma_wait3A_126 : memref<10240x64xf32, #tpu.memory_space<hbm>>) dst(%dma_wait3A_120 : memref<64x64xf32, #tpu.memory_space<vmem>>)
      %dma_wait3A_127 = arith.constant 0 : i32
      %dma_wait3A_128 = arith.constant 64 : i32
      %dma_wait3A_129 = arith.constant 0 : i32
      %dma_wait3A_130 = tpu.memref_slice %arg15[%dma_wait3A_127, %dma_wait3A_128, %dma_wait3A_129] : memref<2x128x64xf32, #tpu.memory_space<vmem>> -> memref<1x64x64xf32, #tpu.memory_space<vmem>>
      %dma_wait3A_131 = tpu.memref_squeeze %dma_wait3A_130 : memref<1x64x64xf32, #tpu.memory_space<vmem>> -> memref<64x64xf32, #tpu.memory_space<vmem>>
      %dma_wait3A_132 = arith.constant 64 : i32
      %dma_wait3A_133 = tpu.memref_slice %arg10[%add3A_112, %dma_wait3A_132] : memref<80x128xi32, #tpu.memory_space<vmem>> -> memref<1x64xi32, #tpu.memory_space<vmem>>
      %dma_wait3A_134 = tpu.memref_squeeze %dma_wait3A_133 : memref<1x64xi32, #tpu.memory_space<vmem>> -> memref<64xi32, #tpu.memory_space<vmem>>
      %dma_wait3A_135 = arith.constant 0 : i32
      %dma_wait3A_136 = arith.constant 0 : i32
      %dma_wait3A_137 = tpu.memref_slice %arg2[%dma_wait3A_135, %dma_wait3A_136] : memref<10240x64xf32, #tpu.memory_space<hbm>> -> memref<10240x64xf32, #tpu.memory_space<hbm>>
      tpu.wait_indirect_dma semaphore(%arg20 : memref<!tpu.dma_semaphore, #tpu.memory_space<semaphore_mem>>) src(%dma_wait3A_137 : memref<10240x64xf32, #tpu.memory_space<hbm>>) dst(%dma_wait3A_131 : memref<64x64xf32, #tpu.memory_space<vmem>>)
      %mul3A_138 = arith.constant 2 : i32
      %mul3A_139 = arith.muli %scan3A_108, %mul3A_138 : i32
      %add3A_140 = arith.constant 1 : i32
      %add3A_141 = arith.addi %mul3A_139, %add3A_140 : i32
      %add3A_142 = arith.constant 1 : i32
      %add3A_143 = arith.addi %add3A_141, %add3A_142 : i32
      %lt3A_144 = arith.constant 80 : i32
      %lt3A_145 = arith.cmpi slt, %add3A_143, %lt3A_144 : i32
      %convert_element_type3A_146 = arith.extui %lt3A_145 : i1 to i32
      %cond3A_147 = arith.constant 0 : i32
      %cond3A_148 = arith.cmpi ne, %convert_element_type3A_146, %cond3A_147 : i32
      scf.if %cond3A_148 {
        %add3A_171 = arith.constant 1 : i32
        %add3A_172 = arith.addi %add3A_141, %add3A_171 : i32
        %dma_start3A_173 = arith.constant 0 : i32
        %dma_start3A_174 = arith.constant 0 : i32
        %dma_start3A_175 = arith.constant 0 : i32
        %dma_start3A_176 = tpu.memref_slice %arg15[%dma_start3A_173, %dma_start3A_174, %dma_start3A_175] : memref<2x128x64xf32, #tpu.memory_space<vmem>> -> memref<1x64x64xf32, #tpu.memory_space<vmem>>
        %dma_start3A_177 = tpu.memref_squeeze %dma_start3A_176 : memref<1x64x64xf32, #tpu.memory_space<vmem>> -> memref<64x64xf32, #tpu.memory_space<vmem>>
        %dma_start3A_178 = arith.constant 0 : i32
        %dma_start3A_179 = tpu.memref_slice %arg10[%add3A_172, %dma_start3A_178] : memref<80x128xi32, #tpu.memory_space<vmem>> -> memref<1x64xi32, #tpu.memory_space<vmem>>
        %dma_start3A_180 = tpu.memref_squeeze %dma_start3A_179 : memref<1x64xi32, #tpu.memory_space<vmem>> -> memref<64xi32, #tpu.memory_space<vmem>>
        %dma_start3A_181 = arith.constant 0 : i32
        %dma_start3A_182 = arith.constant 0 : i32
        %dma_start3A_183 = tpu.memref_slice %arg2[%dma_start3A_181, %dma_start3A_182] : memref<10240x64xf32, #tpu.memory_space<hbm>> -> memref<10240x64xf32, #tpu.memory_space<hbm>>
        tpu.enqueue_indirect_dma source(%dma_start3A_183 : memref<10240x64xf32, #tpu.memory_space<hbm>>) target(%dma_start3A_177 : memref<64x64xf32, #tpu.memory_space<vmem>>) offsets(%dma_start3A_180 : memref<64xi32, #tpu.memory_space<vmem>>) semaphore(%arg18 : memref<!tpu.dma_semaphore, #tpu.memory_space<semaphore_mem>>)
        %add3A_184 = arith.constant 1 : i32
        %add3A_185 = arith.addi %add3A_141, %add3A_184 : i32
        %dma_start3A_186 = arith.constant 0 : i32
        %dma_start3A_187 = arith.constant 64 : i32
        %dma_start3A_188 = arith.constant 0 : i32
        %dma_start3A_189 = tpu.memref_slice %arg15[%dma_start3A_186, %dma_start3A_187, %dma_start3A_188] : memref<2x128x64xf32, #tpu.memory_space<vmem>> -> memref<1x64x64xf32, #tpu.memory_space<vmem>>
        %dma_start3A_190 = tpu.memref_squeeze %dma_start3A_189 : memref<1x64x64xf32, #tpu.memory_space<vmem>> -> memref<64x64xf32, #tpu.memory_space<vmem>>
        %dma_start3A_191 = arith.constant 64 : i32
        %dma_start3A_192 = tpu.memref_slice %arg10[%add3A_185, %dma_start3A_191] : memref<80x128xi32, #tpu.memory_space<vmem>> -> memref<1x64xi32, #tpu.memory_space<vmem>>
        %dma_start3A_193 = tpu.memref_squeeze %dma_start3A_192 : memref<1x64xi32, #tpu.memory_space<vmem>> -> memref<64xi32, #tpu.memory_space<vmem>>
        %dma_start3A_194 = arith.constant 0 : i32
        %dma_start3A_195 = arith.constant 0 : i32
        %dma_start3A_196 = tpu.memref_slice %arg2[%dma_start3A_194, %dma_start3A_195] : memref<10240x64xf32, #tpu.memory_space<hbm>> -> memref<10240x64xf32, #tpu.memory_space<hbm>>
        tpu.enqueue_indirect_dma source(%dma_start3A_196 : memref<10240x64xf32, #tpu.memory_space<hbm>>) target(%dma_start3A_190 : memref<64x64xf32, #tpu.memory_space<vmem>>) offsets(%dma_start3A_193 : memref<64xi32, #tpu.memory_space<vmem>>) semaphore(%arg20 : memref<!tpu.dma_semaphore, #tpu.memory_space<semaphore_mem>>)
      } else {
      }
      %dma_wait3A_149 = arith.constant 1 : i32
      %dma_wait3A_150 = arith.constant 0 : i32
      %dma_wait3A_151 = arith.constant 0 : i32
      %dma_wait3A_152 = tpu.memref_slice %arg15[%dma_wait3A_149, %dma_wait3A_150, %dma_wait3A_151] : memref<2x128x64xf32, #tpu.memory_space<vmem>> -> memref<1x64x64xf32, #tpu.memory_space<vmem>>
      %dma_wait3A_153 = tpu.memref_squeeze %dma_wait3A_152 : memref<1x64x64xf32, #tpu.memory_space<vmem>> -> memref<64x64xf32, #tpu.memory_space<vmem>>
      %dma_wait3A_154 = arith.constant 0 : i32
      %dma_wait3A_155 = tpu.memref_slice %arg10[%add3A_141, %dma_wait3A_154] : memref<80x128xi32, #tpu.memory_space<vmem>> -> memref<1x64xi32, #tpu.memory_space<vmem>>
      %dma_wait3A_156 = tpu.memref_squeeze %dma_wait3A_155 : memref<1x64xi32, #tpu.memory_space<vmem>> -> memref<64xi32, #tpu.memory_space<vmem>>
      %dma_wait3A_157 = arith.constant 0 : i32
      %dma_wait3A_158 = arith.constant 0 : i32
      %dma_wait3A_159 = tpu.memref_slice %arg2[%dma_wait3A_157, %dma_wait3A_158] : memref<10240x64xf32, #tpu.memory_space<hbm>> -> memref<10240x64xf32, #tpu.memory_space<hbm>>
      tpu.wait_indirect_dma semaphore(%arg19 : memref<!tpu.dma_semaphore, #tpu.memory_space<semaphore_mem>>) src(%dma_wait3A_159 : memref<10240x64xf32, #tpu.memory_space<hbm>>) dst(%dma_wait3A_153 : memref<64x64xf32, #tpu.memory_space<vmem>>)
      %dma_wait3A_160 = arith.constant 1 : i32
      %dma_wait3A_161 = arith.constant 64 : i32
      %dma_wait3A_162 = arith.constant 0 : i32
      %dma_wait3A_163 = tpu.memref_slice %arg15[%dma_wait3A_160, %dma_wait3A_161, %dma_wait3A_162] : memref<2x128x64xf32, #tpu.memory_space<vmem>> -> memref<1x64x64xf32, #tpu.memory_space<vmem>>
      %dma_wait3A_164 = tpu.memref_squeeze %dma_wait3A_163 : memref<1x64x64xf32, #tpu.memory_space<vmem>> -> memref<64x64xf32, #tpu.memory_space<vmem>>
      %dma_wait3A_165 = arith.constant 64 : i32
      %dma_wait3A_166 = tpu.memref_slice %arg10[%add3A_141, %dma_wait3A_165] : memref<80x128xi32, #tpu.memory_space<vmem>> -> memref<1x64xi32, #tpu.memory_space<vmem>>
      %dma_wait3A_167 = tpu.memref_squeeze %dma_wait3A_166 : memref<1x64xi32, #tpu.memory_space<vmem>> -> memref<64xi32, #tpu.memory_space<vmem>>
      %dma_wait3A_168 = arith.constant 0 : i32
      %dma_wait3A_169 = arith.constant 0 : i32
      %dma_wait3A_170 = tpu.memref_slice %arg2[%dma_wait3A_168, %dma_wait3A_169] : memref<10240x64xf32, #tpu.memory_space<hbm>> -> memref<10240x64xf32, #tpu.memory_space<hbm>>
      tpu.wait_indirect_dma semaphore(%arg21 : memref<!tpu.dma_semaphore, #tpu.memory_space<semaphore_mem>>) src(%dma_wait3A_170 : memref<10240x64xf32, #tpu.memory_space<hbm>>) dst(%dma_wait3A_164 : memref<64x64xf32, #tpu.memory_space<vmem>>)
    }
    %scan3A_39 = arith.constant 40 : i32
    %barrier3A_40 = arith.constant 0 : index
    tpu.barrier barrier_id(%barrier3A_40)
    %add3A_41 = arith.constant 0 : i32
    %add3A_42 = arith.addi %mul3A_5, %add3A_41 : i32
    %run_scoped3A = arith.constant 0 : i32
    "tpu.region"() ({
      %run_scoped3A_108 = tpu.sem_alloc : memref<!tpu.dma_semaphore, #tpu.memory_space<semaphore_mem>>
      %dma_start3A_109 = arith.constant 0 : i32
      %dma_start3A_110 = arith.constant 0 : i32
      %dma_start3A_111 = arith.constant 0 : i32
      %dma_start3A_112 = tpu.memref_slice %arg9[%arg0, %dma_start3A_109, %dma_start3A_110, %dma_start3A_111] : memref<2x2x10240x80xf32, #tpu.memory_space<hbm>> -> memref<1x2x10240x80xf32, #tpu.memory_space<hbm>>
      %dma_start3A_113 = tpu.memref_squeeze %dma_start3A_112 : memref<1x2x10240x80xf32, #tpu.memory_space<hbm>> -> memref<2x10240x80xf32, #tpu.memory_space<hbm>>
      %dma_start3A_114 = arith.constant 0 : i32
      %dma_start3A_115 = arith.constant 0 : i32
      %dma_start3A_116 = tpu.memref_slice %dma_start3A_113[%run_scoped3A, %dma_start3A_114, %dma_start3A_115] : memref<2x10240x80xf32, #tpu.memory_space<hbm>> -> memref<1x10240x80xf32, #tpu.memory_space<hbm>>
      %dma_start3A_117 = tpu.memref_squeeze %dma_start3A_116 : memref<1x10240x80xf32, #tpu.memory_space<hbm>> -> memref<10240x80xf32, #tpu.memory_space<hbm>>
      %dma_start3A_118 = arith.constant 0 : i32
      %dma_start3A_119 = tpu.memref_slice %dma_start3A_117[%add3A_42, %dma_start3A_118] : memref<10240x80xf32, #tpu.memory_space<hbm>> -> memref<128x80xf32, #tpu.memory_space<hbm>>
      %dma_start3A_120 = arith.constant 0 : i32
      %dma_start3A_121 = tpu.memref_slice %arg17[%add3A_42, %dma_start3A_120] : memref<10240x80xf32, #tpu.memory_space<vmem_shared>> -> memref<128x80xf32, #tpu.memory_space<vmem_shared>>
      tpu.enqueue_dma source(%dma_start3A_121 : memref<128x80xf32, #tpu.memory_space<vmem_shared>>) target(%dma_start3A_119 : memref<128x80xf32, #tpu.memory_space<hbm>>) target_semaphore(%run_scoped3A_108 : memref<!tpu.dma_semaphore, #tpu.memory_space<semaphore_mem>>)
      %dma_wait3A = arith.constant 0 : i32
      %dma_wait3A_122 = arith.constant 0 : i32
      %dma_wait3A_123 = arith.constant 0 : i32
      %dma_wait3A_124 = tpu.memref_slice %arg9[%arg0, %dma_wait3A, %dma_wait3A_122, %dma_wait3A_123] : memref<2x2x10240x80xf32, #tpu.memory_space<hbm>> -> memref<1x2x10240x80xf32, #tpu.memory_space<hbm>>
      %dma_wait3A_125 = tpu.memref_squeeze %dma_wait3A_124 : memref<1x2x10240x80xf32, #tpu.memory_space<hbm>> -> memref<2x10240x80xf32, #tpu.memory_space<hbm>>
      %dma_wait3A_126 = arith.constant 0 : i32
      %dma_wait3A_127 = arith.constant 0 : i32
      %dma_wait3A_128 = tpu.memref_slice %dma_wait3A_125[%run_scoped3A, %dma_wait3A_126, %dma_wait3A_127] : memref<2x10240x80xf32, #tpu.memory_space<hbm>> -> memref<1x10240x80xf32, #tpu.memory_space<hbm>>
      %dma_wait3A_129 = tpu.memref_squeeze %dma_wait3A_128 : memref<1x10240x80xf32, #tpu.memory_space<hbm>> -> memref<10240x80xf32, #tpu.memory_space<hbm>>
      %dma_wait3A_130 = arith.constant 0 : i32
      %dma_wait3A_131 = tpu.memref_slice %dma_wait3A_129[%add3A_42, %dma_wait3A_130] : memref<10240x80xf32, #tpu.memory_space<hbm>> -> memref<128x80xf32, #tpu.memory_space<hbm>>
      %dma_wait3A_132 = arith.constant 0 : i32
      %dma_wait3A_133 = tpu.memref_slice %arg17[%add3A_42, %dma_wait3A_132] : memref<10240x80xf32, #tpu.memory_space<vmem_shared>> -> memref<128x80xf32, #tpu.memory_space<vmem_shared>>
      tpu.wait_dma2 semaphore(%run_scoped3A_108 : memref<!tpu.dma_semaphore, #tpu.memory_space<semaphore_mem>>) src(%dma_wait3A_133 : memref<128x80xf32, #tpu.memory_space<vmem_shared>>) dst(%dma_wait3A_131 : memref<128x80xf32, #tpu.memory_space<hbm>>)
      tpu.yield
    }) : () -> ()
    %add3A_43 = arith.constant 128 : i32
    %add3A_44 = arith.addi %mul3A_5, %add3A_43 : i32
    %run_scoped3A_45 = arith.constant 0 : i32
    "tpu.region"() ({
      %run_scoped3A_108 = tpu.sem_alloc : memref<!tpu.dma_semaphore, #tpu.memory_space<semaphore_mem>>
      %dma_start3A_109 = arith.constant 0 : i32
      %dma_start3A_110 = arith.constant 0 : i32
      %dma_start3A_111 = arith.constant 0 : i32
      %dma_start3A_112 = tpu.memref_slice %arg9[%arg0, %dma_start3A_109, %dma_start3A_110, %dma_start3A_111] : memref<2x2x10240x80xf32, #tpu.memory_space<hbm>> -> memref<1x2x10240x80xf32, #tpu.memory_space<hbm>>
      %dma_start3A_113 = tpu.memref_squeeze %dma_start3A_112 : memref<1x2x10240x80xf32, #tpu.memory_space<hbm>> -> memref<2x10240x80xf32, #tpu.memory_space<hbm>>
      %dma_start3A_114 = arith.constant 0 : i32
      %dma_start3A_115 = arith.constant 0 : i32
      %dma_start3A_116 = tpu.memref_slice %dma_start3A_113[%run_scoped3A_45, %dma_start3A_114, %dma_start3A_115] : memref<2x10240x80xf32, #tpu.memory_space<hbm>> -> memref<1x10240x80xf32, #tpu.memory_space<hbm>>
      %dma_start3A_117 = tpu.memref_squeeze %dma_start3A_116 : memref<1x10240x80xf32, #tpu.memory_space<hbm>> -> memref<10240x80xf32, #tpu.memory_space<hbm>>
      %dma_start3A_118 = arith.constant 0 : i32
      %dma_start3A_119 = tpu.memref_slice %dma_start3A_117[%add3A_44, %dma_start3A_118] : memref<10240x80xf32, #tpu.memory_space<hbm>> -> memref<128x80xf32, #tpu.memory_space<hbm>>
      %dma_start3A_120 = arith.constant 0 : i32
      %dma_start3A_121 = tpu.memref_slice %arg17[%add3A_44, %dma_start3A_120] : memref<10240x80xf32, #tpu.memory_space<vmem_shared>> -> memref<128x80xf32, #tpu.memory_space<vmem_shared>>
      tpu.enqueue_dma source(%dma_start3A_121 : memref<128x80xf32, #tpu.memory_space<vmem_shared>>) target(%dma_start3A_119 : memref<128x80xf32, #tpu.memory_space<hbm>>) target_semaphore(%run_scoped3A_108 : memref<!tpu.dma_semaphore, #tpu.memory_space<semaphore_mem>>)
      %dma_wait3A = arith.constant 0 : i32
      %dma_wait3A_122 = arith.constant 0 : i32
      %dma_wait3A_123 = arith.constant 0 : i32
      %dma_wait3A_124 = tpu.memref_slice %arg9[%arg0, %dma_wait3A, %dma_wait3A_122, %dma_wait3A_123] : memref<2x2x10240x80xf32, #tpu.memory_space<hbm>> -> memref<1x2x10240x80xf32, #tpu.memory_space<hbm>>
      %dma_wait3A_125 = tpu.memref_squeeze %dma_wait3A_124 : memref<1x2x10240x80xf32, #tpu.memory_space<hbm>> -> memref<2x10240x80xf32, #tpu.memory_space<hbm>>
      %dma_wait3A_126 = arith.constant 0 : i32
      %dma_wait3A_127 = arith.constant 0 : i32
      %dma_wait3A_128 = tpu.memref_slice %dma_wait3A_125[%run_scoped3A_45, %dma_wait3A_126, %dma_wait3A_127] : memref<2x10240x80xf32, #tpu.memory_space<hbm>> -> memref<1x10240x80xf32, #tpu.memory_space<hbm>>
      %dma_wait3A_129 = tpu.memref_squeeze %dma_wait3A_128 : memref<1x10240x80xf32, #tpu.memory_space<hbm>> -> memref<10240x80xf32, #tpu.memory_space<hbm>>
      %dma_wait3A_130 = arith.constant 0 : i32
      %dma_wait3A_131 = tpu.memref_slice %dma_wait3A_129[%add3A_44, %dma_wait3A_130] : memref<10240x80xf32, #tpu.memory_space<hbm>> -> memref<128x80xf32, #tpu.memory_space<hbm>>
      %dma_wait3A_132 = arith.constant 0 : i32
      %dma_wait3A_133 = tpu.memref_slice %arg17[%add3A_44, %dma_wait3A_132] : memref<10240x80xf32, #tpu.memory_space<vmem_shared>> -> memref<128x80xf32, #tpu.memory_space<vmem_shared>>
      tpu.wait_dma2 semaphore(%run_scoped3A_108 : memref<!tpu.dma_semaphore, #tpu.memory_space<semaphore_mem>>) src(%dma_wait3A_133 : memref<128x80xf32, #tpu.memory_space<vmem_shared>>) dst(%dma_wait3A_131 : memref<128x80xf32, #tpu.memory_space<hbm>>)
      tpu.yield
    }) : () -> ()
    %add3A_46 = arith.constant 256 : i32
    %add3A_47 = arith.addi %mul3A_5, %add3A_46 : i32
    %run_scoped3A_48 = arith.constant 0 : i32
    "tpu.region"() ({
      %run_scoped3A_108 = tpu.sem_alloc : memref<!tpu.dma_semaphore, #tpu.memory_space<semaphore_mem>>
      %dma_start3A_109 = arith.constant 0 : i32
      %dma_start3A_110 = arith.constant 0 : i32
      %dma_start3A_111 = arith.constant 0 : i32
      %dma_start3A_112 = tpu.memref_slice %arg9[%arg0, %dma_start3A_109, %dma_start3A_110, %dma_start3A_111] : memref<2x2x10240x80xf32, #tpu.memory_space<hbm>> -> memref<1x2x10240x80xf32, #tpu.memory_space<hbm>>
      %dma_start3A_113 = tpu.memref_squeeze %dma_start3A_112 : memref<1x2x10240x80xf32, #tpu.memory_space<hbm>> -> memref<2x10240x80xf32, #tpu.memory_space<hbm>>
      %dma_start3A_114 = arith.constant 0 : i32
      %dma_start3A_115 = arith.constant 0 : i32
      %dma_start3A_116 = tpu.memref_slice %dma_start3A_113[%run_scoped3A_48, %dma_start3A_114, %dma_start3A_115] : memref<2x10240x80xf32, #tpu.memory_space<hbm>> -> memref<1x10240x80xf32, #tpu.memory_space<hbm>>
      %dma_start3A_117 = tpu.memref_squeeze %dma_start3A_116 : memref<1x10240x80xf32, #tpu.memory_space<hbm>> -> memref<10240x80xf32, #tpu.memory_space<hbm>>
      %dma_start3A_118 = arith.constant 0 : i32
      %dma_start3A_119 = tpu.memref_slice %dma_start3A_117[%add3A_47, %dma_start3A_118] : memref<10240x80xf32, #tpu.memory_space<hbm>> -> memref<128x80xf32, #tpu.memory_space<hbm>>
      %dma_start3A_120 = arith.constant 0 : i32
      %dma_start3A_121 = tpu.memref_slice %arg17[%add3A_47, %dma_start3A_120] : memref<10240x80xf32, #tpu.memory_space<vmem_shared>> -> memref<128x80xf32, #tpu.memory_space<vmem_shared>>
      tpu.enqueue_dma source(%dma_start3A_121 : memref<128x80xf32, #tpu.memory_space<vmem_shared>>) target(%dma_start3A_119 : memref<128x80xf32, #tpu.memory_space<hbm>>) target_semaphore(%run_scoped3A_108 : memref<!tpu.dma_semaphore, #tpu.memory_space<semaphore_mem>>)
      %dma_wait3A = arith.constant 0 : i32
      %dma_wait3A_122 = arith.constant 0 : i32
      %dma_wait3A_123 = arith.constant 0 : i32
      %dma_wait3A_124 = tpu.memref_slice %arg9[%arg0, %dma_wait3A, %dma_wait3A_122, %dma_wait3A_123] : memref<2x2x10240x80xf32, #tpu.memory_space<hbm>> -> memref<1x2x10240x80xf32, #tpu.memory_space<hbm>>
      %dma_wait3A_125 = tpu.memref_squeeze %dma_wait3A_124 : memref<1x2x10240x80xf32, #tpu.memory_space<hbm>> -> memref<2x10240x80xf32, #tpu.memory_space<hbm>>
      %dma_wait3A_126 = arith.constant 0 : i32
      %dma_wait3A_127 = arith.constant 0 : i32
      %dma_wait3A_128 = tpu.memref_slice %dma_wait3A_125[%run_scoped3A_48, %dma_wait3A_126, %dma_wait3A_127] : memref<2x10240x80xf32, #tpu.memory_space<hbm>> -> memref<1x10240x80xf32, #tpu.memory_space<hbm>>
      %dma_wait3A_129 = tpu.memref_squeeze %dma_wait3A_128 : memref<1x10240x80xf32, #tpu.memory_space<hbm>> -> memref<10240x80xf32, #tpu.memory_space<hbm>>
      %dma_wait3A_130 = arith.constant 0 : i32
      %dma_wait3A_131 = tpu.memref_slice %dma_wait3A_129[%add3A_47, %dma_wait3A_130] : memref<10240x80xf32, #tpu.memory_space<hbm>> -> memref<128x80xf32, #tpu.memory_space<hbm>>
      %dma_wait3A_132 = arith.constant 0 : i32
      %dma_wait3A_133 = tpu.memref_slice %arg17[%add3A_47, %dma_wait3A_132] : memref<10240x80xf32, #tpu.memory_space<vmem_shared>> -> memref<128x80xf32, #tpu.memory_space<vmem_shared>>
      tpu.wait_dma2 semaphore(%run_scoped3A_108 : memref<!tpu.dma_semaphore, #tpu.memory_space<semaphore_mem>>) src(%dma_wait3A_133 : memref<128x80xf32, #tpu.memory_space<vmem_shared>>) dst(%dma_wait3A_131 : memref<128x80xf32, #tpu.memory_space<hbm>>)
      tpu.yield
    }) : () -> ()
    %add3A_49 = arith.constant 384 : i32
    %add3A_50 = arith.addi %mul3A_5, %add3A_49 : i32
    %run_scoped3A_51 = arith.constant 0 : i32
    "tpu.region"() ({
      %run_scoped3A_108 = tpu.sem_alloc : memref<!tpu.dma_semaphore, #tpu.memory_space<semaphore_mem>>
      %dma_start3A_109 = arith.constant 0 : i32
      %dma_start3A_110 = arith.constant 0 : i32
      %dma_start3A_111 = arith.constant 0 : i32
      %dma_start3A_112 = tpu.memref_slice %arg9[%arg0, %dma_start3A_109, %dma_start3A_110, %dma_start3A_111] : memref<2x2x10240x80xf32, #tpu.memory_space<hbm>> -> memref<1x2x10240x80xf32, #tpu.memory_space<hbm>>
      %dma_start3A_113 = tpu.memref_squeeze %dma_start3A_112 : memref<1x2x10240x80xf32, #tpu.memory_space<hbm>> -> memref<2x10240x80xf32, #tpu.memory_space<hbm>>
      %dma_start3A_114 = arith.constant 0 : i32
      %dma_start3A_115 = arith.constant 0 : i32
      %dma_start3A_116 = tpu.memref_slice %dma_start3A_113[%run_scoped3A_51, %dma_start3A_114, %dma_start3A_115] : memref<2x10240x80xf32, #tpu.memory_space<hbm>> -> memref<1x10240x80xf32, #tpu.memory_space<hbm>>
      %dma_start3A_117 = tpu.memref_squeeze %dma_start3A_116 : memref<1x10240x80xf32, #tpu.memory_space<hbm>> -> memref<10240x80xf32, #tpu.memory_space<hbm>>
      %dma_start3A_118 = arith.constant 0 : i32
      %dma_start3A_119 = tpu.memref_slice %dma_start3A_117[%add3A_50, %dma_start3A_118] : memref<10240x80xf32, #tpu.memory_space<hbm>> -> memref<128x80xf32, #tpu.memory_space<hbm>>
      %dma_start3A_120 = arith.constant 0 : i32
      %dma_start3A_121 = tpu.memref_slice %arg17[%add3A_50, %dma_start3A_120] : memref<10240x80xf32, #tpu.memory_space<vmem_shared>> -> memref<128x80xf32, #tpu.memory_space<vmem_shared>>
      tpu.enqueue_dma source(%dma_start3A_121 : memref<128x80xf32, #tpu.memory_space<vmem_shared>>) target(%dma_start3A_119 : memref<128x80xf32, #tpu.memory_space<hbm>>) target_semaphore(%run_scoped3A_108 : memref<!tpu.dma_semaphore, #tpu.memory_space<semaphore_mem>>)
      %dma_wait3A = arith.constant 0 : i32
      %dma_wait3A_122 = arith.constant 0 : i32
      %dma_wait3A_123 = arith.constant 0 : i32
      %dma_wait3A_124 = tpu.memref_slice %arg9[%arg0, %dma_wait3A, %dma_wait3A_122, %dma_wait3A_123] : memref<2x2x10240x80xf32, #tpu.memory_space<hbm>> -> memref<1x2x10240x80xf32, #tpu.memory_space<hbm>>
      %dma_wait3A_125 = tpu.memref_squeeze %dma_wait3A_124 : memref<1x2x10240x80xf32, #tpu.memory_space<hbm>> -> memref<2x10240x80xf32, #tpu.memory_space<hbm>>
      %dma_wait3A_126 = arith.constant 0 : i32
      %dma_wait3A_127 = arith.constant 0 : i32
      %dma_wait3A_128 = tpu.memref_slice %dma_wait3A_125[%run_scoped3A_51, %dma_wait3A_126, %dma_wait3A_127] : memref<2x10240x80xf32, #tpu.memory_space<hbm>> -> memref<1x10240x80xf32, #tpu.memory_space<hbm>>
      %dma_wait3A_129 = tpu.memref_squeeze %dma_wait3A_128 : memref<1x10240x80xf32, #tpu.memory_space<hbm>> -> memref<10240x80xf32, #tpu.memory_space<hbm>>
      %dma_wait3A_130 = arith.constant 0 : i32
      %dma_wait3A_131 = tpu.memref_slice %dma_wait3A_129[%add3A_50, %dma_wait3A_130] : memref<10240x80xf32, #tpu.memory_space<hbm>> -> memref<128x80xf32, #tpu.memory_space<hbm>>
      %dma_wait3A_132 = arith.constant 0 : i32
      %dma_wait3A_133 = tpu.memref_slice %arg17[%add3A_50, %dma_wait3A_132] : memref<10240x80xf32, #tpu.memory_space<vmem_shared>> -> memref<128x80xf32, #tpu.memory_space<vmem_shared>>
      tpu.wait_dma2 semaphore(%run_scoped3A_108 : memref<!tpu.dma_semaphore, #tpu.memory_space<semaphore_mem>>) src(%dma_wait3A_133 : memref<128x80xf32, #tpu.memory_space<vmem_shared>>) dst(%dma_wait3A_131 : memref<128x80xf32, #tpu.memory_space<hbm>>)
      tpu.yield
    }) : () -> ()
    %add3A_52 = arith.constant 512 : i32
    %add3A_53 = arith.addi %mul3A_5, %add3A_52 : i32
    %run_scoped3A_54 = arith.constant 0 : i32
    "tpu.region"() ({
      %run_scoped3A_108 = tpu.sem_alloc : memref<!tpu.dma_semaphore, #tpu.memory_space<semaphore_mem>>
      %dma_start3A_109 = arith.constant 0 : i32
      %dma_start3A_110 = arith.constant 0 : i32
      %dma_start3A_111 = arith.constant 0 : i32
      %dma_start3A_112 = tpu.memref_slice %arg9[%arg0, %dma_start3A_109, %dma_start3A_110, %dma_start3A_111] : memref<2x2x10240x80xf32, #tpu.memory_space<hbm>> -> memref<1x2x10240x80xf32, #tpu.memory_space<hbm>>
      %dma_start3A_113 = tpu.memref_squeeze %dma_start3A_112 : memref<1x2x10240x80xf32, #tpu.memory_space<hbm>> -> memref<2x10240x80xf32, #tpu.memory_space<hbm>>
      %dma_start3A_114 = arith.constant 0 : i32
      %dma_start3A_115 = arith.constant 0 : i32
      %dma_start3A_116 = tpu.memref_slice %dma_start3A_113[%run_scoped3A_54, %dma_start3A_114, %dma_start3A_115] : memref<2x10240x80xf32, #tpu.memory_space<hbm>> -> memref<1x10240x80xf32, #tpu.memory_space<hbm>>
      %dma_start3A_117 = tpu.memref_squeeze %dma_start3A_116 : memref<1x10240x80xf32, #tpu.memory_space<hbm>> -> memref<10240x80xf32, #tpu.memory_space<hbm>>
      %dma_start3A_118 = arith.constant 0 : i32
      %dma_start3A_119 = tpu.memref_slice %dma_start3A_117[%add3A_53, %dma_start3A_118] : memref<10240x80xf32, #tpu.memory_space<hbm>> -> memref<128x80xf32, #tpu.memory_space<hbm>>
      %dma_start3A_120 = arith.constant 0 : i32
      %dma_start3A_121 = tpu.memref_slice %arg17[%add3A_53, %dma_start3A_120] : memref<10240x80xf32, #tpu.memory_space<vmem_shared>> -> memref<128x80xf32, #tpu.memory_space<vmem_shared>>
      tpu.enqueue_dma source(%dma_start3A_121 : memref<128x80xf32, #tpu.memory_space<vmem_shared>>) target(%dma_start3A_119 : memref<128x80xf32, #tpu.memory_space<hbm>>) target_semaphore(%run_scoped3A_108 : memref<!tpu.dma_semaphore, #tpu.memory_space<semaphore_mem>>)
      %dma_wait3A = arith.constant 0 : i32
      %dma_wait3A_122 = arith.constant 0 : i32
      %dma_wait3A_123 = arith.constant 0 : i32
      %dma_wait3A_124 = tpu.memref_slice %arg9[%arg0, %dma_wait3A, %dma_wait3A_122, %dma_wait3A_123] : memref<2x2x10240x80xf32, #tpu.memory_space<hbm>> -> memref<1x2x10240x80xf32, #tpu.memory_space<hbm>>
      %dma_wait3A_125 = tpu.memref_squeeze %dma_wait3A_124 : memref<1x2x10240x80xf32, #tpu.memory_space<hbm>> -> memref<2x10240x80xf32, #tpu.memory_space<hbm>>
      %dma_wait3A_126 = arith.constant 0 : i32
      %dma_wait3A_127 = arith.constant 0 : i32
      %dma_wait3A_128 = tpu.memref_slice %dma_wait3A_125[%run_scoped3A_54, %dma_wait3A_126, %dma_wait3A_127] : memref<2x10240x80xf32, #tpu.memory_space<hbm>> -> memref<1x10240x80xf32, #tpu.memory_space<hbm>>
      %dma_wait3A_129 = tpu.memref_squeeze %dma_wait3A_128 : memref<1x10240x80xf32, #tpu.memory_space<hbm>> -> memref<10240x80xf32, #tpu.memory_space<hbm>>
      %dma_wait3A_130 = arith.constant 0 : i32
      %dma_wait3A_131 = tpu.memref_slice %dma_wait3A_129[%add3A_53, %dma_wait3A_130] : memref<10240x80xf32, #tpu.memory_space<hbm>> -> memref<128x80xf32, #tpu.memory_space<hbm>>
      %dma_wait3A_132 = arith.constant 0 : i32
      %dma_wait3A_133 = tpu.memref_slice %arg17[%add3A_53, %dma_wait3A_132] : memref<10240x80xf32, #tpu.memory_space<vmem_shared>> -> memref<128x80xf32, #tpu.memory_space<vmem_shared>>
      tpu.wait_dma2 semaphore(%run_scoped3A_108 : memref<!tpu.dma_semaphore, #tpu.memory_space<semaphore_mem>>) src(%dma_wait3A_133 : memref<128x80xf32, #tpu.memory_space<vmem_shared>>) dst(%dma_wait3A_131 : memref<128x80xf32, #tpu.memory_space<hbm>>)
      tpu.yield
    }) : () -> ()
    %scan3A_55 = arith.constant 0 : i32
    %scan3A_56 = arith.constant 0 : i32
    %scan3A_57 = arith.constant 8 : i32
    %scan3A_58 = arith.addi %scan3A_56, %scan3A_57 : i32
    %scan3A_59 = arith.constant 1 : i32
    scf.for %scan3A_108 = %scan3A_56 to %scan3A_58 step %scan3A_59  : i32 {
      %swap3A = arith.constant 0 : i32
      %swap3A_109 = arith.index_cast %swap3A : i32 to index
      %swap3A_110 = arith.index_cast %scan3A_108 : i32 to index
      %swap3A_111 = arith.constant 0 : index
      %swap3A_112 = tpu.vector_load %arg16[%swap3A_109, %swap3A_110, %swap3A_111] {strides = array<i32>} : memref<2x8x80xf32, #tpu.memory_space<vmem>>, vector<16xf32>,
      tpu.vector_store %arg16[%swap3A_109, %swap3A_110, %swap3A_111], %broadcast_in_dim3A_1 {strides = array<i32>} : memref<2x8x80xf32, #tpu.memory_space<vmem>>, vector<16xf32>,
      %swap3A_113 = arith.constant 0 : i32
      %swap3A_114 = arith.index_cast %swap3A_113 : i32 to index
      %swap3A_115 = arith.index_cast %scan3A_108 : i32 to index
      %swap3A_116 = arith.constant 16 : index
      %swap3A_117 = tpu.vector_load %arg16[%swap3A_114, %swap3A_115, %swap3A_116] {strides = array<i32>} : memref<2x8x80xf32, #tpu.memory_space<vmem>>, vector<16xf32>,
      tpu.vector_store %arg16[%swap3A_114, %swap3A_115, %swap3A_116], %broadcast_in_dim3A_1 {strides = array<i32>} : memref<2x8x80xf32, #tpu.memory_space<vmem>>, vector<16xf32>,
      %swap3A_118 = arith.constant 0 : i32
      %swap3A_119 = arith.index_cast %swap3A_118 : i32 to index
      %swap3A_120 = arith.index_cast %scan3A_108 : i32 to index
      %swap3A_121 = arith.constant 32 : index
      %swap3A_122 = tpu.vector_load %arg16[%swap3A_119, %swap3A_120, %swap3A_121] {strides = array<i32>} : memref<2x8x80xf32, #tpu.memory_space<vmem>>, vector<16xf32>,
      tpu.vector_store %arg16[%swap3A_119, %swap3A_120, %swap3A_121], %broadcast_in_dim3A_1 {strides = array<i32>} : memref<2x8x80xf32, #tpu.memory_space<vmem>>, vector<16xf32>,
      %swap3A_123 = arith.constant 0 : i32
      %swap3A_124 = arith.index_cast %swap3A_123 : i32 to index
      %swap3A_125 = arith.index_cast %scan3A_108 : i32 to index
      %swap3A_126 = arith.constant 48 : index
      %swap3A_127 = tpu.vector_load %arg16[%swap3A_124, %swap3A_125, %swap3A_126] {strides = array<i32>} : memref<2x8x80xf32, #tpu.memory_space<vmem>>, vector<16xf32>,
      tpu.vector_store %arg16[%swap3A_124, %swap3A_125, %swap3A_126], %broadcast_in_dim3A_1 {strides = array<i32>} : memref<2x8x80xf32, #tpu.memory_space<vmem>>, vector<16xf32>,
      %swap3A_128 = arith.constant 0 : i32
      %swap3A_129 = arith.index_cast %swap3A_128 : i32 to index
      %swap3A_130 = arith.index_cast %scan3A_108 : i32 to index
      %swap3A_131 = arith.constant 64 : index
      %swap3A_132 = tpu.vector_load %arg16[%swap3A_129, %swap3A_130, %swap3A_131] {strides = array<i32>} : memref<2x8x80xf32, #tpu.memory_space<vmem>>, vector<16xf32>,
      tpu.vector_store %arg16[%swap3A_129, %swap3A_130, %swap3A_131], %broadcast_in_dim3A_1 {strides = array<i32>} : memref<2x8x80xf32, #tpu.memory_space<vmem>>, vector<16xf32>,
      %swap3A_133 = arith.constant 1 : i32
      %swap3A_134 = arith.index_cast %swap3A_133 : i32 to index
      %swap3A_135 = arith.index_cast %scan3A_108 : i32 to index
      %swap3A_136 = arith.constant 0 : index
      %swap3A_137 = tpu.vector_load %arg16[%swap3A_134, %swap3A_135, %swap3A_136] {strides = array<i32>} : memref<2x8x80xf32, #tpu.memory_space<vmem>>, vector<16xf32>,
      tpu.vector_store %arg16[%swap3A_134, %swap3A_135, %swap3A_136], %broadcast_in_dim3A_1 {strides = array<i32>} : memref<2x8x80xf32, #tpu.memory_space<vmem>>, vector<16xf32>,
      %swap3A_138 = arith.constant 1 : i32
      %swap3A_139 = arith.index_cast %swap3A_138 : i32 to index
      %swap3A_140 = arith.index_cast %scan3A_108 : i32 to index
      %swap3A_141 = arith.constant 16 : index
      %swap3A_142 = tpu.vector_load %arg16[%swap3A_139, %swap3A_140, %swap3A_141] {strides = array<i32>} : memref<2x8x80xf32, #tpu.memory_space<vmem>>, vector<16xf32>,
      tpu.vector_store %arg16[%swap3A_139, %swap3A_140, %swap3A_141], %broadcast_in_dim3A_1 {strides = array<i32>} : memref<2x8x80xf32, #tpu.memory_space<vmem>>, vector<16xf32>,
      %swap3A_143 = arith.constant 1 : i32
      %swap3A_144 = arith.index_cast %swap3A_143 : i32 to index
      %swap3A_145 = arith.index_cast %scan3A_108 : i32 to index
      %swap3A_146 = arith.constant 32 : index
      %swap3A_147 = tpu.vector_load %arg16[%swap3A_144, %swap3A_145, %swap3A_146] {strides = array<i32>} : memref<2x8x80xf32, #tpu.memory_space<vmem>>, vector<16xf32>,
      tpu.vector_store %arg16[%swap3A_144, %swap3A_145, %swap3A_146], %broadcast_in_dim3A_1 {strides = array<i32>} : memref<2x8x80xf32, #tpu.memory_space<vmem>>, vector<16xf32>,
      %swap3A_148 = arith.constant 1 : i32
      %swap3A_149 = arith.index_cast %swap3A_148 : i32 to index
      %swap3A_150 = arith.index_cast %scan3A_108 : i32 to index
      %swap3A_151 = arith.constant 48 : index
      %swap3A_152 = tpu.vector_load %arg16[%swap3A_149, %swap3A_150, %swap3A_151] {strides = array<i32>} : memref<2x8x80xf32, #tpu.memory_space<vmem>>, vector<16xf32>,
      tpu.vector_store %arg16[%swap3A_149, %swap3A_150, %swap3A_151], %broadcast_in_dim3A_1 {strides = array<i32>} : memref<2x8x80xf32, #tpu.memory_space<vmem>>, vector<16xf32>,
      %swap3A_153 = arith.constant 1 : i32
      %swap3A_154 = arith.index_cast %swap3A_153 : i32 to index
      %swap3A_155 = arith.index_cast %scan3A_108 : i32 to index
      %swap3A_156 = arith.constant 64 : index
      %swap3A_157 = tpu.vector_load %arg16[%swap3A_154, %swap3A_155, %swap3A_156] {strides = array<i32>} : memref<2x8x80xf32, #tpu.memory_space<vmem>>, vector<16xf32>,
      tpu.vector_store %arg16[%swap3A_154, %swap3A_155, %swap3A_156], %broadcast_in_dim3A_1 {strides = array<i32>} : memref<2x8x80xf32, #tpu.memory_space<vmem>>, vector<16xf32>,
    }
    %scan3A_60 = arith.constant 8 : i32
    %barrier3A_61 = arith.constant 0 : index
    tpu.barrier barrier_id(%barrier3A_61)
    %dma_start3A_62 = arith.constant 0 : i32
    %dma_start3A_63 = arith.constant 0 : i32
    %dma_start3A_64 = arith.constant 0 : i32
    %dma_start3A_65 = arith.constant 0 : i32
    %dma_start3A_66 = tpu.memref_slice %arg15[%dma_start3A_63, %dma_start3A_64, %dma_start3A_65] : memref<2x128x64xf32, #tpu.memory_space<vmem>> -> memref<1x64x64xf32, #tpu.memory_space<vmem>>
    %dma_start3A_67 = tpu.memref_squeeze %dma_start3A_66 : memref<1x64x64xf32, #tpu.memory_space<vmem>> -> memref<64x64xf32, #tpu.memory_space<vmem>>
    %dma_start3A_68 = arith.constant 0 : i32
    %dma_start3A_69 = tpu.memref_slice %arg10[%dma_start3A_62, %dma_start3A_68] : memref<80x128xi32, #tpu.memory_space<vmem>> -> memref<1x64xi32, #tpu.memory_space<vmem>>
    %dma_start3A_70 = tpu.memref_squeeze %dma_start3A_69 : memref<1x64xi32, #tpu.memory_space<vmem>> -> memref<64xi32, #tpu.memory_space<vmem>>
    %dma_start3A_71 = arith.constant 0 : i32
    %dma_start3A_72 = arith.constant 0 : i32
    %dma_start3A_73 = tpu.memref_slice %arg3[%dma_start3A_71, %dma_start3A_72] : memref<10240x64xf32, #tpu.memory_space<hbm>> -> memref<10240x64xf32, #tpu.memory_space<hbm>>
    tpu.enqueue_indirect_dma source(%dma_start3A_73 : memref<10240x64xf32, #tpu.memory_space<hbm>>) target(%dma_start3A_67 : memref<64x64xf32, #tpu.memory_space<vmem>>) offsets(%dma_start3A_70 : memref<64xi32, #tpu.memory_space<vmem>>) semaphore(%arg18 : memref<!tpu.dma_semaphore, #tpu.memory_space<semaphore_mem>>)
    %dma_start3A_74 = arith.constant 0 : i32
    %dma_start3A_75 = arith.constant 0 : i32
    %dma_start3A_76 = arith.constant 64 : i32
    %dma_start3A_77 = arith.constant 0 : i32
    %dma_start3A_78 = tpu.memref_slice %arg15[%dma_start3A_75, %dma_start3A_76, %dma_start3A_77] : memref<2x128x64xf32, #tpu.memory_space<vmem>> -> memref<1x64x64xf32, #tpu.memory_space<vmem>>
    %dma_start3A_79 = tpu.memref_squeeze %dma_start3A_78 : memref<1x64x64xf32, #tpu.memory_space<vmem>> -> memref<64x64xf32, #tpu.memory_space<vmem>>
    %dma_start3A_80 = arith.constant 64 : i32
    %dma_start3A_81 = tpu.memref_slice %arg10[%dma_start3A_74, %dma_start3A_80] : memref<80x128xi32, #tpu.memory_space<vmem>> -> memref<1x64xi32, #tpu.memory_space<vmem>>
    %dma_start3A_82 = tpu.memref_squeeze %dma_start3A_81 : memref<1x64xi32, #tpu.memory_space<vmem>> -> memref<64xi32, #tpu.memory_space<vmem>>
    %dma_start3A_83 = arith.constant 0 : i32
    %dma_start3A_84 = arith.constant 0 : i32
    %dma_start3A_85 = tpu.memref_slice %arg3[%dma_start3A_83, %dma_start3A_84] : memref<10240x64xf32, #tpu.memory_space<hbm>> -> memref<10240x64xf32, #tpu.memory_space<hbm>>
    tpu.enqueue_indirect_dma source(%dma_start3A_85 : memref<10240x64xf32, #tpu.memory_space<hbm>>) target(%dma_start3A_79 : memref<64x64xf32, #tpu.memory_space<vmem>>) offsets(%dma_start3A_82 : memref<64xi32, #tpu.memory_space<vmem>>) semaphore(%arg20 : memref<!tpu.dma_semaphore, #tpu.memory_space<semaphore_mem>>)
    %scan3A_86 = arith.constant 0 : i32
    %scan3A_87 = arith.constant 0 : i32
    %scan3A_88 = arith.constant 40 : i32
    %scan3A_89 = arith.addi %scan3A_87, %scan3A_88 : i32
    %scan3A_90 = arith.constant 1 : i32
    scf.for %scan3A_108 = %scan3A_87 to %scan3A_89 step %scan3A_90  : i32 {
      %mul3A_109 = arith.constant 2 : i32
      %mul3A_110 = arith.muli %scan3A_108, %mul3A_109 : i32
      %add3A_111 = arith.constant 0 : i32
      %add3A_112 = arith.addi %mul3A_110, %add3A_111 : i32
      %add3A_113 = arith.constant 1 : i32
      %add3A_114 = arith.addi %add3A_112, %add3A_113 : i32
      %lt3A = arith.constant 80 : i32
      %lt3A_115 = arith.cmpi slt, %add3A_114, %lt3A : i32
      %convert_element_type3A = arith.extui %lt3A_115 : i1 to i32
      %cond3A = arith.constant 0 : i32
      %cond3A_116 = arith.cmpi ne, %convert_element_type3A, %cond3A : i32
      scf.if %cond3A_116 {
        %add3A_171 = arith.constant 1 : i32
        %add3A_172 = arith.addi %add3A_112, %add3A_171 : i32
        %dma_start3A_173 = arith.constant 1 : i32
        %dma_start3A_174 = arith.constant 0 : i32
        %dma_start3A_175 = arith.constant 0 : i32
        %dma_start3A_176 = tpu.memref_slice %arg15[%dma_start3A_173, %dma_start3A_174, %dma_start3A_175] : memref<2x128x64xf32, #tpu.memory_space<vmem>> -> memref<1x64x64xf32, #tpu.memory_space<vmem>>
        %dma_start3A_177 = tpu.memref_squeeze %dma_start3A_176 : memref<1x64x64xf32, #tpu.memory_space<vmem>> -> memref<64x64xf32, #tpu.memory_space<vmem>>
        %dma_start3A_178 = arith.constant 0 : i32
        %dma_start3A_179 = tpu.memref_slice %arg10[%add3A_172, %dma_start3A_178] : memref<80x128xi32, #tpu.memory_space<vmem>> -> memref<1x64xi32, #tpu.memory_space<vmem>>
        %dma_start3A_180 = tpu.memref_squeeze %dma_start3A_179 : memref<1x64xi32, #tpu.memory_space<vmem>> -> memref<64xi32, #tpu.memory_space<vmem>>
        %dma_start3A_181 = arith.constant 0 : i32
        %dma_start3A_182 = arith.constant 0 : i32
        %dma_start3A_183 = tpu.memref_slice %arg3[%dma_start3A_181, %dma_start3A_182] : memref<10240x64xf32, #tpu.memory_space<hbm>> -> memref<10240x64xf32, #tpu.memory_space<hbm>>
        tpu.enqueue_indirect_dma source(%dma_start3A_183 : memref<10240x64xf32, #tpu.memory_space<hbm>>) target(%dma_start3A_177 : memref<64x64xf32, #tpu.memory_space<vmem>>) offsets(%dma_start3A_180 : memref<64xi32, #tpu.memory_space<vmem>>) semaphore(%arg19 : memref<!tpu.dma_semaphore, #tpu.memory_space<semaphore_mem>>)
        %add3A_184 = arith.constant 1 : i32
        %add3A_185 = arith.addi %add3A_112, %add3A_184 : i32
        %dma_start3A_186 = arith.constant 1 : i32
        %dma_start3A_187 = arith.constant 64 : i32
        %dma_start3A_188 = arith.constant 0 : i32
        %dma_start3A_189 = tpu.memref_slice %arg15[%dma_start3A_186, %dma_start3A_187, %dma_start3A_188] : memref<2x128x64xf32, #tpu.memory_space<vmem>> -> memref<1x64x64xf32, #tpu.memory_space<vmem>>
        %dma_start3A_190 = tpu.memref_squeeze %dma_start3A_189 : memref<1x64x64xf32, #tpu.memory_space<vmem>> -> memref<64x64xf32, #tpu.memory_space<vmem>>
        %dma_start3A_191 = arith.constant 64 : i32
        %dma_start3A_192 = tpu.memref_slice %arg10[%add3A_185, %dma_start3A_191] : memref<80x128xi32, #tpu.memory_space<vmem>> -> memref<1x64xi32, #tpu.memory_space<vmem>>
        %dma_start3A_193 = tpu.memref_squeeze %dma_start3A_192 : memref<1x64xi32, #tpu.memory_space<vmem>> -> memref<64xi32, #tpu.memory_space<vmem>>
        %dma_start3A_194 = arith.constant 0 : i32
        %dma_start3A_195 = arith.constant 0 : i32
        %dma_start3A_196 = tpu.memref_slice %arg3[%dma_start3A_194, %dma_start3A_195] : memref<10240x64xf32, #tpu.memory_space<hbm>> -> memref<10240x64xf32, #tpu.memory_space<hbm>>
        tpu.enqueue_indirect_dma source(%dma_start3A_196 : memref<10240x64xf32, #tpu.memory_space<hbm>>) target(%dma_start3A_190 : memref<64x64xf32, #tpu.memory_space<vmem>>) offsets(%dma_start3A_193 : memref<64xi32, #tpu.memory_space<vmem>>) semaphore(%arg21 : memref<!tpu.dma_semaphore, #tpu.memory_space<semaphore_mem>>)
      } else {
      }
      %dma_wait3A = arith.constant 0 : i32
      %dma_wait3A_117 = arith.constant 0 : i32
      %dma_wait3A_118 = arith.constant 0 : i32
      %dma_wait3A_119 = tpu.memref_slice %arg15[%dma_wait3A, %dma_wait3A_117, %dma_wait3A_118] : memref<2x128x64xf32, #tpu.memory_space<vmem>> -> memref<1x64x64xf32, #tpu.memory_space<vmem>>
      %dma_wait3A_120 = tpu.memref_squeeze %dma_wait3A_119 : memref<1x64x64xf32, #tpu.memory_space<vmem>> -> memref<64x64xf32, #tpu.memory_space<vmem>>
      %dma_wait3A_121 = arith.constant 0 : i32
      %dma_wait3A_122 = tpu.memref_slice %arg10[%add3A_112, %dma_wait3A_121] : memref<80x128xi32, #tpu.memory_space<vmem>> -> memref<1x64xi32, #tpu.memory_space<vmem>>
      %dma_wait3A_123 = tpu.memref_squeeze %dma_wait3A_122 : memref<1x64xi32, #tpu.memory_space<vmem>> -> memref<64xi32, #tpu.memory_space<vmem>>
      %dma_wait3A_124 = arith.constant 0 : i32
      %dma_wait3A_125 = arith.constant 0 : i32
      %dma_wait3A_126 = tpu.memref_slice %arg3[%dma_wait3A_124, %dma_wait3A_125] : memref<10240x64xf32, #tpu.memory_space<hbm>> -> memref<10240x64xf32, #tpu.memory_space<hbm>>
      tpu.wait_indirect_dma semaphore(%arg18 : memref<!tpu.dma_semaphore, #tpu.memory_space<semaphore_mem>>) src(%dma_wait3A_126 : memref<10240x64xf32, #tpu.memory_space<hbm>>) dst(%dma_wait3A_120 : memref<64x64xf32, #tpu.memory_space<vmem>>)
      %dma_wait3A_127 = arith.constant 0 : i32
      %dma_wait3A_128 = arith.constant 64 : i32
      %dma_wait3A_129 = arith.constant 0 : i32
      %dma_wait3A_130 = tpu.memref_slice %arg15[%dma_wait3A_127, %dma_wait3A_128, %dma_wait3A_129] : memref<2x128x64xf32, #tpu.memory_space<vmem>> -> memref<1x64x64xf32, #tpu.memory_space<vmem>>
      %dma_wait3A_131 = tpu.memref_squeeze %dma_wait3A_130 : memref<1x64x64xf32, #tpu.memory_space<vmem>> -> memref<64x64xf32, #tpu.memory_space<vmem>>
      %dma_wait3A_132 = arith.constant 64 : i32
      %dma_wait3A_133 = tpu.memref_slice %arg10[%add3A_112, %dma_wait3A_132] : memref<80x128xi32, #tpu.memory_space<vmem>> -> memref<1x64xi32, #tpu.memory_space<vmem>>
      %dma_wait3A_134 = tpu.memref_squeeze %dma_wait3A_133 : memref<1x64xi32, #tpu.memory_space<vmem>> -> memref<64xi32, #tpu.memory_space<vmem>>
      %dma_wait3A_135 = arith.constant 0 : i32
      %dma_wait3A_136 = arith.constant 0 : i32
      %dma_wait3A_137 = tpu.memref_slice %arg3[%dma_wait3A_135, %dma_wait3A_136] : memref<10240x64xf32, #tpu.memory_space<hbm>> -> memref<10240x64xf32, #tpu.memory_space<hbm>>
      tpu.wait_indirect_dma semaphore(%arg20 : memref<!tpu.dma_semaphore, #tpu.memory_space<semaphore_mem>>) src(%dma_wait3A_137 : memref<10240x64xf32, #tpu.memory_space<hbm>>) dst(%dma_wait3A_131 : memref<64x64xf32, #tpu.memory_space<vmem>>)
      %mul3A_138 = arith.constant 2 : i32
      %mul3A_139 = arith.muli %scan3A_108, %mul3A_138 : i32
      %add3A_140 = arith.constant 1 : i32
      %add3A_141 = arith.addi %mul3A_139, %add3A_140 : i32
      %add3A_142 = arith.constant 1 : i32
      %add3A_143 = arith.addi %add3A_141, %add3A_142 : i32
      %lt3A_144 = arith.constant 80 : i32
      %lt3A_145 = arith.cmpi slt, %add3A_143, %lt3A_144 : i32
      %convert_element_type3A_146 = arith.extui %lt3A_145 : i1 to i32
      %cond3A_147 = arith.constant 0 : i32
      %cond3A_148 = arith.cmpi ne, %convert_element_type3A_146, %cond3A_147 : i32
      scf.if %cond3A_148 {
        %add3A_171 = arith.constant 1 : i32
        %add3A_172 = arith.addi %add3A_141, %add3A_171 : i32
        %dma_start3A_173 = arith.constant 0 : i32
        %dma_start3A_174 = arith.constant 0 : i32
        %dma_start3A_175 = arith.constant 0 : i32
        %dma_start3A_176 = tpu.memref_slice %arg15[%dma_start3A_173, %dma_start3A_174, %dma_start3A_175] : memref<2x128x64xf32, #tpu.memory_space<vmem>> -> memref<1x64x64xf32, #tpu.memory_space<vmem>>
        %dma_start3A_177 = tpu.memref_squeeze %dma_start3A_176 : memref<1x64x64xf32, #tpu.memory_space<vmem>> -> memref<64x64xf32, #tpu.memory_space<vmem>>
        %dma_start3A_178 = arith.constant 0 : i32
        %dma_start3A_179 = tpu.memref_slice %arg10[%add3A_172, %dma_start3A_178] : memref<80x128xi32, #tpu.memory_space<vmem>> -> memref<1x64xi32, #tpu.memory_space<vmem>>
        %dma_start3A_180 = tpu.memref_squeeze %dma_start3A_179 : memref<1x64xi32, #tpu.memory_space<vmem>> -> memref<64xi32, #tpu.memory_space<vmem>>
        %dma_start3A_181 = arith.constant 0 : i32
        %dma_start3A_182 = arith.constant 0 : i32
        %dma_start3A_183 = tpu.memref_slice %arg3[%dma_start3A_181, %dma_start3A_182] : memref<10240x64xf32, #tpu.memory_space<hbm>> -> memref<10240x64xf32, #tpu.memory_space<hbm>>
        tpu.enqueue_indirect_dma source(%dma_start3A_183 : memref<10240x64xf32, #tpu.memory_space<hbm>>) target(%dma_start3A_177 : memref<64x64xf32, #tpu.memory_space<vmem>>) offsets(%dma_start3A_180 : memref<64xi32, #tpu.memory_space<vmem>>) semaphore(%arg18 : memref<!tpu.dma_semaphore, #tpu.memory_space<semaphore_mem>>)
        %add3A_184 = arith.constant 1 : i32
        %add3A_185 = arith.addi %add3A_141, %add3A_184 : i32
        %dma_start3A_186 = arith.constant 0 : i32
        %dma_start3A_187 = arith.constant 64 : i32
        %dma_start3A_188 = arith.constant 0 : i32
        %dma_start3A_189 = tpu.memref_slice %arg15[%dma_start3A_186, %dma_start3A_187, %dma_start3A_188] : memref<2x128x64xf32, #tpu.memory_space<vmem>> -> memref<1x64x64xf32, #tpu.memory_space<vmem>>
        %dma_start3A_190 = tpu.memref_squeeze %dma_start3A_189 : memref<1x64x64xf32, #tpu.memory_space<vmem>> -> memref<64x64xf32, #tpu.memory_space<vmem>>
        %dma_start3A_191 = arith.constant 64 : i32
        %dma_start3A_192 = tpu.memref_slice %arg10[%add3A_185, %dma_start3A_191] : memref<80x128xi32, #tpu.memory_space<vmem>> -> memref<1x64xi32, #tpu.memory_space<vmem>>
        %dma_start3A_193 = tpu.memref_squeeze %dma_start3A_192 : memref<1x64xi32, #tpu.memory_space<vmem>> -> memref<64xi32, #tpu.memory_space<vmem>>
        %dma_start3A_194 = arith.constant 0 : i32
        %dma_start3A_195 = arith.constant 0 : i32
        %dma_start3A_196 = tpu.memref_slice %arg3[%dma_start3A_194, %dma_start3A_195] : memref<10240x64xf32, #tpu.memory_space<hbm>> -> memref<10240x64xf32, #tpu.memory_space<hbm>>
        tpu.enqueue_indirect_dma source(%dma_start3A_196 : memref<10240x64xf32, #tpu.memory_space<hbm>>) target(%dma_start3A_190 : memref<64x64xf32, #tpu.memory_space<vmem>>) offsets(%dma_start3A_193 : memref<64xi32, #tpu.memory_space<vmem>>) semaphore(%arg20 : memref<!tpu.dma_semaphore, #tpu.memory_space<semaphore_mem>>)
      } else {
      }
      %dma_wait3A_149 = arith.constant 1 : i32
      %dma_wait3A_150 = arith.constant 0 : i32
      %dma_wait3A_151 = arith.constant 0 : i32
      %dma_wait3A_152 = tpu.memref_slice %arg15[%dma_wait3A_149, %dma_wait3A_150, %dma_wait3A_151] : memref<2x128x64xf32, #tpu.memory_space<vmem>> -> memref<1x64x64xf32, #tpu.memory_space<vmem>>
      %dma_wait3A_153 = tpu.memref_squeeze %dma_wait3A_152 : memref<1x64x64xf32, #tpu.memory_space<vmem>> -> memref<64x64xf32, #tpu.memory_space<vmem>>
      %dma_wait3A_154 = arith.constant 0 : i32
      %dma_wait3A_155 = tpu.memref_slice %arg10[%add3A_141, %dma_wait3A_154] : memref<80x128xi32, #tpu.memory_space<vmem>> -> memref<1x64xi32, #tpu.memory_space<vmem>>
      %dma_wait3A_156 = tpu.memref_squeeze %dma_wait3A_155 : memref<1x64xi32, #tpu.memory_space<vmem>> -> memref<64xi32, #tpu.memory_space<vmem>>
      %dma_wait3A_157 = arith.constant 0 : i32
      %dma_wait3A_158 = arith.constant 0 : i32
      %dma_wait3A_159 = tpu.memref_slice %arg3[%dma_wait3A_157, %dma_wait3A_158] : memref<10240x64xf32, #tpu.memory_space<hbm>> -> memref<10240x64xf32, #tpu.memory_space<hbm>>
      tpu.wait_indirect_dma semaphore(%arg19 : memref<!tpu.dma_semaphore, #tpu.memory_space<semaphore_mem>>) src(%dma_wait3A_159 : memref<10240x64xf32, #tpu.memory_space<hbm>>) dst(%dma_wait3A_153 : memref<64x64xf32, #tpu.memory_space<vmem>>)
      %dma_wait3A_160 = arith.constant 1 : i32
      %dma_wait3A_161 = arith.constant 64 : i32
      %dma_wait3A_162 = arith.constant 0 : i32
      %dma_wait3A_163 = tpu.memref_slice %arg15[%dma_wait3A_160, %dma_wait3A_161, %dma_wait3A_162] : memref<2x128x64xf32, #tpu.memory_space<vmem>> -> memref<1x64x64xf32, #tpu.memory_space<vmem>>
      %dma_wait3A_164 = tpu.memref_squeeze %dma_wait3A_163 : memref<1x64x64xf32, #tpu.memory_space<vmem>> -> memref<64x64xf32, #tpu.memory_space<vmem>>
      %dma_wait3A_165 = arith.constant 64 : i32
      %dma_wait3A_166 = tpu.memref_slice %arg10[%add3A_141, %dma_wait3A_165] : memref<80x128xi32, #tpu.memory_space<vmem>> -> memref<1x64xi32, #tpu.memory_space<vmem>>
      %dma_wait3A_167 = tpu.memref_squeeze %dma_wait3A_166 : memref<1x64xi32, #tpu.memory_space<vmem>> -> memref<64xi32, #tpu.memory_space<vmem>>
      %dma_wait3A_168 = arith.constant 0 : i32
      %dma_wait3A_169 = arith.constant 0 : i32
      %dma_wait3A_170 = tpu.memref_slice %arg3[%dma_wait3A_168, %dma_wait3A_169] : memref<10240x64xf32, #tpu.memory_space<hbm>> -> memref<10240x64xf32, #tpu.memory_space<hbm>>
      tpu.wait_indirect_dma semaphore(%arg21 : memref<!tpu.dma_semaphore, #tpu.memory_space<semaphore_mem>>) src(%dma_wait3A_170 : memref<10240x64xf32, #tpu.memory_space<hbm>>) dst(%dma_wait3A_164 : memref<64x64xf32, #tpu.memory_space<vmem>>)
    }
    %scan3A_91 = arith.constant 40 : i32
    %barrier3A_92 = arith.constant 0 : index
    tpu.barrier barrier_id(%barrier3A_92)
    %add3A_93 = arith.constant 0 : i32
    %add3A_94 = arith.addi %mul3A_5, %add3A_93 : i32
    %run_scoped3A_95 = arith.constant 1 : i32
    "tpu.region"() ({
      %run_scoped3A_108 = tpu.sem_alloc : memref<!tpu.dma_semaphore, #tpu.memory_space<semaphore_mem>>
      %dma_start3A_109 = arith.constant 0 : i32
      %dma_start3A_110 = arith.constant 0 : i32
      %dma_start3A_111 = arith.constant 0 : i32
      %dma_start3A_112 = tpu.memref_slice %arg9[%arg0, %dma_start3A_109, %dma_start3A_110, %dma_start3A_111] : memref<2x2x10240x80xf32, #tpu.memory_space<hbm>> -> memref<1x2x10240x80xf32, #tpu.memory_space<hbm>>
      %dma_start3A_113 = tpu.memref_squeeze %dma_start3A_112 : memref<1x2x10240x80xf32, #tpu.memory_space<hbm>> -> memref<2x10240x80xf32, #tpu.memory_space<hbm>>
      %dma_start3A_114 = arith.constant 0 : i32
      %dma_start3A_115 = arith.constant 0 : i32
      %dma_start3A_116 = tpu.memref_slice %dma_start3A_113[%run_scoped3A_95, %dma_start3A_114, %dma_start3A_115] : memref<2x10240x80xf32, #tpu.memory_space<hbm>> -> memref<1x10240x80xf32, #tpu.memory_space<hbm>>
      %dma_start3A_117 = tpu.memref_squeeze %dma_start3A_116 : memref<1x10240x80xf32, #tpu.memory_space<hbm>> -> memref<10240x80xf32, #tpu.memory_space<hbm>>
      %dma_start3A_118 = arith.constant 0 : i32
      %dma_start3A_119 = tpu.memref_slice %dma_start3A_117[%add3A_94, %dma_start3A_118] : memref<10240x80xf32, #tpu.memory_space<hbm>> -> memref<128x80xf32, #tpu.memory_space<hbm>>
      %dma_start3A_120 = arith.constant 0 : i32
      %dma_start3A_121 = tpu.memref_slice %arg17[%add3A_94, %dma_start3A_120] : memref<10240x80xf32, #tpu.memory_space<vmem_shared>> -> memref<128x80xf32, #tpu.memory_space<vmem_shared>>
      tpu.enqueue_dma source(%dma_start3A_121 : memref<128x80xf32, #tpu.memory_space<vmem_shared>>) target(%dma_start3A_119 : memref<128x80xf32, #tpu.memory_space<hbm>>) target_semaphore(%run_scoped3A_108 : memref<!tpu.dma_semaphore, #tpu.memory_space<semaphore_mem>>)
      %dma_wait3A = arith.constant 0 : i32
      %dma_wait3A_122 = arith.constant 0 : i32
      %dma_wait3A_123 = arith.constant 0 : i32
      %dma_wait3A_124 = tpu.memref_slice %arg9[%arg0, %dma_wait3A, %dma_wait3A_122, %dma_wait3A_123] : memref<2x2x10240x80xf32, #tpu.memory_space<hbm>> -> memref<1x2x10240x80xf32, #tpu.memory_space<hbm>>
      %dma_wait3A_125 = tpu.memref_squeeze %dma_wait3A_124 : memref<1x2x10240x80xf32, #tpu.memory_space<hbm>> -> memref<2x10240x80xf32, #tpu.memory_space<hbm>>
      %dma_wait3A_126 = arith.constant 0 : i32
      %dma_wait3A_127 = arith.constant 0 : i32
      %dma_wait3A_128 = tpu.memref_slice %dma_wait3A_125[%run_scoped3A_95, %dma_wait3A_126, %dma_wait3A_127] : memref<2x10240x80xf32, #tpu.memory_space<hbm>> -> memref<1x10240x80xf32, #tpu.memory_space<hbm>>
      %dma_wait3A_129 = tpu.memref_squeeze %dma_wait3A_128 : memref<1x10240x80xf32, #tpu.memory_space<hbm>> -> memref<10240x80xf32, #tpu.memory_space<hbm>>
      %dma_wait3A_130 = arith.constant 0 : i32
      %dma_wait3A_131 = tpu.memref_slice %dma_wait3A_129[%add3A_94, %dma_wait3A_130] : memref<10240x80xf32, #tpu.memory_space<hbm>> -> memref<128x80xf32, #tpu.memory_space<hbm>>
      %dma_wait3A_132 = arith.constant 0 : i32
      %dma_wait3A_133 = tpu.memref_slice %arg17[%add3A_94, %dma_wait3A_132] : memref<10240x80xf32, #tpu.memory_space<vmem_shared>> -> memref<128x80xf32, #tpu.memory_space<vmem_shared>>
      tpu.wait_dma2 semaphore(%run_scoped3A_108 : memref<!tpu.dma_semaphore, #tpu.memory_space<semaphore_mem>>) src(%dma_wait3A_133 : memref<128x80xf32, #tpu.memory_space<vmem_shared>>) dst(%dma_wait3A_131 : memref<128x80xf32, #tpu.memory_space<hbm>>)
      tpu.yield
    }) : () -> ()
    %add3A_96 = arith.constant 128 : i32
    %add3A_97 = arith.addi %mul3A_5, %add3A_96 : i32
    %run_scoped3A_98 = arith.constant 1 : i32
    "tpu.region"() ({
      %run_scoped3A_108 = tpu.sem_alloc : memref<!tpu.dma_semaphore, #tpu.memory_space<semaphore_mem>>
      %dma_start3A_109 = arith.constant 0 : i32
      %dma_start3A_110 = arith.constant 0 : i32
      %dma_start3A_111 = arith.constant 0 : i32
      %dma_start3A_112 = tpu.memref_slice %arg9[%arg0, %dma_start3A_109, %dma_start3A_110, %dma_start3A_111] : memref<2x2x10240x80xf32, #tpu.memory_space<hbm>> -> memref<1x2x10240x80xf32, #tpu.memory_space<hbm>>
      %dma_start3A_113 = tpu.memref_squeeze %dma_start3A_112 : memref<1x2x10240x80xf32, #tpu.memory_space<hbm>> -> memref<2x10240x80xf32, #tpu.memory_space<hbm>>
      %dma_start3A_114 = arith.constant 0 : i32
      %dma_start3A_115 = arith.constant 0 : i32
      %dma_start3A_116 = tpu.memref_slice %dma_start3A_113[%run_scoped3A_98, %dma_start3A_114, %dma_start3A_115] : memref<2x10240x80xf32, #tpu.memory_space<hbm>> -> memref<1x10240x80xf32, #tpu.memory_space<hbm>>
      %dma_start3A_117 = tpu.memref_squeeze %dma_start3A_116 : memref<1x10240x80xf32, #tpu.memory_space<hbm>> -> memref<10240x80xf32, #tpu.memory_space<hbm>>
      %dma_start3A_118 = arith.constant 0 : i32
      %dma_start3A_119 = tpu.memref_slice %dma_start3A_117[%add3A_97, %dma_start3A_118] : memref<10240x80xf32, #tpu.memory_space<hbm>> -> memref<128x80xf32, #tpu.memory_space<hbm>>
      %dma_start3A_120 = arith.constant 0 : i32
      %dma_start3A_121 = tpu.memref_slice %arg17[%add3A_97, %dma_start3A_120] : memref<10240x80xf32, #tpu.memory_space<vmem_shared>> -> memref<128x80xf32, #tpu.memory_space<vmem_shared>>
      tpu.enqueue_dma source(%dma_start3A_121 : memref<128x80xf32, #tpu.memory_space<vmem_shared>>) target(%dma_start3A_119 : memref<128x80xf32, #tpu.memory_space<hbm>>) target_semaphore(%run_scoped3A_108 : memref<!tpu.dma_semaphore, #tpu.memory_space<semaphore_mem>>)
      %dma_wait3A = arith.constant 0 : i32
      %dma_wait3A_122 = arith.constant 0 : i32
      %dma_wait3A_123 = arith.constant 0 : i32
      %dma_wait3A_124 = tpu.memref_slice %arg9[%arg0, %dma_wait3A, %dma_wait3A_122, %dma_wait3A_123] : memref<2x2x10240x80xf32, #tpu.memory_space<hbm>> -> memref<1x2x10240x80xf32, #tpu.memory_space<hbm>>
      %dma_wait3A_125 = tpu.memref_squeeze %dma_wait3A_124 : memref<1x2x10240x80xf32, #tpu.memory_space<hbm>> -> memref<2x10240x80xf32, #tpu.memory_space<hbm>>
      %dma_wait3A_126 = arith.constant 0 : i32
      %dma_wait3A_127 = arith.constant 0 : i32
      %dma_wait3A_128 = tpu.memref_slice %dma_wait3A_125[%run_scoped3A_98, %dma_wait3A_126, %dma_wait3A_127] : memref<2x10240x80xf32, #tpu.memory_space<hbm>> -> memref<1x10240x80xf32, #tpu.memory_space<hbm>>
      %dma_wait3A_129 = tpu.memref_squeeze %dma_wait3A_128 : memref<1x10240x80xf32, #tpu.memory_space<hbm>> -> memref<10240x80xf32, #tpu.memory_space<hbm>>
      %dma_wait3A_130 = arith.constant 0 : i32
      %dma_wait3A_131 = tpu.memref_slice %dma_wait3A_129[%add3A_97, %dma_wait3A_130] : memref<10240x80xf32, #tpu.memory_space<hbm>> -> memref<128x80xf32, #tpu.memory_space<hbm>>
      %dma_wait3A_132 = arith.constant 0 : i32
      %dma_wait3A_133 = tpu.memref_slice %arg17[%add3A_97, %dma_wait3A_132] : memref<10240x80xf32, #tpu.memory_space<vmem_shared>> -> memref<128x80xf32, #tpu.memory_space<vmem_shared>>
      tpu.wait_dma2 semaphore(%run_scoped3A_108 : memref<!tpu.dma_semaphore, #tpu.memory_space<semaphore_mem>>) src(%dma_wait3A_133 : memref<128x80xf32, #tpu.memory_space<vmem_shared>>) dst(%dma_wait3A_131 : memref<128x80xf32, #tpu.memory_space<hbm>>)
      tpu.yield
    }) : () -> ()
    %add3A_99 = arith.constant 256 : i32
    %add3A_100 = arith.addi %mul3A_5, %add3A_99 : i32
    %run_scoped3A_101 = arith.constant 1 : i32
    "tpu.region"() ({
      %run_scoped3A_108 = tpu.sem_alloc : memref<!tpu.dma_semaphore, #tpu.memory_space<semaphore_mem>>
      %dma_start3A_109 = arith.constant 0 : i32
      %dma_start3A_110 = arith.constant 0 : i32
      %dma_start3A_111 = arith.constant 0 : i32
      %dma_start3A_112 = tpu.memref_slice %arg9[%arg0, %dma_start3A_109, %dma_start3A_110, %dma_start3A_111] : memref<2x2x10240x80xf32, #tpu.memory_space<hbm>> -> memref<1x2x10240x80xf32, #tpu.memory_space<hbm>>
      %dma_start3A_113 = tpu.memref_squeeze %dma_start3A_112 : memref<1x2x10240x80xf32, #tpu.memory_space<hbm>> -> memref<2x10240x80xf32, #tpu.memory_space<hbm>>
      %dma_start3A_114 = arith.constant 0 : i32
      %dma_start3A_115 = arith.constant 0 : i32
      %dma_start3A_116 = tpu.memref_slice %dma_start3A_113[%run_scoped3A_101, %dma_start3A_114, %dma_start3A_115] : memref<2x10240x80xf32, #tpu.memory_space<hbm>> -> memref<1x10240x80xf32, #tpu.memory_space<hbm>>
      %dma_start3A_117 = tpu.memref_squeeze %dma_start3A_116 : memref<1x10240x80xf32, #tpu.memory_space<hbm>> -> memref<10240x80xf32, #tpu.memory_space<hbm>>
      %dma_start3A_118 = arith.constant 0 : i32
      %dma_start3A_119 = tpu.memref_slice %dma_start3A_117[%add3A_100, %dma_start3A_118] : memref<10240x80xf32, #tpu.memory_space<hbm>> -> memref<128x80xf32, #tpu.memory_space<hbm>>
      %dma_start3A_120 = arith.constant 0 : i32
      %dma_start3A_121 = tpu.memref_slice %arg17[%add3A_100, %dma_start3A_120] : memref<10240x80xf32, #tpu.memory_space<vmem_shared>> -> memref<128x80xf32, #tpu.memory_space<vmem_shared>>
      tpu.enqueue_dma source(%dma_start3A_121 : memref<128x80xf32, #tpu.memory_space<vmem_shared>>) target(%dma_start3A_119 : memref<128x80xf32, #tpu.memory_space<hbm>>) target_semaphore(%run_scoped3A_108 : memref<!tpu.dma_semaphore, #tpu.memory_space<semaphore_mem>>)
      %dma_wait3A = arith.constant 0 : i32
      %dma_wait3A_122 = arith.constant 0 : i32
      %dma_wait3A_123 = arith.constant 0 : i32
      %dma_wait3A_124 = tpu.memref_slice %arg9[%arg0, %dma_wait3A, %dma_wait3A_122, %dma_wait3A_123] : memref<2x2x10240x80xf32, #tpu.memory_space<hbm>> -> memref<1x2x10240x80xf32, #tpu.memory_space<hbm>>
      %dma_wait3A_125 = tpu.memref_squeeze %dma_wait3A_124 : memref<1x2x10240x80xf32, #tpu.memory_space<hbm>> -> memref<2x10240x80xf32, #tpu.memory_space<hbm>>
      %dma_wait3A_126 = arith.constant 0 : i32
      %dma_wait3A_127 = arith.constant 0 : i32
      %dma_wait3A_128 = tpu.memref_slice %dma_wait3A_125[%run_scoped3A_101, %dma_wait3A_126, %dma_wait3A_127] : memref<2x10240x80xf32, #tpu.memory_space<hbm>> -> memref<1x10240x80xf32, #tpu.memory_space<hbm>>
      %dma_wait3A_129 = tpu.memref_squeeze %dma_wait3A_128 : memref<1x10240x80xf32, #tpu.memory_space<hbm>> -> memref<10240x80xf32, #tpu.memory_space<hbm>>
      %dma_wait3A_130 = arith.constant 0 : i32
      %dma_wait3A_131 = tpu.memref_slice %dma_wait3A_129[%add3A_100, %dma_wait3A_130] : memref<10240x80xf32, #tpu.memory_space<hbm>> -> memref<128x80xf32, #tpu.memory_space<hbm>>
      %dma_wait3A_132 = arith.constant 0 : i32
      %dma_wait3A_133 = tpu.memref_slice %arg17[%add3A_100, %dma_wait3A_132] : memref<10240x80xf32, #tpu.memory_space<vmem_shared>> -> memref<128x80xf32, #tpu.memory_space<vmem_shared>>
      tpu.wait_dma2 semaphore(%run_scoped3A_108 : memref<!tpu.dma_semaphore, #tpu.memory_space<semaphore_mem>>) src(%dma_wait3A_133 : memref<128x80xf32, #tpu.memory_space<vmem_shared>>) dst(%dma_wait3A_131 : memref<128x80xf32, #tpu.memory_space<hbm>>)
      tpu.yield
    }) : () -> ()
    %add3A_102 = arith.constant 384 : i32
    %add3A_103 = arith.addi %mul3A_5, %add3A_102 : i32
    %run_scoped3A_104 = arith.constant 1 : i32
    "tpu.region"() ({
      %run_scoped3A_108 = tpu.sem_alloc : memref<!tpu.dma_semaphore, #tpu.memory_space<semaphore_mem>>
      %dma_start3A_109 = arith.constant 0 : i32
      %dma_start3A_110 = arith.constant 0 : i32
      %dma_start3A_111 = arith.constant 0 : i32
      %dma_start3A_112 = tpu.memref_slice %arg9[%arg0, %dma_start3A_109, %dma_start3A_110, %dma_start3A_111] : memref<2x2x10240x80xf32, #tpu.memory_space<hbm>> -> memref<1x2x10240x80xf32, #tpu.memory_space<hbm>>
      %dma_start3A_113 = tpu.memref_squeeze %dma_start3A_112 : memref<1x2x10240x80xf32, #tpu.memory_space<hbm>> -> memref<2x10240x80xf32, #tpu.memory_space<hbm>>
      %dma_start3A_114 = arith.constant 0 : i32
      %dma_start3A_115 = arith.constant 0 : i32
      %dma_start3A_116 = tpu.memref_slice %dma_start3A_113[%run_scoped3A_104, %dma_start3A_114, %dma_start3A_115] : memref<2x10240x80xf32, #tpu.memory_space<hbm>> -> memref<1x10240x80xf32, #tpu.memory_space<hbm>>
      %dma_start3A_117 = tpu.memref_squeeze %dma_start3A_116 : memref<1x10240x80xf32, #tpu.memory_space<hbm>> -> memref<10240x80xf32, #tpu.memory_space<hbm>>
      %dma_start3A_118 = arith.constant 0 : i32
      %dma_start3A_119 = tpu.memref_slice %dma_start3A_117[%add3A_103, %dma_start3A_118] : memref<10240x80xf32, #tpu.memory_space<hbm>> -> memref<128x80xf32, #tpu.memory_space<hbm>>
      %dma_start3A_120 = arith.constant 0 : i32
      %dma_start3A_121 = tpu.memref_slice %arg17[%add3A_103, %dma_start3A_120] : memref<10240x80xf32, #tpu.memory_space<vmem_shared>> -> memref<128x80xf32, #tpu.memory_space<vmem_shared>>
      tpu.enqueue_dma source(%dma_start3A_121 : memref<128x80xf32, #tpu.memory_space<vmem_shared>>) target(%dma_start3A_119 : memref<128x80xf32, #tpu.memory_space<hbm>>) target_semaphore(%run_scoped3A_108 : memref<!tpu.dma_semaphore, #tpu.memory_space<semaphore_mem>>)
      %dma_wait3A = arith.constant 0 : i32
      %dma_wait3A_122 = arith.constant 0 : i32
      %dma_wait3A_123 = arith.constant 0 : i32
      %dma_wait3A_124 = tpu.memref_slice %arg9[%arg0, %dma_wait3A, %dma_wait3A_122, %dma_wait3A_123] : memref<2x2x10240x80xf32, #tpu.memory_space<hbm>> -> memref<1x2x10240x80xf32, #tpu.memory_space<hbm>>
      %dma_wait3A_125 = tpu.memref_squeeze %dma_wait3A_124 : memref<1x2x10240x80xf32, #tpu.memory_space<hbm>> -> memref<2x10240x80xf32, #tpu.memory_space<hbm>>
      %dma_wait3A_126 = arith.constant 0 : i32
      %dma_wait3A_127 = arith.constant 0 : i32
      %dma_wait3A_128 = tpu.memref_slice %dma_wait3A_125[%run_scoped3A_104, %dma_wait3A_126, %dma_wait3A_127] : memref<2x10240x80xf32, #tpu.memory_space<hbm>> -> memref<1x10240x80xf32, #tpu.memory_space<hbm>>
      %dma_wait3A_129 = tpu.memref_squeeze %dma_wait3A_128 : memref<1x10240x80xf32, #tpu.memory_space<hbm>> -> memref<10240x80xf32, #tpu.memory_space<hbm>>
      %dma_wait3A_130 = arith.constant 0 : i32
      %dma_wait3A_131 = tpu.memref_slice %dma_wait3A_129[%add3A_103, %dma_wait3A_130] : memref<10240x80xf32, #tpu.memory_space<hbm>> -> memref<128x80xf32, #tpu.memory_space<hbm>>
      %dma_wait3A_132 = arith.constant 0 : i32
      %dma_wait3A_133 = tpu.memref_slice %arg17[%add3A_103, %dma_wait3A_132] : memref<10240x80xf32, #tpu.memory_space<vmem_shared>> -> memref<128x80xf32, #tpu.memory_space<vmem_shared>>
      tpu.wait_dma2 semaphore(%run_scoped3A_108 : memref<!tpu.dma_semaphore, #tpu.memory_space<semaphore_mem>>) src(%dma_wait3A_133 : memref<128x80xf32, #tpu.memory_space<vmem_shared>>) dst(%dma_wait3A_131 : memref<128x80xf32, #tpu.memory_space<hbm>>)
      tpu.yield
    }) : () -> ()
    %add3A_105 = arith.constant 512 : i32
    %add3A_106 = arith.addi %mul3A_5, %add3A_105 : i32
    %run_scoped3A_107 = arith.constant 1 : i32
    "tpu.region"() ({
      %run_scoped3A_108 = tpu.sem_alloc : memref<!tpu.dma_semaphore, #tpu.memory_space<semaphore_mem>>
      %dma_start3A_109 = arith.constant 0 : i32
      %dma_start3A_110 = arith.constant 0 : i32
      %dma_start3A_111 = arith.constant 0 : i32
      %dma_start3A_112 = tpu.memref_slice %arg9[%arg0, %dma_start3A_109, %dma_start3A_110, %dma_start3A_111] : memref<2x2x10240x80xf32, #tpu.memory_space<hbm>> -> memref<1x2x10240x80xf32, #tpu.memory_space<hbm>>
      %dma_start3A_113 = tpu.memref_squeeze %dma_start3A_112 : memref<1x2x10240x80xf32, #tpu.memory_space<hbm>> -> memref<2x10240x80xf32, #tpu.memory_space<hbm>>
      %dma_start3A_114 = arith.constant 0 : i32
      %dma_start3A_115 = arith.constant 0 : i32
      %dma_start3A_116 = tpu.memref_slice %dma_start3A_113[%run_scoped3A_107, %dma_start3A_114, %dma_start3A_115] : memref<2x10240x80xf32, #tpu.memory_space<hbm>> -> memref<1x10240x80xf32, #tpu.memory_space<hbm>>
      %dma_start3A_117 = tpu.memref_squeeze %dma_start3A_116 : memref<1x10240x80xf32, #tpu.memory_space<hbm>> -> memref<10240x80xf32, #tpu.memory_space<hbm>>
      %dma_start3A_118 = arith.constant 0 : i32
      %dma_start3A_119 = tpu.memref_slice %dma_start3A_117[%add3A_106, %dma_start3A_118] : memref<10240x80xf32, #tpu.memory_space<hbm>> -> memref<128x80xf32, #tpu.memory_space<hbm>>
      %dma_start3A_120 = arith.constant 0 : i32
      %dma_start3A_121 = tpu.memref_slice %arg17[%add3A_106, %dma_start3A_120] : memref<10240x80xf32, #tpu.memory_space<vmem_shared>> -> memref<128x80xf32, #tpu.memory_space<vmem_shared>>
      tpu.enqueue_dma source(%dma_start3A_121 : memref<128x80xf32, #tpu.memory_space<vmem_shared>>) target(%dma_start3A_119 : memref<128x80xf32, #tpu.memory_space<hbm>>) target_semaphore(%run_scoped3A_108 : memref<!tpu.dma_semaphore, #tpu.memory_space<semaphore_mem>>)
      %dma_wait3A = arith.constant 0 : i32
      %dma_wait3A_122 = arith.constant 0 : i32
      %dma_wait3A_123 = arith.constant 0 : i32
      %dma_wait3A_124 = tpu.memref_slice %arg9[%arg0, %dma_wait3A, %dma_wait3A_122, %dma_wait3A_123] : memref<2x2x10240x80xf32, #tpu.memory_space<hbm>> -> memref<1x2x10240x80xf32, #tpu.memory_space<hbm>>
      %dma_wait3A_125 = tpu.memref_squeeze %dma_wait3A_124 : memref<1x2x10240x80xf32, #tpu.memory_space<hbm>> -> memref<2x10240x80xf32, #tpu.memory_space<hbm>>
      %dma_wait3A_126 = arith.constant 0 : i32
      %dma_wait3A_127 = arith.constant 0 : i32
      %dma_wait3A_128 = tpu.memref_slice %dma_wait3A_125[%run_scoped3A_107, %dma_wait3A_126, %dma_wait3A_127] : memref<2x10240x80xf32, #tpu.memory_space<hbm>> -> memref<1x10240x80xf32, #tpu.memory_space<hbm>>
      %dma_wait3A_129 = tpu.memref_squeeze %dma_wait3A_128 : memref<1x10240x80xf32, #tpu.memory_space<hbm>> -> memref<10240x80xf32, #tpu.memory_space<hbm>>
      %dma_wait3A_130 = arith.constant 0 : i32
      %dma_wait3A_131 = tpu.memref_slice %dma_wait3A_129[%add3A_106, %dma_wait3A_130] : memref<10240x80xf32, #tpu.memory_space<hbm>> -> memref<128x80xf32, #tpu.memory_space<hbm>>
      %dma_wait3A_132 = arith.constant 0 : i32
      %dma_wait3A_133 = tpu.memref_slice %arg17[%add3A_106, %dma_wait3A_132] : memref<10240x80xf32, #tpu.memory_space<vmem_shared>> -> memref<128x80xf32, #tpu.memory_space<vmem_shared>>
      tpu.wait_dma2 semaphore(%run_scoped3A_108 : memref<!tpu.dma_semaphore, #tpu.memory_space<semaphore_mem>>) src(%dma_wait3A_133 : memref<128x80xf32, #tpu.memory_space<vmem_shared>>) dst(%dma_wait3A_131 : memref<128x80xf32, #tpu.memory_space<hbm>>)
      tpu.yield
    }) : () -> ()
    return
  }
}

module attributes {stable_mosaic.version = 14 : i64} {
  func.func @_ae_body(%arg0: i32, %arg1: memref<8000x128xf32, #tpu.memory_space<vmem>>, %arg2: memref<128x8xf32, #tpu.memory_space<vmem>>, %arg3: memref<16x128xf32, #tpu.memory_space<vmem>>, %arg4: memref<128x1xf32, #tpu.memory_space<vmem>>, %arg5: memref<16x128xf32, #tpu.memory_space<vmem>>, %arg6: memref<128x1xf32, #tpu.memory_space<vmem>>, %arg7: memref<8000x16xf32, #tpu.memory_space<vmem>>) attributes {dimension_semantics = [#tpu.dimension_semantics<arbitrary>], iteration_bounds = array<i64: 5>, scalar_prefetch = 0 : i64, scratch_operands = 0 : i64, tpu.core_type = #tpu.core_type<tc>, window_params = [{transform_indices = @transform_0, window_bounds = array<i64: 8000, 128>}, {pipeline_mode = #tpu.pipeline_mode<synchronous>, transform_indices = @transform_1, window_bounds = array<i64: 128, 8>}, {pipeline_mode = #tpu.pipeline_mode<synchronous>, transform_indices = @transform_2, window_bounds = array<i64: 16, 128>}, {pipeline_mode = #tpu.pipeline_mode<synchronous>, transform_indices = @transform_3, window_bounds = array<i64: 128, 1>}, {pipeline_mode = #tpu.pipeline_mode<synchronous>, transform_indices = @transform_4, window_bounds = array<i64: 16, 128>}, {pipeline_mode = #tpu.pipeline_mode<synchronous>, transform_indices = @transform_5, window_bounds = array<i64: 128, 1>}, {transform_indices = @transform_6, window_bounds = array<i64: 8000, 16>}]} {
    %get3A = arith.constant 0 : index
    %get3A_0 = arith.constant 0 : index
    %get3A_1 = vector.load %arg3[%get3A, %get3A_0] : memref<16x128xf32, #tpu.memory_space<vmem>>, vector<16x128xf32>
    %get3A_2 = arith.constant 0 : index
    %get3A_3 = arith.constant 0 : index
    %get3A_4 = vector.load %arg4[%get3A_2, %get3A_3] : memref<128x1xf32, #tpu.memory_space<vmem>>, vector<128x1xf32>
    %dot_general3A = arith.constant dense<0.000000e+00> : vector<16x1xf32>
    %dot_general3A_5 = tpu.matmul %get3A_1, %get3A_4, %dot_general3A {dimension_numbers = #tpu.dot_dimension_numbers<[1], [0], [0], [1], [0, 0, 1, 1], [], []>, transpose_lhs_hint = false} : vector<16x128xf32>, vector<128x1xf32>, vector<16x1xf32> -> vector<16x1xf32>
    %get3A_6 = arith.constant 0 : index
    %get3A_7 = arith.constant 0 : index
    %get3A_8 = vector.load %arg5[%get3A_6, %get3A_7] : memref<16x128xf32, #tpu.memory_space<vmem>>, vector<16x128xf32>
    %get3A_9 = arith.constant 0 : index
    %get3A_10 = arith.constant 0 : index
    %get3A_11 = vector.load %arg6[%get3A_9, %get3A_10] : memref<128x1xf32, #tpu.memory_space<vmem>>, vector<128x1xf32>
    %dot_general3A_12 = arith.constant dense<0.000000e+00> : vector<16x1xf32>
    %dot_general3A_13 = tpu.matmul %get3A_8, %get3A_11, %dot_general3A_12 {dimension_numbers = #tpu.dot_dimension_numbers<[1], [0], [0], [1], [0, 0, 1, 1], [], []>, transpose_lhs_hint = false} : vector<16x128xf32>, vector<128x1xf32>, vector<16x1xf32> -> vector<16x1xf32>
    %concatenate3A = tpu.concatenate %dot_general3A_5, %dot_general3A_5, %dot_general3A_5, %dot_general3A_5, %dot_general3A_5, %dot_general3A_5, %dot_general3A_5, %dot_general3A_5 in 0 : vector<16x1xf32>, vector<16x1xf32>, vector<16x1xf32>, vector<16x1xf32>, vector<16x1xf32>, vector<16x1xf32>, vector<16x1xf32>, vector<16x1xf32> -> vector<128x1xf32>
    %concatenate3A_14 = tpu.concatenate %dot_general3A_13, %dot_general3A_13, %dot_general3A_13, %dot_general3A_13, %dot_general3A_13, %dot_general3A_13, %dot_general3A_13, %dot_general3A_13 in 0 : vector<16x1xf32>, vector<16x1xf32>, vector<16x1xf32>, vector<16x1xf32>, vector<16x1xf32>, vector<16x1xf32>, vector<16x1xf32>, vector<16x1xf32> -> vector<128x1xf32>
    %get3A_15 = arith.constant 0 : index
    %get3A_16 = arith.constant 0 : index
    %get3A_17 = vector.load %arg2[%get3A_15, %get3A_16] : memref<128x8xf32, #tpu.memory_space<vmem>>, vector<128x8xf32>
    %mul3A = vector.broadcast %concatenate3A : vector<128x1xf32> to vector<128x8xf32>
    %mul3A_18 = arith.mulf %get3A_17, %mul3A : vector<128x8xf32>
    %mul3A_19 = vector.broadcast %concatenate3A_14 : vector<128x1xf32> to vector<128x8xf32>
    %mul3A_20 = arith.mulf %get3A_17, %mul3A_19 : vector<128x8xf32>
    %concatenate3A_21 = tpu.concatenate %mul3A_18, %mul3A_20 in 1 : vector<128x8xf32>, vector<128x8xf32> -> vector<128x16xf32>
    %get3A_22 = arith.constant 0 : index
    %get3A_23 = arith.constant 0 : index
    %get3A_24 = vector.load %arg1[%get3A_22, %get3A_23] : memref<8000x128xf32, #tpu.memory_space<vmem>>, vector<8000x128xf32>
    %dot_general3A_25 = arith.constant dense<0.000000e+00> : vector<8000x16xf32>
    %dot_general3A_26 = tpu.matmul %get3A_24, %concatenate3A_21, %dot_general3A_25 {dimension_numbers = #tpu.dot_dimension_numbers<[1], [0], [0], [1], [0, 0, 1, 1], [], []>, transpose_lhs_hint = false} : vector<8000x128xf32>, vector<128x16xf32>, vector<8000x16xf32> -> vector<8000x16xf32>
    %swap3A = arith.constant 0 : index
    %swap3A_27 = arith.constant 0 : index
    %swap3A_28 = vector.load %arg7[%swap3A, %swap3A_27] : memref<8000x16xf32, #tpu.memory_space<vmem>>, vector<8000x16xf32>
    tpu.vector_store %arg7[%swap3A, %swap3A_27], %dot_general3A_26 {strides = array<i32>} : memref<8000x16xf32, #tpu.memory_space<vmem>>, vector<8000x16xf32>,
    return
  }
  func.func @transform_0(%arg0: i32) -> (i32, i32) {
    %c0_i32 = arith.constant 0 : i32
    %c0_i32_0 = arith.constant 0 : i32
    return %arg0, %c0_i32 : i32, i32
  }
  func.func @transform_1(%arg0: i32) -> (i32, i32) {
    %c0_i32 = arith.constant 0 : i32
    %c0_i32_0 = arith.constant 0 : i32
    %c0_i32_1 = arith.constant 0 : i32
    return %c0_i32, %c0_i32_0 : i32, i32
  }
  func.func @transform_2(%arg0: i32) -> (i32, i32) {
    %c0_i32 = arith.constant 0 : i32
    %c0_i32_0 = arith.constant 0 : i32
    %c0_i32_1 = arith.constant 0 : i32
    return %c0_i32, %c0_i32_0 : i32, i32
  }
  func.func @transform_3(%arg0: i32) -> (i32, i32) {
    %c0_i32 = arith.constant 0 : i32
    %c0_i32_0 = arith.constant 0 : i32
    %c0_i32_1 = arith.constant 0 : i32
    return %c0_i32, %c0_i32_0 : i32, i32
  }
  func.func @transform_4(%arg0: i32) -> (i32, i32) {
    %c0_i32 = arith.constant 0 : i32
    %c0_i32_0 = arith.constant 0 : i32
    %c0_i32_1 = arith.constant 0 : i32
    return %c0_i32, %c0_i32_0 : i32, i32
  }
  func.func @transform_5(%arg0: i32) -> (i32, i32) {
    %c0_i32 = arith.constant 0 : i32
    %c0_i32_0 = arith.constant 0 : i32
    %c0_i32_1 = arith.constant 0 : i32
    return %c0_i32, %c0_i32_0 : i32, i32
  }
  func.func @transform_6(%arg0: i32) -> (i32, i32) {
    %c0_i32 = arith.constant 0 : i32
    %c0_i32_0 = arith.constant 0 : i32
    return %arg0, %c0_i32 : i32, i32
  }
}

module attributes {stable_mosaic.version = 14 : i64} {
  func.func @_lin_body(%arg0: i32, %arg1: memref<2048x128xf32, #tpu.memory_space<vmem>>, %arg2: memref<128x128xf32, #tpu.memory_space<vmem>>, %arg3: memref<1x128xf32, #tpu.memory_space<vmem>>, %arg4: memref<1x128xf32, #tpu.memory_space<vmem>>, %arg5: memref<2048x64xf32, #tpu.memory_space<vmem>>, %arg6: memref<2048x64xf32, #tpu.memory_space<vmem>>, %arg7: memref<1x1x2048xf32, #tpu.memory_space<vmem>>, %arg8: memref<1x1x2048xf32, #tpu.memory_space<vmem>>) attributes {dimension_semantics = [#tpu.dimension_semantics<arbitrary>], iteration_bounds = array<i64: 5>, scalar_prefetch = 0 : i64, scratch_operands = 0 : i64, tpu.core_type = #tpu.core_type<tc>, window_params = [{transform_indices = @transform_0, window_bounds = array<i64: 2048, 128>}, {pipeline_mode = #tpu.pipeline_mode<synchronous>, transform_indices = @transform_1, window_bounds = array<i64: 128, 128>}, {pipeline_mode = #tpu.pipeline_mode<synchronous>, transform_indices = @transform_2, window_bounds = array<i64: 1, 128>}, {pipeline_mode = #tpu.pipeline_mode<synchronous>, transform_indices = @transform_3, window_bounds = array<i64: 1, 128>}, {transform_indices = @transform_4, window_bounds = array<i64: 2048, 64>}, {transform_indices = @transform_5, window_bounds = array<i64: 2048, 64>}, {transform_indices = @transform_6, window_bounds = array<i64: 1, 1, 2048>}, {transform_indices = @transform_7, window_bounds = array<i64: 1, 1, 2048>}]} {
    %get3A = arith.constant 0 : index
    %get3A_0 = arith.constant 0 : index
    %get3A_1 = vector.load %arg1[%get3A, %get3A_0] : memref<2048x128xf32, #tpu.memory_space<vmem>>, vector<2048x128xf32>
    %get3A_2 = arith.constant 0 : index
    %get3A_3 = arith.constant 0 : index
    %get3A_4 = vector.load %arg2[%get3A_2, %get3A_3] : memref<128x128xf32, #tpu.memory_space<vmem>>, vector<128x128xf32>
    %dot_general3A = arith.constant dense<0.000000e+00> : vector<2048x128xf32>
    %dot_general3A_5 = tpu.matmul %get3A_1, %get3A_4, %dot_general3A {dimension_numbers = #tpu.dot_dimension_numbers<[1], [0], [0], [1], [0, 0, 1, 1], [], []>, transpose_lhs_hint = false} : vector<2048x128xf32>, vector<128x128xf32>, vector<2048x128xf32> -> vector<2048x128xf32>
    %slice3A = vector.extract_strided_slice %dot_general3A_5 {offsets = [0, 0], sizes = [2048, 64], strides = [1, 1]} : vector<2048x128xf32> to vector<2048x64xf32>
    %swap3A = arith.constant 0 : index
    %swap3A_6 = arith.constant 0 : index
    %swap3A_7 = vector.load %arg5[%swap3A, %swap3A_6] : memref<2048x64xf32, #tpu.memory_space<vmem>>, vector<2048x64xf32>
    tpu.vector_store %arg5[%swap3A, %swap3A_6], %slice3A {strides = array<i32>} : memref<2048x64xf32, #tpu.memory_space<vmem>>, vector<2048x64xf32>,
    %slice3A_8 = vector.extract_strided_slice %dot_general3A_5 {offsets = [0, 64], sizes = [2048, 64], strides = [1, 1]} : vector<2048x128xf32> to vector<2048x64xf32>
    %swap3A_9 = arith.constant 0 : index
    %swap3A_10 = arith.constant 0 : index
    %swap3A_11 = vector.load %arg6[%swap3A_9, %swap3A_10] : memref<2048x64xf32, #tpu.memory_space<vmem>>, vector<2048x64xf32>
    tpu.vector_store %arg6[%swap3A_9, %swap3A_10], %slice3A_8 {strides = array<i32>} : memref<2048x64xf32, #tpu.memory_space<vmem>>, vector<2048x64xf32>,
    %get3A_12 = arith.constant 0 : index
    %get3A_13 = arith.constant 0 : index
    %get3A_14 = vector.load %arg3[%get3A_12, %get3A_13] : memref<1x128xf32, #tpu.memory_space<vmem>>, vector<1x128xf32>
    %mul3A = vector.broadcast %get3A_14 : vector<1x128xf32> to vector<2048x128xf32>
    %mul3A_15 = arith.mulf %dot_general3A_5, %mul3A : vector<2048x128xf32>
    %reduce_sum3A = arith.constant dense<0.000000e+00> : vector<2048xf32>
    %reduce_sum3A_16 = vector.multi_reduction <add>, %mul3A_15, %reduce_sum3A [1] : vector<2048x128xf32> to vector<2048xf32>
    %reshape3A = vector.shape_cast %reduce_sum3A_16 : vector<2048xf32> to vector<1x1x2048xf32>
    %swap3A_17 = arith.constant 0 : index
    %swap3A_18 = arith.constant 0 : index
    %swap3A_19 = arith.constant 0 : index
    %swap3A_20 = vector.load %arg7[%swap3A_17, %swap3A_18, %swap3A_19] : memref<1x1x2048xf32, #tpu.memory_space<vmem>>, vector<1x1x2048xf32>
    tpu.vector_store %arg7[%swap3A_17, %swap3A_18, %swap3A_19], %reshape3A {strides = array<i32>} : memref<1x1x2048xf32, #tpu.memory_space<vmem>>, vector<1x1x2048xf32>,
    %get3A_21 = arith.constant 0 : index
    %get3A_22 = arith.constant 0 : index
    %get3A_23 = vector.load %arg4[%get3A_21, %get3A_22] : memref<1x128xf32, #tpu.memory_space<vmem>>, vector<1x128xf32>
    %mul3A_24 = vector.broadcast %get3A_23 : vector<1x128xf32> to vector<2048x128xf32>
    %mul3A_25 = arith.mulf %dot_general3A_5, %mul3A_24 : vector<2048x128xf32>
    %reduce_sum3A_26 = arith.constant dense<0.000000e+00> : vector<2048xf32>
    %reduce_sum3A_27 = vector.multi_reduction <add>, %mul3A_25, %reduce_sum3A_26 [1] : vector<2048x128xf32> to vector<2048xf32>
    %reshape3A_28 = vector.shape_cast %reduce_sum3A_27 : vector<2048xf32> to vector<1x1x2048xf32>
    %swap3A_29 = arith.constant 0 : index
    %swap3A_30 = arith.constant 0 : index
    %swap3A_31 = arith.constant 0 : index
    %swap3A_32 = vector.load %arg8[%swap3A_29, %swap3A_30, %swap3A_31] : memref<1x1x2048xf32, #tpu.memory_space<vmem>>, vector<1x1x2048xf32>
    tpu.vector_store %arg8[%swap3A_29, %swap3A_30, %swap3A_31], %reshape3A_28 {strides = array<i32>} : memref<1x1x2048xf32, #tpu.memory_space<vmem>>, vector<1x1x2048xf32>,
    return
  }
  func.func @transform_0(%arg0: i32) -> (i32, i32) {
    %c0_i32 = arith.constant 0 : i32
    %c0_i32_0 = arith.constant 0 : i32
    return %arg0, %c0_i32 : i32, i32
  }
  func.func @transform_1(%arg0: i32) -> (i32, i32) {
    %c0_i32 = arith.constant 0 : i32
    %c0_i32_0 = arith.constant 0 : i32
    %c0_i32_1 = arith.constant 0 : i32
    return %c0_i32, %c0_i32_0 : i32, i32
  }
  func.func @transform_2(%arg0: i32) -> (i32, i32) {
    %c0_i32 = arith.constant 0 : i32
    %c0_i32_0 = arith.constant 0 : i32
    %c0_i32_1 = arith.constant 0 : i32
    return %c0_i32, %c0_i32_0 : i32, i32
  }
  func.func @transform_3(%arg0: i32) -> (i32, i32) {
    %c0_i32 = arith.constant 0 : i32
    %c0_i32_0 = arith.constant 0 : i32
    %c0_i32_1 = arith.constant 0 : i32
    return %c0_i32, %c0_i32_0 : i32, i32
  }
  func.func @transform_4(%arg0: i32) -> (i32, i32) {
    %c0_i32 = arith.constant 0 : i32
    %c0_i32_0 = arith.constant 0 : i32
    return %arg0, %c0_i32 : i32, i32
  }
  func.func @transform_5(%arg0: i32) -> (i32, i32) {
    %c0_i32 = arith.constant 0 : i32
    %c0_i32_0 = arith.constant 0 : i32
    return %arg0, %c0_i32 : i32, i32
  }
  func.func @transform_6(%arg0: i32) -> (i32, i32, i32) {
    %c0_i32 = arith.constant 0 : i32
    %c0_i32_0 = arith.constant 0 : i32
    %c0_i32_1 = arith.constant 0 : i32
    return %arg0, %c0_i32, %c0_i32_0 : i32, i32, i32
  }
  func.func @transform_7(%arg0: i32) -> (i32, i32, i32) {
    %c0_i32 = arith.constant 0 : i32
    %c0_i32_0 = arith.constant 0 : i32
    %c0_i32_1 = arith.constant 0 : i32
    return %arg0, %c0_i32, %c0_i32_0 : i32, i32, i32
  }
}

module attributes {stable_mosaic.version = 14 : i64} {
  func.func @_combine_lin_body(%arg0: i32, %arg1: memref<2048x80xf32, #tpu.memory_space<vmem>>, %arg2: memref<2048x80xf32, #tpu.memory_space<vmem>>, %arg3: memref<2048x80xf32, #tpu.memory_space<vmem>>, %arg4: memref<2048x80xf32, #tpu.memory_space<vmem>>, %arg5: memref<1x128xf32, #tpu.memory_space<vmem>>, %arg6: memref<128x128xf32, #tpu.memory_space<vmem>>, %arg7: memref<1x128xf32, #tpu.memory_space<vmem>>, %arg8: memref<1x128xf32, #tpu.memory_space<vmem>>, %arg9: memref<2048x64xf32, #tpu.memory_space<vmem>>, %arg10: memref<2048x64xf32, #tpu.memory_space<vmem>>, %arg11: memref<1x1x2048xf32, #tpu.memory_space<vmem>>, %arg12: memref<1x1x2048xf32, #tpu.memory_space<vmem>>) attributes {dimension_semantics = [#tpu.dimension_semantics<arbitrary>], iteration_bounds = array<i64: 5>, scalar_prefetch = 0 : i64, scratch_operands = 0 : i64, tpu.core_type = #tpu.core_type<tc>, window_params = [{transform_indices = @transform_0, window_bounds = array<i64: 2048, 80>}, {transform_indices = @transform_1, window_bounds = array<i64: 2048, 80>}, {transform_indices = @transform_2, window_bounds = array<i64: 2048, 80>}, {transform_indices = @transform_3, window_bounds = array<i64: 2048, 80>}, {pipeline_mode = #tpu.pipeline_mode<synchronous>, transform_indices = @transform_4, window_bounds = array<i64: 1, 128>}, {pipeline_mode = #tpu.pipeline_mode<synchronous>, transform_indices = @transform_5, window_bounds = array<i64: 128, 128>}, {pipeline_mode = #tpu.pipeline_mode<synchronous>, transform_indices = @transform_6, window_bounds = array<i64: 1, 128>}, {pipeline_mode = #tpu.pipeline_mode<synchronous>, transform_indices = @transform_7, window_bounds = array<i64: 1, 128>}, {transform_indices = @transform_8, window_bounds = array<i64: 2048, 64>}, {transform_indices = @transform_9, window_bounds = array<i64: 2048, 64>}, {transform_indices = @transform_10, window_bounds = array<i64: 1, 1, 2048>}, {transform_indices = @transform_11, window_bounds = array<i64: 1, 1, 2048>}]} {
    %get3A = arith.constant 0 : index
    %get3A_0 = arith.constant 0 : index
    %get3A_1 = vector.load %arg1[%get3A, %get3A_0] : memref<2048x80xf32, #tpu.memory_space<vmem>>, vector<2048x80xf32>
    %get3A_2 = arith.constant 0 : index
    %get3A_3 = arith.constant 0 : index
    %get3A_4 = vector.load %arg2[%get3A_2, %get3A_3] : memref<2048x80xf32, #tpu.memory_space<vmem>>, vector<2048x80xf32>
    %get3A_5 = arith.constant 0 : index
    %get3A_6 = arith.constant 0 : index
    %get3A_7 = vector.load %arg3[%get3A_5, %get3A_6] : memref<2048x80xf32, #tpu.memory_space<vmem>>, vector<2048x80xf32>
    %get3A_8 = arith.constant 0 : index
    %get3A_9 = arith.constant 0 : index
    %get3A_10 = vector.load %arg4[%get3A_8, %get3A_9] : memref<2048x80xf32, #tpu.memory_space<vmem>>, vector<2048x80xf32>
    %get3A_11 = arith.constant 0 : index
    %get3A_12 = arith.constant 0 : index
    %get3A_13 = vector.load %arg5[%get3A_11, %get3A_12] : memref<1x128xf32, #tpu.memory_space<vmem>>, vector<1x128xf32>
    %slice3A = vector.extract_strided_slice %get3A_1 {offsets = [0, 0], sizes = [2048, 64], strides = [1, 1]} : vector<2048x80xf32> to vector<2048x64xf32>
    %slice3A_14 = vector.extract_strided_slice %get3A_7 {offsets = [0, 0], sizes = [2048, 64], strides = [1, 1]} : vector<2048x80xf32> to vector<2048x64xf32>
    %add3A = arith.addf %slice3A, %slice3A_14 : vector<2048x64xf32>
    %slice3A_15 = vector.extract_strided_slice %get3A_4 {offsets = [0, 0], sizes = [2048, 64], strides = [1, 1]} : vector<2048x80xf32> to vector<2048x64xf32>
    %slice3A_16 = vector.extract_strided_slice %get3A_10 {offsets = [0, 0], sizes = [2048, 64], strides = [1, 1]} : vector<2048x80xf32> to vector<2048x64xf32>
    %add3A_17 = arith.addf %slice3A_15, %slice3A_16 : vector<2048x64xf32>
    %concatenate3A = tpu.concatenate %add3A, %add3A_17 in 1 : vector<2048x64xf32>, vector<2048x64xf32> -> vector<2048x128xf32>
    %slice3A_18 = vector.extract_strided_slice %get3A_1 {offsets = [0, 64], sizes = [2048, 1], strides = [1, 1]} : vector<2048x80xf32> to vector<2048x1xf32>
    %slice3A_19 = vector.extract_strided_slice %get3A_7 {offsets = [0, 64], sizes = [2048, 1], strides = [1, 1]} : vector<2048x80xf32> to vector<2048x1xf32>
    %add3A_20 = arith.addf %slice3A_18, %slice3A_19 : vector<2048x1xf32>
    %add3A_21 = arith.constant 1.000000e-16 : f32
    %add3A_22 = vector.broadcast %add3A_21 : f32 to vector<2048x1xf32>
    %add3A_23 = arith.addf %add3A_20, %add3A_22 : vector<2048x1xf32>
    %div3A = vector.broadcast %add3A_23 : vector<2048x1xf32> to vector<2048x128xf32>
    %div3A_24 = arith.divf %concatenate3A, %div3A : vector<2048x128xf32>
    %add3A_25 = vector.broadcast %get3A_13 : vector<1x128xf32> to vector<2048x128xf32>
    %add3A_26 = arith.addf %div3A_24, %add3A_25 : vector<2048x128xf32>
    %max3A = arith.constant 0.000000e+00 : f32
    %max3A_27 = vector.broadcast %max3A : f32 to vector<2048x128xf32>
    %max3A_28 = arith.maximumf %add3A_26, %max3A_27 : vector<2048x128xf32>
    %get3A_29 = arith.constant 0 : index
    %get3A_30 = arith.constant 0 : index
    %get3A_31 = vector.load %arg6[%get3A_29, %get3A_30] : memref<128x128xf32, #tpu.memory_space<vmem>>, vector<128x128xf32>
    %dot_general3A = arith.constant dense<0.000000e+00> : vector<2048x128xf32>
    %dot_general3A_32 = tpu.matmul %max3A_28, %get3A_31, %dot_general3A {dimension_numbers = #tpu.dot_dimension_numbers<[1], [0], [0], [1], [0, 0, 1, 1], [], []>, transpose_lhs_hint = false} : vector<2048x128xf32>, vector<128x128xf32>, vector<2048x128xf32> -> vector<2048x128xf32>
    %slice3A_33 = vector.extract_strided_slice %dot_general3A_32 {offsets = [0, 0], sizes = [2048, 64], strides = [1, 1]} : vector<2048x128xf32> to vector<2048x64xf32>
    %swap3A = arith.constant 0 : index
    %swap3A_34 = arith.constant 0 : index
    %swap3A_35 = vector.load %arg9[%swap3A, %swap3A_34] : memref<2048x64xf32, #tpu.memory_space<vmem>>, vector<2048x64xf32>
    tpu.vector_store %arg9[%swap3A, %swap3A_34], %slice3A_33 {strides = array<i32>} : memref<2048x64xf32, #tpu.memory_space<vmem>>, vector<2048x64xf32>,
    %slice3A_36 = vector.extract_strided_slice %dot_general3A_32 {offsets = [0, 64], sizes = [2048, 64], strides = [1, 1]} : vector<2048x128xf32> to vector<2048x64xf32>
    %swap3A_37 = arith.constant 0 : index
    %swap3A_38 = arith.constant 0 : index
    %swap3A_39 = vector.load %arg10[%swap3A_37, %swap3A_38] : memref<2048x64xf32, #tpu.memory_space<vmem>>, vector<2048x64xf32>
    tpu.vector_store %arg10[%swap3A_37, %swap3A_38], %slice3A_36 {strides = array<i32>} : memref<2048x64xf32, #tpu.memory_space<vmem>>, vector<2048x64xf32>,
    %get3A_40 = arith.constant 0 : index
    %get3A_41 = arith.constant 0 : index
    %get3A_42 = vector.load %arg7[%get3A_40, %get3A_41] : memref<1x128xf32, #tpu.memory_space<vmem>>, vector<1x128xf32>
    %mul3A = vector.broadcast %get3A_42 : vector<1x128xf32> to vector<2048x128xf32>
    %mul3A_43 = arith.mulf %dot_general3A_32, %mul3A : vector<2048x128xf32>
    %reduce_sum3A = arith.constant dense<0.000000e+00> : vector<2048xf32>
    %reduce_sum3A_44 = vector.multi_reduction <add>, %mul3A_43, %reduce_sum3A [1] : vector<2048x128xf32> to vector<2048xf32>
    %reshape3A = vector.shape_cast %reduce_sum3A_44 : vector<2048xf32> to vector<1x1x2048xf32>
    %swap3A_45 = arith.constant 0 : index
    %swap3A_46 = arith.constant 0 : index
    %swap3A_47 = arith.constant 0 : index
    %swap3A_48 = vector.load %arg11[%swap3A_45, %swap3A_46, %swap3A_47] : memref<1x1x2048xf32, #tpu.memory_space<vmem>>, vector<1x1x2048xf32>
    tpu.vector_store %arg11[%swap3A_45, %swap3A_46, %swap3A_47], %reshape3A {strides = array<i32>} : memref<1x1x2048xf32, #tpu.memory_space<vmem>>, vector<1x1x2048xf32>,
    %get3A_49 = arith.constant 0 : index
    %get3A_50 = arith.constant 0 : index
    %get3A_51 = vector.load %arg8[%get3A_49, %get3A_50] : memref<1x128xf32, #tpu.memory_space<vmem>>, vector<1x128xf32>
    %mul3A_52 = vector.broadcast %get3A_51 : vector<1x128xf32> to vector<2048x128xf32>
    %mul3A_53 = arith.mulf %dot_general3A_32, %mul3A_52 : vector<2048x128xf32>
    %reduce_sum3A_54 = arith.constant dense<0.000000e+00> : vector<2048xf32>
    %reduce_sum3A_55 = vector.multi_reduction <add>, %mul3A_53, %reduce_sum3A_54 [1] : vector<2048x128xf32> to vector<2048xf32>
    %reshape3A_56 = vector.shape_cast %reduce_sum3A_55 : vector<2048xf32> to vector<1x1x2048xf32>
    %swap3A_57 = arith.constant 0 : index
    %swap3A_58 = arith.constant 0 : index
    %swap3A_59 = arith.constant 0 : index
    %swap3A_60 = vector.load %arg12[%swap3A_57, %swap3A_58, %swap3A_59] : memref<1x1x2048xf32, #tpu.memory_space<vmem>>, vector<1x1x2048xf32>
    tpu.vector_store %arg12[%swap3A_57, %swap3A_58, %swap3A_59], %reshape3A_56 {strides = array<i32>} : memref<1x1x2048xf32, #tpu.memory_space<vmem>>, vector<1x1x2048xf32>,
    return
  }
  func.func @transform_0(%arg0: i32) -> (i32, i32) {
    %c0_i32 = arith.constant 0 : i32
    %c0_i32_0 = arith.constant 0 : i32
    return %arg0, %c0_i32 : i32, i32
  }
  func.func @transform_1(%arg0: i32) -> (i32, i32) {
    %c0_i32 = arith.constant 0 : i32
    %c0_i32_0 = arith.constant 0 : i32
    return %arg0, %c0_i32 : i32, i32
  }
  func.func @transform_2(%arg0: i32) -> (i32, i32) {
    %c0_i32 = arith.constant 0 : i32
    %c0_i32_0 = arith.constant 0 : i32
    return %arg0, %c0_i32 : i32, i32
  }
  func.func @transform_3(%arg0: i32) -> (i32, i32) {
    %c0_i32 = arith.constant 0 : i32
    %c0_i32_0 = arith.constant 0 : i32
    return %arg0, %c0_i32 : i32, i32
  }
  func.func @transform_4(%arg0: i32) -> (i32, i32) {
    %c0_i32 = arith.constant 0 : i32
    %c0_i32_0 = arith.constant 0 : i32
    %c0_i32_1 = arith.constant 0 : i32
    return %c0_i32, %c0_i32_0 : i32, i32
  }
  func.func @transform_5(%arg0: i32) -> (i32, i32) {
    %c0_i32 = arith.constant 0 : i32
    %c0_i32_0 = arith.constant 0 : i32
    %c0_i32_1 = arith.constant 0 : i32
    return %c0_i32, %c0_i32_0 : i32, i32
  }
  func.func @transform_6(%arg0: i32) -> (i32, i32) {
    %c0_i32 = arith.constant 0 : i32
    %c0_i32_0 = arith.constant 0 : i32
    %c0_i32_1 = arith.constant 0 : i32
    return %c0_i32, %c0_i32_0 : i32, i32
  }
  func.func @transform_7(%arg0: i32) -> (i32, i32) {
    %c0_i32 = arith.constant 0 : i32
    %c0_i32_0 = arith.constant 0 : i32
    %c0_i32_1 = arith.constant 0 : i32
    return %c0_i32, %c0_i32_0 : i32, i32
  }
  func.func @transform_8(%arg0: i32) -> (i32, i32) {
    %c0_i32 = arith.constant 0 : i32
    %c0_i32_0 = arith.constant 0 : i32
    return %arg0, %c0_i32 : i32, i32
  }
  func.func @transform_9(%arg0: i32) -> (i32, i32) {
    %c0_i32 = arith.constant 0 : i32
    %c0_i32_0 = arith.constant 0 : i32
    return %arg0, %c0_i32 : i32, i32
  }
  func.func @transform_10(%arg0: i32) -> (i32, i32, i32) {
    %c0_i32 = arith.constant 0 : i32
    %c0_i32_0 = arith.constant 0 : i32
    %c0_i32_1 = arith.constant 0 : i32
    return %arg0, %c0_i32, %c0_i32_0 : i32, i32, i32
  }
  func.func @transform_11(%arg0: i32) -> (i32, i32, i32) {
    %c0_i32 = arith.constant 0 : i32
    %c0_i32_0 = arith.constant 0 : i32
    %c0_i32_1 = arith.constant 0 : i32
    return %arg0, %c0_i32, %c0_i32_0 : i32, i32, i32
  }
}

module attributes {stable_mosaic.version = 14 : i64} {
  func.func @_final_body(%arg0: i32, %arg1: memref<2048x80xf32, #tpu.memory_space<vmem>>, %arg2: memref<2048x80xf32, #tpu.memory_space<vmem>>, %arg3: memref<2048x80xf32, #tpu.memory_space<vmem>>, %arg4: memref<2048x80xf32, #tpu.memory_space<vmem>>, %arg5: memref<1x128xf32, #tpu.memory_space<vmem>>, %arg6: memref<2048x128xf32, #tpu.memory_space<vmem>>) attributes {dimension_semantics = [#tpu.dimension_semantics<arbitrary>], iteration_bounds = array<i64: 5>, scalar_prefetch = 0 : i64, scratch_operands = 0 : i64, tpu.core_type = #tpu.core_type<tc>, window_params = [{transform_indices = @transform_0, window_bounds = array<i64: 2048, 80>}, {transform_indices = @transform_1, window_bounds = array<i64: 2048, 80>}, {transform_indices = @transform_2, window_bounds = array<i64: 2048, 80>}, {transform_indices = @transform_3, window_bounds = array<i64: 2048, 80>}, {pipeline_mode = #tpu.pipeline_mode<synchronous>, transform_indices = @transform_4, window_bounds = array<i64: 1, 128>}, {transform_indices = @transform_5, window_bounds = array<i64: 2048, 128>}]} {
    %get3A = arith.constant 0 : index
    %get3A_0 = arith.constant 0 : index
    %get3A_1 = vector.load %arg1[%get3A, %get3A_0] : memref<2048x80xf32, #tpu.memory_space<vmem>>, vector<2048x80xf32>
    %get3A_2 = arith.constant 0 : index
    %get3A_3 = arith.constant 0 : index
    %get3A_4 = vector.load %arg2[%get3A_2, %get3A_3] : memref<2048x80xf32, #tpu.memory_space<vmem>>, vector<2048x80xf32>
    %get3A_5 = arith.constant 0 : index
    %get3A_6 = arith.constant 0 : index
    %get3A_7 = vector.load %arg3[%get3A_5, %get3A_6] : memref<2048x80xf32, #tpu.memory_space<vmem>>, vector<2048x80xf32>
    %get3A_8 = arith.constant 0 : index
    %get3A_9 = arith.constant 0 : index
    %get3A_10 = vector.load %arg4[%get3A_8, %get3A_9] : memref<2048x80xf32, #tpu.memory_space<vmem>>, vector<2048x80xf32>
    %get3A_11 = arith.constant 0 : index
    %get3A_12 = arith.constant 0 : index
    %get3A_13 = vector.load %arg5[%get3A_11, %get3A_12] : memref<1x128xf32, #tpu.memory_space<vmem>>, vector<1x128xf32>
    %slice3A = vector.extract_strided_slice %get3A_1 {offsets = [0, 0], sizes = [2048, 64], strides = [1, 1]} : vector<2048x80xf32> to vector<2048x64xf32>
    %slice3A_14 = vector.extract_strided_slice %get3A_7 {offsets = [0, 0], sizes = [2048, 64], strides = [1, 1]} : vector<2048x80xf32> to vector<2048x64xf32>
    %add3A = arith.addf %slice3A, %slice3A_14 : vector<2048x64xf32>
    %slice3A_15 = vector.extract_strided_slice %get3A_4 {offsets = [0, 0], sizes = [2048, 64], strides = [1, 1]} : vector<2048x80xf32> to vector<2048x64xf32>
    %slice3A_16 = vector.extract_strided_slice %get3A_10 {offsets = [0, 0], sizes = [2048, 64], strides = [1, 1]} : vector<2048x80xf32> to vector<2048x64xf32>
    %add3A_17 = arith.addf %slice3A_15, %slice3A_16 : vector<2048x64xf32>
    %concatenate3A = tpu.concatenate %add3A, %add3A_17 in 1 : vector<2048x64xf32>, vector<2048x64xf32> -> vector<2048x128xf32>
    %slice3A_18 = vector.extract_strided_slice %get3A_1 {offsets = [0, 64], sizes = [2048, 1], strides = [1, 1]} : vector<2048x80xf32> to vector<2048x1xf32>
    %slice3A_19 = vector.extract_strided_slice %get3A_7 {offsets = [0, 64], sizes = [2048, 1], strides = [1, 1]} : vector<2048x80xf32> to vector<2048x1xf32>
    %add3A_20 = arith.addf %slice3A_18, %slice3A_19 : vector<2048x1xf32>
    %add3A_21 = arith.constant 1.000000e-16 : f32
    %add3A_22 = vector.broadcast %add3A_21 : f32 to vector<2048x1xf32>
    %add3A_23 = arith.addf %add3A_20, %add3A_22 : vector<2048x1xf32>
    %div3A = vector.broadcast %add3A_23 : vector<2048x1xf32> to vector<2048x128xf32>
    %div3A_24 = arith.divf %concatenate3A, %div3A : vector<2048x128xf32>
    %add3A_25 = vector.broadcast %get3A_13 : vector<1x128xf32> to vector<2048x128xf32>
    %add3A_26 = arith.addf %div3A_24, %add3A_25 : vector<2048x128xf32>
    %swap3A = arith.constant 0 : index
    %swap3A_27 = arith.constant 0 : index
    %swap3A_28 = vector.load %arg6[%swap3A, %swap3A_27] : memref<2048x128xf32, #tpu.memory_space<vmem>>, vector<2048x128xf32>
    tpu.vector_store %arg6[%swap3A, %swap3A_27], %add3A_26 {strides = array<i32>} : memref<2048x128xf32, #tpu.memory_space<vmem>>, vector<2048x128xf32>,
    return
  }
  func.func @transform_0(%arg0: i32) -> (i32, i32) {
    %c0_i32 = arith.constant 0 : i32
    %c0_i32_0 = arith.constant 0 : i32
    return %arg0, %c0_i32 : i32, i32
  }
  func.func @transform_1(%arg0: i32) -> (i32, i32) {
    %c0_i32 = arith.constant 0 : i32
    %c0_i32_0 = arith.constant 0 : i32
    return %arg0, %c0_i32 : i32, i32
  }
  func.func @transform_2(%arg0: i32) -> (i32, i32) {
    %c0_i32 = arith.constant 0 : i32
    %c0_i32_0 = arith.constant 0 : i32
    return %arg0, %c0_i32 : i32, i32
  }
  func.func @transform_3(%arg0: i32) -> (i32, i32) {
    %c0_i32 = arith.constant 0 : i32
    %c0_i32_0 = arith.constant 0 : i32
    return %arg0, %c0_i32 : i32, i32
  }
  func.func @transform_4(%arg0: i32) -> (i32, i32) {
    %c0_i32 = arith.constant 0 : i32
    %c0_i32_0 = arith.constant 0 : i32
    %c0_i32_1 = arith.constant 0 : i32
    return %c0_i32, %c0_i32_0 : i32, i32
  }
  func.func @transform_5(%arg0: i32) -> (i32, i32) {
    %c0_i32 = arith.constant 0 : i32
    %c0_i32_0 = arith.constant 0 : i32
    return %arg0, %c0_i32 : i32, i32
  }
}

</mosaic_0001>

<sc_bundles>
// kernel: kernel.11.cloned.1.call-start
scs
__scs_entry_jumppad:
0x0: {  	(pc) =	sbr.rel $0x88, $3  }
0x1: {  	(tag) =	ssettag $0x0;
	lr =	simm.s32 $0x1  }
0x2: {  	[smem:$0x3F92] =	sst lr;
	_ =	strace $0xD0000000  }
0x3: {  	_ = 	snop  }
0x4: {  	_ = 	snop  }
0x5: {  	_ = 	snop  }
0x6: {  	_ = 	snop  }
0x7: {  	_ = 	snop  }
__scs_overlays_trampoline_lowered:
0x8: {  	[smem:$0x3FA1] =	sst s0  }
0x9: {  	[smem:$0x3FA2] =	sst s1  }
0xa: {  	[smem:$0x3FA3] =	sst s2  }
0xb: {  	[smem:$0x3FA4] =	sst s3  }
0xc: {  	[smem:$0x3FA5] =	sst s4  }
0xd: {  	[smem:$0x3FA6] =	sst s5  }
0xe: {  	[smem:$0x3FA7] =	sst s6  }
0xf: {  	[smem:$0x3FA8] =	sst s7  }
0x10: {  	[smem:$0x3FA9] =	sst s8  }
0x11: {  	[smem:$0x3FAA] =	sst s9;
	s0 =	simm.s32 @!p0 $0x0  }
0x12: {  	s1 =	sld [smem:$0x3F90];
	s0 =	simm.s32 @p0 $0x1  }
0x13: {  	[smem:$0x3FAB] =	sst s0;
	s0 =	simm.s32 @!p1 $0x0  }
0x14: {  	s2 =	sld [smem:$0x3F8F];
	s0 =	simm.s32 @p1 $0x1  }
0x15: {  	[smem:$0x3FAC] =	sst s0;
	s0 =	simm.s32 @!p2 $0x0  }
0x16: {  	s3 =	sld [smem:$0x3FDB];
	s0 =	simm.s32 @p2 $0x1  }
0x17: {  	s4 =	simm.s32 $0x1BF5;
	[smem:$0x3FAE] =	sst s0  }
0x18: {  	s0 =	sld [smem:$0x3F91];
	_ =	swait.ge [sflag:s4], $0x0  }
0x19: {  	s7 =	sld [smem:$0x3F92]  }
0x1a: {  	s8 =	sadd.s32 $0xFFFFE003, lr  }
0x1b: {  	s9 =	sadd.s32 $0xFFFFFEF7, lr;
	s5 =	simm.s32 $0xFFFFFFFF;
	p2 =	slt.u32 s8, $0xFFFFF086  }
0x1c: {  	p1 =	slt.u32 s9, $0xF7A;
	s5 =	simm.s32 @!p2 $0x0  }
0x1d: {  	s5 =	simm.s32 @p1 $0x1;
	p0 =	seq.s32 s7, s2  }
0x1e: {  	s7 =	smul.u32 @!p0 $0xF7A, s2;
	p2 =	seq.s32 @!p0 s5, $0x0  }
0x1f: {  	s9 =	smul.u32 $0xF7A, s1;
	s8 =	simm.s32 @!p0 $0x1BF5;
	p2 =	por !p2, p0  }
0x20: {  	[sflag:s8] =	ssyncset.s32 @!p0 $0xFFFFF086;
	s6 =	sadd.s32 @!p0 s3, s7;
	s7 =	simm.s32 @!p0 $0x108  }
0x21: {  	s3 =	sadd.s32 s3, s9;
	s6 =	sadd.s32 @!p0 $0x88, s6;
	s7 =	simm.s32 @p2 $0x1082  }
0x22: {  	[simem:s7], [sflag:s8] =	dma.local @!p0 [hbm:s6], $0xF7A  }
0x23: {  	s9 =	sor.u32 $0xD0000000, s2;
	s6 =	simm.s32 $0x108;
	_ =	swait.ge @!p0 [sflag:s8], $0x0  }
0x24: {  	s3 =	sadd.s32 $0x88, s3;
	s6 =	simm.s32 @!p1 $0x1082;
	[sflag:s4] =	ssyncset.s32 $0xFFFFF086  }
0x25: {  	[simem:s6], [sflag:s4] =	dma.local [hbm:s3], $0xF7A  }
0x26: {  	[smem:$0x3F92] =	sst s1;
	(tag) =	ssettag s2;
	_ =	strace s9  }
0x27: {  	s1 =	sld [smem:$0x3FA2]  }
0x28: {  	s2 =	sld [smem:$0x3FA3]  }
0x29: {  	s4 =	sld [smem:$0x3FA5]  }
0x2a: {  	p0 =	seq.s32 s5, $0x0;
	s5 =	sld [smem:$0x3FA6]  }
0x2b: {  	s6 =	sld [smem:$0x3FA7]  }
0x2c: {  	s7 =	sld [smem:$0x3FA8]  }
0x2d: {  	s3 =	simm.s32 $0x108;
	s8 =	sld [smem:$0x3FA9]  }
0x2e: {  	s3 =	simm.s32 @!p0 $0x1082;
	s9 =	sld [smem:$0x3FAA]  }
0x2f: {  	lr =	sadd.s32 s0, s3;
	s0 =	sld [smem:$0x3FA1]  }
0x30: {  	s3 =	sld [smem:$0x3FA4]  }
0x31: {  	[smem:$0x3FAD] =	sst s10  }
0x32: {  	s10 =	sld [smem:$0x3FAB];
	_ =	sdelay $0x3  }
0x33: {  	p0 =	seq.s32 s10, $0x1;
	s10 =	sld [smem:$0x3FAD];
	_ =	sdelay $0x3  }
0x34: {  	[smem:$0x3FAD] =	sst s10  }
0x35: {  	s10 =	sld [smem:$0x3FAC];
	_ =	sdelay $0x3  }
0x36: {  	p1 =	seq.s32 s10, $0x1;
	s10 =	sld [smem:$0x3FAD];
	_ =	sdelay $0x3  }
0x37: {  	[smem:$0x3FAD] =	sst s10  }
0x38: {  	s10 =	sld [smem:$0x3FAE]  }
0x39: {  	_ = 	snop;
	(pc) =	sbr.ind lr, $3  }
0x3a: {  	_ = 	snop  }
0x3b: {  	_ = 	snop  }
0x3c: {  	p2 =	seq.s32 s10, $0x1;
	s10 =	sld [smem:$0x3FAD]  }
0x3d: {  	_ =	shalt  }
0x3e: {  	_ =	shalt  }
0x3f: {  	_ =	shalt  }
0x40: {  	_ =	shalt  }
0x41: {  	_ =	shalt  }
0x42: {  	_ =	shalt  }
0x43: {  	_ =	shalt  }
0x44: {  	_ =	shalt  }
0x45: {  	_ =	shalt  }
0x46: {  	_ =	shalt  }
0x47: {  	_ =	shalt  }
0x48: {  	_ =	shalt  }
0x49: {  	_ =	shalt  }
0x4a: {  	_ =	shalt  }
0x4b: {  	_ =	shalt  }
0x4c: {  	_ =	shalt  }
0x4d: {  	_ =	shalt  }
0x4e: {  	_ =	shalt  }
0x4f: {  	_ =	shalt  }
0x50: {  	_ =	shalt  }
0x51: {  	_ =	shalt  }
0x52: {  	_ =	shalt  }
0x53: {  	_ =	shalt  }
0x54: {  	_ =	shalt  }
0x55: {  	_ =	shalt  }
0x56: {  	_ =	shalt  }
0x57: {  	_ =	shalt  }
0x58: {  	_ =	shalt  }
0x59: {  	_ =	shalt  }
0x5a: {  	_ =	shalt  }
0x5b: {  	_ =	shalt  }
0x5c: {  	_ =	shalt  }
0x5d: {  	_ =	shalt  }
0x5e: {  	_ =	shalt  }
0x5f: {  	_ =	shalt  }
0x60: {  	_ =	shalt  }
0x61: {  	_ =	shalt  }
0x62: {  	_ =	shalt  }
0x63: {  	_ =	shalt  }
0x64: {  	_ =	shalt  }
0x65: {  	_ =	shalt  }
0x66: {  	_ =	shalt  }
0x67: {  	_ =	shalt  }
0x68: {  	_ =	shalt  }
0x69: {  	_ =	shalt  }
0x6a: {  	_ =	shalt  }
0x6b: {  	_ =	shalt  }
0x6c: {  	_ =	shalt  }
0x6d: {  	_ =	shalt  }
0x6e: {  	_ =	shalt  }
0x6f: {  	_ =	shalt  }
0x70: {  	_ =	shalt  }
0x71: {  	_ =	shalt  }
0x72: {  	_ =	shalt  }
0x73: {  	_ =	shalt  }
0x74: {  	_ =	shalt  }
0x75: {  	_ =	shalt  }
0x76: {  	_ =	shalt  }
0x77: {  	_ =	shalt  }
0x78: {  	_ =	shalt  }
0x79: {  	_ =	shalt  }
0x7a: {  	_ =	shalt  }
0x7b: {  	_ =	shalt  }
0x7c: {  	_ =	shalt  }
0x7d: {  	_ =	shalt  }
0x7e: {  	_ =	shalt  }
0x7f: {  	_ =	shalt  }
0x80: {  	_ =	shalt  }
0x81: {  	_ =	shalt  }
0x82: {  	_ =	shalt  }
0x83: {  	_ =	shalt  }
0x84: {  	_ =	shalt  }
0x85: {  	_ =	shalt  }
0x86: {  	_ =	shalt  }
0x87: {  	_ =	shalt  }
.Lfunc_end0:
.L_simem_size_0:
called_computation.1_lowered:
.L_overlay_start_0:
0x88: {  	s2 =	sld [smem:$0x3FD9]  }
0x89: {  	s3 =	sld [smem:$0x3FFE];
	_ =	sdelay $0x1  }
0x8a: {  	s1 =	srdreg.scid  }
0x8b: {  	s0 =	sand.u32 $0x1, s1  }
0x8c: {  	s17 =	sshll.u32 s0, $0xA;
	s2 =	sadd.s32 s3, s2  }
0x8d: {  	s2 =	sadd.s32 s2, s17  }
0x8e: {  	[smem:$0x3FB9] =	sst s2  }
0x8f: {  	_ = 	snop  }
0x90: {  	s2 =	sld [smem:$0x3FD0];
	(tm) =	ssettm $0x1  }
0x91: {  	s18 =	sld [smem:$0x3FFB];
	_ =	sdelay $0x3  }
0x92: {  	_ =	strace s18  }
0x93: {  	s3 =	sld [smem:$0x3FFC];
	_ =	sdelay $0x3  }
0x94: {  	_ =	strace s3  }
0x95: {  	s3 =	sld [smem:$0x3FFD];
	_ =	sdelay $0x3  }
0x96: {  	_ =	strace s3  }
0x97: {  	_ =	strace $0x8FFFFFFF  }
0x98: {  	s19 =	sld [smem:$0x3FDB];
	_ =	sdelay $0x1  }
0x99: {  	s4 =	simm.s32 $_scs_section_size  }
0x9a: {  	s5 =	simm.s32 $_size__tile_overlayer_lowered;
	s6 =	simm.s32 $_tile_overlayer_lowered  }
0x9b: {  	s22 =	simm.s32 $0x1BFF;
	s21 =	sshll.u32 s6, $0x1;
	s3 =	sadd.s32 s4, s19  }
0x9c: {  	s7 =	simm.s32 $0x0;
	s20 =	sshll.u32 s5, $0x1;
	s5 =	sadd.s32 s21, s3  }
0x9d: {  	[timem:s7], [sflag:s22] =	dma.local [hbm:s5], s20  }
0x9e: {  	_ =	swait.ge [sflag:s22], s20  }
0x9f: {  	s4 =	ssub.s32 $0x0, s20;
	[sflag:s22] =	ssyncset.done $0x0  }
0xa0: {  	[sflag:s22] =	ssyncadd.s32 s4;
	_ =	sdelay $0x1  }
0xa1: {  	s23 =	simm.s32 $0x1B8B  }
0xa2: {  	_ =	swait.ge [sflag:s23], $0x1  }
0xa3: {  	[sflag:s23] =	ssyncset.done $0x0  }
0xa4: {  	s25 =	simm.s32 $0x1B8E;
	s24 =	sld [smem:$0x3FFE];
	[sflag:s23] =	ssyncadd.s32 $0xFFFFFFFF  }
0xa5: {  	s26 =	simm.s32 $execute0_lowered;
	[smem:$0x3FD2] =	sst s25  }
0xa6: {  	s5 =	sshll.u32 s26, $0x1;
	_ =	strace $0x80000049;
	[dreg:$0x1] =	wrdreg $0xFFFFFFFF  }
0xa7: {  	s28 =	simm.s32 $_size_execute0_lowered;
	s3 =	sadd.s32 s3, s5;
	[dreg:$0x0] =	wrdreg $0x0  }
0xa8: {  	s5 =	sshll.u32 s28, $0x1;
	[dreg:$0x2] =	wrdreg s3  }
0xa9: {  	[dreg:$0x3] =	wrdreg s5  }
0xaa: {  	[dreg:$0x4] =	wrdreg $0xC0  }
0xab: {  	_ =	task [dreg:s7], $0x5FFFF  }
0xac: {  	[dreg:$0x1] =	wrdreg $0xFFFFFFFF  }
0xad: {  	[dreg:$0x0] =	wrdreg $0x60  }
0xae: {  	[dreg:$0x2] =	wrdreg s2  }
0xaf: {  	[dreg:$0x3] =	wrdreg s24  }
0xb0: {  	[dreg:$0x4] =	wrdreg $0x10D000  }
0xb1: {  	[dreg:$0x5] =	wrdreg $0x9  }
0xb2: {  	_ =	task.clear_ibuf [dreg:s7], $0x6FFFF;
	_ =	strace $0x90000049  }
0xb3: {  	s29 =	simm.s32 $0x9;
	_ =	strace $0x8000004B  }
0xb4: {  	_ =	swait.ge [sflag:s29], $0x1  }
0xb5: {  	[sflag:s29] =	ssyncadd.s32 $0xFFFFFFFF  }
0xb6: {  	_ =	strace $0x9000004B  }
0xb7: {  	_ =	sfence  }
0xb8: {  	s30 =	sld [smem:$0x0];
	_ =	sdelay $0x2  }
0xb9: {  	s31 =	sshll.u32 s1, $0xD;
	s1 =	sshrl.u32 s1, $0x2  }
0xba: {  	s3 =	sand.u32 $0x4000, s31;
	s1 =	sadd.s32 s1, s30  }
0xbb: {  	s0 =	sor.u32 s3, s0;
	s1 =	sshll.u32 s1, $0x11  }
0xbc: {  	s0 =	sor.u32 s1, s0  }
0xbd: {  	s0 =	sadd.s32 $0x8F2B, s0  }
0xbe: {  	[sflag:s0] =	ssyncadd.remote.s32 $0x1  }
0xbf: {  	_ =	sfence.sel $0xFFFF  }
0xc0: {  	[dreg:$0x0] =	wrdreg $0xFFFFFFFF;
	(pc) =	sbr.abs _section_cstart, $3  }
0xc1: {  	[dreg:$0x1] =	wrdreg $0xFFFFFFFF  }
0xc2: {  	_ =	task.clear_ibuf [dreg:s7], $0x2FFFF;
	_ =	strace $0x9FFFFFFF  }
0xc3: {  	(tm) =	ssettm $0x7FFFFFFF  }
tec
execute0_lowered:
.L_overlay_start_1:
0x0: {  	(tag) =	ssettag $0x1  }
0x1: {  	s1 =	rddreg [dreg:$0x0]  }
0x2: {  	s0 =	rddreg [dreg:$0x1]  }
0x3: {  	s2 =	rddreg [dreg:$0x2]  }
0x4: {  	s3 =	srdreg.scid;
	s9 =	stileid.u32  }
0x5: {  	s28 =	simm.s32 $0x40;
	s29 =	simm.s32 $0xC800;
	s30 =	simm.s32 $0xD800  }
0x6: {  	s31 =	simm.s32 $0xE800;
	s5 =	sand.u32 $0x1, s3;
	s3 =	simm.s32 $0x0  }
0x7: {  	s7 =	sadd.s32 $0x4A00, s0;
	s8 =	sadd.s32 $0x5000, s0;
	s16 =	smul.u32 $0xC800, s9  }
0x8: {  	s4 =	sshll.u32 s5, $0x4;
	[smem:$0x7FF] =	sst s3;
	s14 =	smul.u32 $0x32000, s5  }
0x9: {  	s5 =	ssub.s32 $0x2, s5;
	_ =	strace $0x8000004A;
	[dreg:$0x4] =	wrdreg s7  }
0xa: {  	s6 =	sor.u32 s9, s4;
	s4 =	sadd.s32 $0x5600, s0;
	[dreg:$0x5] =	wrdreg s8  }
0xb: {  	s15 =	sshrl.u32 s5, $0x1;
	s11 =	sshrl.u32 s16, $0x3;
	s20 =	sadd.s32 $0x2800, s16  }
0xc: {  	s21 =	sadd.s32 s16, s2;
	s22 =	sadd.s32 $0x5000, s16;
	s23 =	sadd.s32 $0x7800, s16  }
0xd: {  	s24 =	sadd.s32 $0xA000, s16;
	s6 =	smul.u32 $0x500, s6;
	s5 =	ssub.s32 s5, s15  }
0xe: {  	[dreg:$0x9] =	wrdreg s21;
	s13 =	sshrl.u32 s20, $0x3;
	s25 =	sadd.s32 s24, s2  }
0xf: {  	s15 =	sshrl.u32 s22, $0x3;
	s17 =	sshrl.u32 s23, $0x3;
	[dreg:$0xd] =	wrdreg s25  }
0x10: {  	s26 =	smax.u32 s5, $0x1;
	s25 =	simm.s32 $0x2;
	s6 =	sadd.s32 s6, s0  }
0x11: {  	s0 =	sadd.s32 s14, s0;
	[dreg:$0xe] =	wrdreg s26;
	s18 =	sadd.s32 $0x2D600, s6  }
0x12: {  	s26 =	simm.s32 $0x4;
	s19 =	sadd.s32 $0x23600, s6;
	[dreg:$0x6] =	wrdreg s18  }
0x13: {  	s6 =	sadd.s32 $0x9B600, s6;
	s10 =	sadd.s32 $0x37600, s0;
	[dreg:$0x7] =	wrdreg s19  }
0x14: {  	s0 =	sadd.s32 s20, s2;
	s20 =	simm.s32 $0x27C0;
	[dreg:$0x8] =	wrdreg s6  }
0x15: {  	[dreg:$0xa] =	wrdreg s0;
	s6 =	sadd.s32 s22, s2;
	s0 =	sadd.s32 s23, s2  }
0x16: {  	s19 =	sshrl.u32 s24, $0x3;
	s22 =	simm.s32 $0x5;
	s23 =	simm.s32 $0x1  }
0x17: {  	s24 =	simm.s32 $0x3;
	s18 =	simm.s32 $0x2780;
	[dreg:$0xb] =	wrdreg s6  }
0x18: {  	v0 =	vimm.f32 $0.0e+00;
	[dreg:$0xc] =	wrdreg s0;
	s0 =	simm.s32 $0xF800;
	s6 =	simm.s32 $0x0  }
.LBB2_1:
0x19: {  	s2 =	rddreg [dreg:$0x6]  }
0x1a: {  	[tilespmem:s3], [sflag:$0x5] =	stream.linear.gather [hbm4b:s2+s3], $0x2800, $0x38;
	[tilespmem:$0x1D500] =	vst v63  }
0x1b: {  	_ =	swait.ge [sflag:s22], $0x2800  }
0x1c: {  	[sflag:s22] =	ssyncset.done $0x0  }
0x1d: {  	s5 =	simm.s32 $0x2800;
	s14 =	rddreg [dreg:$0x7];
	[sflag:s22] =	ssyncadd.s32 $0xFFFFD800  }
0x1e: {  	[tilespmem:s5], [sflag:$0x5] =	stream.linear.gather [hbm4b:s14+s3], $0x2800, $0x38;
	[tilespmem:$0x1D500] =	vst v63  }
0x1f: {  	_ =	swait.ge [sflag:s22], $0x2800  }
0x20: {  	[sflag:s22] =	ssyncset.done $0x0  }
0x21: {  	s21 =	simm.s32 $0x5000;
	s16 =	rddreg [dreg:$0x8];
	[sflag:s22] =	ssyncadd.s32 $0xFFFFD800  }
0x22: {  	[tilespmem:s21], [sflag:$0x5] =	stream.linear.gather [hbm4b:s16+s3], $0x2800, $0x38;
	[tilespmem:$0x1D500] =	vst v63  }
0x23: {  	_ =	swait.ge [sflag:s22], $0x2800  }
0x24: {  	[sflag:s22] =	ssyncset.done $0x0  }
0x25: {  	s8 =	simm.s32 $0x7800;
	s7 =	rddreg [dreg:$0x4];
	[sflag:s22] =	ssyncadd.s32 $0xFFFFD800  }
0x26: {  	[tilespmem:s8], [sflag:$0x5] =	stream.linear.gather [hbm4b:s7+s3], $0x2800, $0x38;
	[tilespmem:$0x1D500] =	vst v63  }
0x27: {  	_ =	swait.ge [sflag:s22], $0x2800  }
0x28: {  	[sflag:s22] =	ssyncset.done $0x0  }
0x29: {  	s12 =	simm.s32 $0xA000;
	s9 =	rddreg [dreg:$0x5];
	[sflag:s22] =	ssyncadd.s32 $0xFFFFD800  }
0x2a: {  	[tilespmem:s12], [sflag:$0x5] =	stream.linear.gather [hbm4b:s9+s3], $0x2800, $0x38;
	[tilespmem:$0x1D500] =	vst v63  }
0x2b: {  	_ =	swait.ge [sflag:s22], $0x2800  }
0x2c: {  	[sflag:s22] =	ssyncset.done $0x0  }
0x2d: {  	[sflag:s22] =	ssyncadd.s32 $0xFFFFD800  }
0x2e: {  	[tilespmem:$0x10800] =	vst v0  }
0x2f: {  	[tilespmem:$0x10810] =	vst v0  }
0x30: {  	[tilespmem:$0x10820] =	vst v0  }
0x31: {  	[tilespmem:$0x10830] =	vst v0  }
0x32: {  	[tilespmem:$0x10840] =	vst v0  }
0x33: {  	[tilespmem:$0x10A80] =	vst v0  }
0x34: {  	[tilespmem:$0x10A90] =	vst v0  }
0x35: {  	[tilespmem:$0x10AA0] =	vst v0  }
0x36: {  	[tilespmem:$0x10AB0] =	vst v0  }
0x37: {  	[tilespmem:$0x10AC0] =	vst v0  }
0x38: {  	[tilespmem:$0x10850] =	vst v0  }
0x39: {  	[tilespmem:$0x10860] =	vst v0  }
0x3a: {  	[tilespmem:$0x10870] =	vst v0  }
0x3b: {  	[tilespmem:$0x10880] =	vst v0  }
0x3c: {  	[tilespmem:$0x10890] =	vst v0  }
0x3d: {  	[tilespmem:$0x10AD0] =	vst v0  }
0x3e: {  	[tilespmem:$0x10AE0] =	vst v0  }
0x3f: {  	[tilespmem:$0x10AF0] =	vst v0  }
0x40: {  	[tilespmem:$0x10B00] =	vst v0  }
0x41: {  	[tilespmem:$0x10B10] =	vst v0  }
0x42: {  	[tilespmem:$0x108A0] =	vst v0  }
0x43: {  	[tilespmem:$0x108B0] =	vst v0  }
0x44: {  	[tilespmem:$0x108C0] =	vst v0  }
0x45: {  	[tilespmem:$0x108D0] =	vst v0  }
0x46: {  	[tilespmem:$0x108E0] =	vst v0  }
0x47: {  	[tilespmem:$0x10B20] =	vst v0  }
0x48: {  	[tilespmem:$0x10B30] =	vst v0  }
0x49: {  	[tilespmem:$0x10B40] =	vst v0  }
0x4a: {  	[tilespmem:$0x10B50] =	vst v0  }
0x4b: {  	[tilespmem:$0x10B60] =	vst v0  }
0x4c: {  	[tilespmem:$0x108F0] =	vst v0  }
0x4d: {  	[tilespmem:$0x10900] =	vst v0  }
0x4e: {  	[tilespmem:$0x10910] =	vst v0  }
0x4f: {  	[tilespmem:$0x10920] =	vst v0  }
0x50: {  	[tilespmem:$0x10930] =	vst v0  }
0x51: {  	[tilespmem:$0x10B70] =	vst v0  }
0x52: {  	[tilespmem:$0x10B80] =	vst v0  }
0x53: {  	[tilespmem:$0x10B90] =	vst v0  }
0x54: {  	[tilespmem:$0x10BA0] =	vst v0  }
0x55: {  	[tilespmem:$0x10BB0] =	vst v0  }
0x56: {  	[tilespmem:$0x10940] =	vst v0  }
0x57: {  	[tilespmem:$0x10950] =	vst v0  }
0x58: {  	[tilespmem:$0x10960] =	vst v0  }
0x59: {  	[tilespmem:$0x10970] =	vst v0  }
0x5a: {  	[tilespmem:$0x10980] =	vst v0  }
0x5b: {  	[tilespmem:$0x10BC0] =	vst v0  }
0x5c: {  	[tilespmem:$0x10BD0] =	vst v0  }
0x5d: {  	[tilespmem:$0x10BE0] =	vst v0  }
0x5e: {  	[tilespmem:$0x10BF0] =	vst v0  }
0x5f: {  	[tilespmem:$0x10C00] =	vst v0  }
0x60: {  	[tilespmem:$0x10990] =	vst v0  }
0x61: {  	[tilespmem:$0x109A0] =	vst v0  }
0x62: {  	[tilespmem:$0x109B0] =	vst v0  }
0x63: {  	[tilespmem:$0x109C0] =	vst v0  }
0x64: {  	[tilespmem:$0x109D0] =	vst v0  }
0x65: {  	[tilespmem:$0x10C10] =	vst v0  }
0x66: {  	[tilespmem:$0x10C20] =	vst v0  }
0x67: {  	[tilespmem:$0x10C30] =	vst v0  }
0x68: {  	[tilespmem:$0x10C40] =	vst v0  }
0x69: {  	[tilespmem:$0x10C50] =	vst v0  }
0x6a: {  	[tilespmem:$0x109E0] =	vst v0  }
0x6b: {  	[tilespmem:$0x109F0] =	vst v0  }
0x6c: {  	[tilespmem:$0x10A00] =	vst v0  }
0x6d: {  	[tilespmem:$0x10A10] =	vst v0  }
0x6e: {  	[tilespmem:$0x10A20] =	vst v0  }
0x6f: {  	[tilespmem:$0x10C60] =	vst v0  }
0x70: {  	[tilespmem:$0x10C70] =	vst v0  }
0x71: {  	[tilespmem:$0x10C80] =	vst v0  }
0x72: {  	[tilespmem:$0x10C90] =	vst v0  }
0x73: {  	[tilespmem:$0x10CA0] =	vst v0  }
0x74: {  	[tilespmem:$0x10A30] =	vst v0  }
0x75: {  	[tilespmem:$0x10A40] =	vst v0  }
0x76: {  	[tilespmem:$0x10A50] =	vst v0  }
0x77: {  	[tilespmem:$0x10A60] =	vst v0  }
0x78: {  	[tilespmem:$0x10A70] =	vst v0  }
0x79: {  	[tilespmem:$0x10CB0] =	vst v0  }
0x7a: {  	[tilespmem:$0x10CC0] =	vst v0  }
0x7b: {  	[tilespmem:$0x10CD0] =	vst v0  }
0x7c: {  	[tilespmem:$0x10CE0] =	vst v0  }
0x7d: {  	[tilespmem:$0x10CF0] =	vst v0  }
0x7e: {  	[bflag:$0x0] =	sbarrier.arrive $0xFFFF  }
0x7f: {  	[tilespmem:s29], [sflag:$0x1] =	stream.indirect.gather [hbm4b:s1+s28], $0x40, s3, s28, $0xb8;
	[tilespmem:$0x1D500] =	vst v63  }
0x80: {  	_ = 	snop  }
0x81: {  	[tilespmem:s30], [sflag:$0x3] =	stream.indirect.gather [hbm4b:s1+s28], $0x40, s28, s28, $0xb8;
	[tilespmem:$0x1D500] =	vst v63  }
0x82: {  	s7 =	simm.s32 $0x80  }
0x83: {  	[tilespmem:s31], [sflag:$0x2] =	stream.indirect.gather [hbm4b:s1+s28], $0x40, s7, s28, $0xb8;
	[tilespmem:$0x1D500] =	vst v63  }
0x84: {  	s14 =	simm.s32 $0xC0  }
0x85: {  	[tilespmem:s0], [sflag:$0x4] =	stream.indirect.gather [hbm4b:s1+s28], $0x40, s14, s28, $0xb8;
	[tilespmem:$0x1D500] =	vst v63  }
0x86: {  	_ =	swait.ge [sflag:s23], $0x1000  }
0x87: {  	[sflag:s23] =	ssyncset.done $0x0  }
0x88: {  	[sflag:s23] =	ssyncadd.s32 $0xFFFFF000  }
0x89: {  	_ =	swait.ge [sflag:s24], $0x1000  }
0x8a: {  	[sflag:s24] =	ssyncset.done $0x0  }
0x8b: {  	s16 =	simm.s32 $0x100;
	[sflag:s24] =	ssyncadd.s32 $0xFFFFF000  }
0x8c: {  	[tilespmem:s29], [sflag:$0x1] =	stream.indirect.gather [hbm4b:s1+s28], $0x40, s16, s28, $0xb8;
	[tilespmem:$0x1D500] =	vst v63  }
0x8d: {  	s21 =	simm.s32 $0x140  }
0x8e: {  	[tilespmem:s30], [sflag:$0x3] =	stream.indirect.gather [hbm4b:s1+s28], $0x40, s21, s28, $0xb8;
	[tilespmem:$0x1D500] =	vst v63  }
0x8f: {  	_ =	swait.ge [sflag:s25], $0x1000  }
0x90: {  	[sflag:s25] =	ssyncset.done $0x0  }
0x91: {  	[sflag:s25] =	ssyncadd.s32 $0xFFFFF000  }
0x92: {  	_ =	swait.ge [sflag:s26], $0x1000  }
0x93: {  	s8 =	simm.s32 $0xFFFF6C00;
	s7 =	simm.s32 $0xFFFFDA00;
	[sflag:s26] =	ssyncset.done $0x0  }
.LBB2_2:
0x94: {  	s9 =	sadd.s32 $0x2780, s7  }
0x95: {  	[sflag:s26] =	ssyncadd.s32 $0xFFFFF000;
	s12 =	smov.u32 s8;
	s14 =	sadd.s32 $0x400, s8  }
0x96: {  	[tilespmem:s31], [sflag:$0x2] =	stream.indirect.gather [hbm4b:s1+s28], $0x40, s9, s28, $0xb8;
	[tilespmem:$0x1D500] =	vst v63  }
0x97: {  	p0 =	sne.s32 s8, $0xFFFFFC00;
	s8 =	sadd.s32 $0x27C0, s7  }
0x98: {  	[tilespmem:s0], [sflag:$0x4] =	stream.indirect.gather [hbm4b:s1+s28], $0x40, s8, s28, $0xb8;
	[tilespmem:$0x1D500] =	vst v63  }
0x99: {  	_ =	swait.ge [sflag:s23], $0x1000  }
0x9a: {  	[sflag:s23] =	ssyncset.done $0x0  }
0x9b: {  	[sflag:s23] =	ssyncadd.s32 $0xFFFFF000  }
0x9c: {  	_ =	swait.ge [sflag:s24], $0x1000  }
0x9d: {  	[sflag:s24] =	ssyncset.done $0x0  }
0x9e: {  	s8 =	sadd.s32 $0x2800, s7;
	[sflag:s24] =	ssyncadd.s32 $0xFFFFF000  }
0x9f: {  	[tilespmem:s29], [sflag:$0x1] =	stream.indirect.gather [hbm4b:s1+s28], $0x40, s8, s28, $0xb8;
	[tilespmem:$0x1D500] =	vst v63  }
0xa0: {  	s7 =	sadd.s32 $0x2840, s7  }
0xa1: {  	[tilespmem:s30], [sflag:$0x3] =	stream.indirect.gather [hbm4b:s1+s28], $0x40, s7, s28, $0xb8;
	[tilespmem:$0x1D500] =	vst v63  }
.Ltmp0:
0xa2: {  	_ =	swait.ge [sflag:s25], $0x1000;
	(pc) =	sbr.rel @p0 .LBB2_2-.Ltmp0, $4  }
0xa3: {  	[sflag:s25] =	ssyncset.done $0x0  }
0xa4: {  	[sflag:s25] =	ssyncadd.s32 $0xFFFFF000  }
0xa5: {  	_ =	swait.ge [sflag:s26], $0x1000  }
0xa6: {  	s8 =	smov.u32 s14;
	s7 =	sshra.s32 s12, $0x2;
	[sflag:s26] =	ssyncset.done $0x0  }
0xa7: {  	s8 =	sadd.s32 $0x2780, s7;
	[sflag:s26] =	ssyncadd.s32 $0xFFFFF000  }
0xa8: {  	[tilespmem:s31], [sflag:$0x2] =	stream.indirect.gather [hbm4b:s1+s28], $0x40, s8, s28, $0xb8;
	[tilespmem:$0x1D500] =	vst v63  }
0xa9: {  	s21 =	sadd.s32 $0x27C0, s7  }
0xaa: {  	[tilespmem:s0], [sflag:$0x4] =	stream.indirect.gather [hbm4b:s1+s28], $0x40, s21, s28, $0xb8;
	[tilespmem:$0x1D500] =	vst v63  }
0xab: {  	_ =	swait.ge [sflag:s23], $0x1000  }
0xac: {  	[sflag:s23] =	ssyncset.done $0x0  }
0xad: {  	[sflag:s23] =	ssyncadd.s32 $0xFFFFF000  }
0xae: {  	_ =	swait.ge [sflag:s24], $0x1000  }
0xaf: {  	[sflag:s24] =	ssyncset.done $0x0  }
0xb0: {  	s2 =	sadd.s32 $0x2800, s7;
	[sflag:s24] =	ssyncadd.s32 $0xFFFFF000  }
0xb1: {  	[tilespmem:s29], [sflag:$0x1] =	stream.indirect.gather [hbm4b:s1+s28], $0x40, s2, s28, $0xb8;
	[tilespmem:$0x1D500] =	vst v63  }
0xb2: {  	s5 =	sadd.s32 $0x2840, s7  }
0xb3: {  	[tilespmem:s30], [sflag:$0x3] =	stream.indirect.gather [hbm4b:s1+s28], $0x40, s5, s28, $0xb8;
	[tilespmem:$0x1D500] =	vst v63  }
0xb4: {  	_ =	swait.ge [sflag:s25], $0x1000  }
0xb5: {  	[sflag:s25] =	ssyncset.done $0x0  }
0xb6: {  	[sflag:s25] =	ssyncadd.s32 $0xFFFFF000  }
0xb7: {  	_ =	swait.ge [sflag:s26], $0x1000  }
0xb8: {  	[sflag:s26] =	ssyncset.done $0x0  }
0xb9: {  	[sflag:s26] =	ssyncadd.s32 $0xFFFFF000  }
0xba: {  	[tilespmem:s31], [sflag:$0x2] =	stream.indirect.gather [hbm4b:s1+s28], $0x40, s18, s28, $0xb8;
	[tilespmem:$0x1D500] =	vst v63  }
0xbb: {  	_ = 	snop  }
0xbc: {  	[tilespmem:s0], [sflag:$0x4] =	stream.indirect.gather [hbm4b:s1+s28], $0x40, s20, s28, $0xb8;
	[tilespmem:$0x1D500] =	vst v63  }
0xbd: {  	_ =	swait.ge [sflag:s23], $0x1000  }
0xbe: {  	[sflag:s23] =	ssyncset.done $0x0  }
0xbf: {  	[sflag:s23] =	ssyncadd.s32 $0xFFFFF000  }
0xc0: {  	_ =	swait.ge [sflag:s24], $0x1000  }
0xc1: {  	[sflag:s24] =	ssyncset.done $0x0  }
0xc2: {  	[sflag:s24] =	ssyncadd.s32 $0xFFFFF000  }
0xc3: {  	_ =	swait.ge [sflag:s25], $0x1000  }
0xc4: {  	[sflag:s25] =	ssyncset.done $0x0  }
0xc5: {  	[sflag:s25] =	ssyncadd.s32 $0xFFFFF000  }
0xc6: {  	_ =	swait.ge [sflag:s26], $0x1000  }
0xc7: {  	[sflag:s26] =	ssyncset.done $0x0  }
0xc8: {  	[sflag:s26] =	ssyncadd.s32 $0xFFFFF000  }
0xc9: {  	s2 =	stileid.u32;
	[bflag:$0x0] =	sbarrier.arrive $0xFFFF  }
0xca: {  	s8 =	sshll.u32 s2, $0x6;
	s12 =	rddreg [dreg:$0x9]  }
0xcb: {  	s9 =	sadd.s32 s11, s10;
	s7 =	sor.u32 $0x1C05, s8;
	s8 =	sshrl.u32 s12, $0x3  }
0xcc: {  	[hbm:s9], [sflag:s7] =	dma.local [spmem:s8], $0x500  }
0xcd: {  	_ =	swait.ge [sflag:s22], $0x500  }
0xce: {  	[sflag:s22] =	ssyncset.done $0x0;
	s14 =	rddreg [dreg:$0xa]  }
0xcf: {  	s12 =	sadd.s32 s13, s10;
	[sflag:s22] =	ssyncadd.s32 $0xFFFFFB00;
	s9 =	sshrl.u32 s14, $0x3  }
0xd0: {  	[hbm:s12], [sflag:s7] =	dma.local [spmem:s9], $0x500  }
0xd1: {  	_ =	swait.ge [sflag:s22], $0x500  }
0xd2: {  	[sflag:s22] =	ssyncset.done $0x0;
	s16 =	rddreg [dreg:$0xb]  }
0xd3: {  	s14 =	sadd.s32 s15, s10;
	[sflag:s22] =	ssyncadd.s32 $0xFFFFFB00;
	s12 =	sshrl.u32 s16, $0x3  }
0xd4: {  	[hbm:s14], [sflag:s7] =	dma.local [spmem:s12], $0x500  }
0xd5: {  	_ =	swait.ge [sflag:s22], $0x500  }
0xd6: {  	[sflag:s22] =	ssyncset.done $0x0;
	s18 =	rddreg [dreg:$0xc]  }
0xd7: {  	s16 =	sadd.s32 s17, s10;
	[sflag:s22] =	ssyncadd.s32 $0xFFFFFB00;
	s14 =	sshrl.u32 s18, $0x3  }
0xd8: {  	[hbm:s16], [sflag:s7] =	dma.local [spmem:s14], $0x500  }
0xd9: {  	_ =	swait.ge [sflag:s22], $0x500  }
0xda: {  	[sflag:s22] =	ssyncset.done $0x0;
	s21 =	rddreg [dreg:$0xd]  }
0xdb: {  	s20 =	sadd.s32 s19, s10;
	[sflag:s22] =	ssyncadd.s32 $0xFFFFFB00;
	s16 =	sshrl.u32 s21, $0x3  }
0xdc: {  	[hbm:s20], [sflag:s7] =	dma.local [spmem:s16], $0x500  }
0xdd: {  	_ =	swait.ge [sflag:s22], $0x500  }
0xde: {  	[sflag:s22] =	ssyncset.done $0x0  }
0xdf: {  	[sflag:s22] =	ssyncadd.s32 $0xFFFFFB00  }
0xe0: {  	[tilespmem:$0x10800] =	vst v0  }
0xe1: {  	[tilespmem:$0x10810] =	vst v0  }
0xe2: {  	[tilespmem:$0x10820] =	vst v0  }
0xe3: {  	[tilespmem:$0x10830] =	vst v0  }
0xe4: {  	[tilespmem:$0x10840] =	vst v0  }
0xe5: {  	[tilespmem:$0x10A80] =	vst v0  }
0xe6: {  	[tilespmem:$0x10A90] =	vst v0  }
0xe7: {  	[tilespmem:$0x10AA0] =	vst v0  }
0xe8: {  	[tilespmem:$0x10AB0] =	vst v0  }
0xe9: {  	[tilespmem:$0x10AC0] =	vst v0  }
0xea: {  	[tilespmem:$0x10850] =	vst v0  }
0xeb: {  	[tilespmem:$0x10860] =	vst v0  }
0xec: {  	[tilespmem:$0x10870] =	vst v0  }
0xed: {  	[tilespmem:$0x10880] =	vst v0  }
0xee: {  	[tilespmem:$0x10890] =	vst v0  }
0xef: {  	[tilespmem:$0x10AD0] =	vst v0  }
0xf0: {  	[tilespmem:$0x10AE0] =	vst v0  }
0xf1: {  	[tilespmem:$0x10AF0] =	vst v0  }
0xf2: {  	[tilespmem:$0x10B00] =	vst v0  }
0xf3: {  	[tilespmem:$0x10B10] =	vst v0  }
0xf4: {  	[tilespmem:$0x108A0] =	vst v0  }
0xf5: {  	[tilespmem:$0x108B0] =	vst v0  }
0xf6: {  	[tilespmem:$0x108C0] =	vst v0  }
0xf7: {  	[tilespmem:$0x108D0] =	vst v0  }
0xf8: {  	[tilespmem:$0x108E0] =	vst v0  }
0xf9: {  	[tilespmem:$0x10B20] =	vst v0  }
0xfa: {  	[tilespmem:$0x10B30] =	vst v0  }
0xfb: {  	[tilespmem:$0x10B40] =	vst v0  }
0xfc: {  	[tilespmem:$0x10B50] =	vst v0  }
0xfd: {  	[tilespmem:$0x10B60] =	vst v0  }
0xfe: {  	[tilespmem:$0x108F0] =	vst v0  }
0xff: {  	[tilespmem:$0x10900] =	vst v0  }
0x100: {  	[tilespmem:$0x10910] =	vst v0  }
0x101: {  	[tilespmem:$0x10920] =	vst v0  }
0x102: {  	[tilespmem:$0x10930] =	vst v0  }
0x103: {  	[tilespmem:$0x10B70] =	vst v0  }
0x104: {  	[tilespmem:$0x10B80] =	vst v0  }
0x105: {  	[tilespmem:$0x10B90] =	vst v0  }
0x106: {  	[tilespmem:$0x10BA0] =	vst v0  }
0x107: {  	[tilespmem:$0x10BB0] =	vst v0  }
0x108: {  	[tilespmem:$0x10940] =	vst v0  }
0x109: {  	[tilespmem:$0x10950] =	vst v0  }
0x10a: {  	[tilespmem:$0x10960] =	vst v0  }
0x10b: {  	[tilespmem:$0x10970] =	vst v0  }
0x10c: {  	[tilespmem:$0x10980] =	vst v0  }
0x10d: {  	[tilespmem:$0x10BC0] =	vst v0  }
0x10e: {  	[tilespmem:$0x10BD0] =	vst v0  }
0x10f: {  	[tilespmem:$0x10BE0] =	vst v0  }
0x110: {  	[tilespmem:$0x10BF0] =	vst v0  }
0x111: {  	[tilespmem:$0x10C00] =	vst v0  }
0x112: {  	[tilespmem:$0x10990] =	vst v0  }
0x113: {  	[tilespmem:$0x109A0] =	vst v0  }
0x114: {  	[tilespmem:$0x109B0] =	vst v0  }
0x115: {  	[tilespmem:$0x109C0] =	vst v0  }
0x116: {  	[tilespmem:$0x109D0] =	vst v0  }
0x117: {  	[tilespmem:$0x10C10] =	vst v0  }
0x118: {  	[tilespmem:$0x10C20] =	vst v0  }
0x119: {  	[tilespmem:$0x10C30] =	vst v0  }
0x11a: {  	[tilespmem:$0x10C40] =	vst v0  }
0x11b: {  	[tilespmem:$0x10C50] =	vst v0  }
0x11c: {  	[tilespmem:$0x109E0] =	vst v0  }
0x11d: {  	[tilespmem:$0x109F0] =	vst v0  }
0x11e: {  	[tilespmem:$0x10A00] =	vst v0  }
0x11f: {  	[tilespmem:$0x10A10] =	vst v0  }
0x120: {  	[tilespmem:$0x10A20] =	vst v0  }
0x121: {  	[tilespmem:$0x10C60] =	vst v0  }
0x122: {  	[tilespmem:$0x10C70] =	vst v0  }
0x123: {  	[tilespmem:$0x10C80] =	vst v0  }
0x124: {  	[tilespmem:$0x10C90] =	vst v0  }
0x125: {  	[tilespmem:$0x10CA0] =	vst v0  }
0x126: {  	[tilespmem:$0x10A30] =	vst v0  }
0x127: {  	[tilespmem:$0x10A40] =	vst v0  }
0x128: {  	[tilespmem:$0x10A50] =	vst v0  }
0x129: {  	[tilespmem:$0x10A60] =	vst v0  }
0x12a: {  	[tilespmem:$0x10A70] =	vst v0  }
0x12b: {  	[tilespmem:$0x10CB0] =	vst v0  }
0x12c: {  	[tilespmem:$0x10CC0] =	vst v0  }
0x12d: {  	[tilespmem:$0x10CD0] =	vst v0  }
0x12e: {  	[tilespmem:$0x10CE0] =	vst v0  }
0x12f: {  	[tilespmem:$0x10CF0] =	vst v0  }
0x130: {  	[bflag:$0x0] =	sbarrier.arrive $0xFFFF  }
0x131: {  	[tilespmem:s29], [sflag:$0x1] =	stream.indirect.gather [hbm4b:s4+s28], $0x40, s3, s28, $0xb8;
	[tilespmem:$0x1D500] =	vst v63  }
0x132: {  	_ = 	snop  }
0x133: {  	[tilespmem:s30], [sflag:$0x3] =	stream.indirect.gather [hbm4b:s4+s28], $0x40, s28, s28, $0xb8;
	[tilespmem:$0x1D500] =	vst v63  }
0x134: {  	s2 =	simm.s32 $0x80  }
0x135: {  	[tilespmem:s31], [sflag:$0x2] =	stream.indirect.gather [hbm4b:s4+s28], $0x40, s2, s28, $0xb8;
	[tilespmem:$0x1D500] =	vst v63  }
0x136: {  	s5 =	simm.s32 $0xC0  }
0x137: {  	[tilespmem:s0], [sflag:$0x4] =	stream.indirect.gather [hbm4b:s4+s28], $0x40, s5, s28, $0xb8;
	[tilespmem:$0x1D500] =	vst v63  }
0x138: {  	_ =	swait.ge [sflag:s23], $0x1000  }
0x139: {  	[sflag:s23] =	ssyncset.done $0x0  }
0x13a: {  	[sflag:s23] =	ssyncadd.s32 $0xFFFFF000  }
0x13b: {  	_ =	swait.ge [sflag:s24], $0x1000  }
0x13c: {  	[sflag:s24] =	ssyncset.done $0x0  }
0x13d: {  	s20 =	simm.s32 $0x100;
	[sflag:s24] =	ssyncadd.s32 $0xFFFFF000  }
0x13e: {  	[tilespmem:s29], [sflag:$0x1] =	stream.indirect.gather [hbm4b:s4+s28], $0x40, s20, s28, $0xb8;
	[tilespmem:$0x1D500] =	vst v63  }
0x13f: {  	s21 =	simm.s32 $0x140  }
0x140: {  	[tilespmem:s30], [sflag:$0x3] =	stream.indirect.gather [hbm4b:s4+s28], $0x40, s21, s28, $0xb8;
	[tilespmem:$0x1D500] =	vst v63  }
0x141: {  	_ =	swait.ge [sflag:s25], $0x1000  }
0x142: {  	[sflag:s25] =	ssyncset.done $0x0  }
0x143: {  	[sflag:s25] =	ssyncadd.s32 $0xFFFFF000  }
0x144: {  	_ =	swait.ge [sflag:s26], $0x1000  }
0x145: {  	s18 =	simm.s32 $0xFFFFDA00;
	s20 =	simm.s32 $0xFFFF6C00;
	[sflag:s26] =	ssyncset.done $0x0  }
.LBB2_4:
0x146: {  	s21 =	sadd.s32 $0x2780, s18  }
0x147: {  	[sflag:s26] =	ssyncadd.s32 $0xFFFFF000;
	s2 =	smov.u32 s20;
	s5 =	sadd.s32 $0x400, s20  }
0x148: {  	[tilespmem:s31], [sflag:$0x2] =	stream.indirect.gather [hbm4b:s4+s28], $0x40, s21, s28, $0xb8;
	[tilespmem:$0x1D500] =	vst v63  }
0x149: {  	p0 =	sne.s32 s20, $0xFFFFFC00;
	s20 =	sadd.s32 $0x27C0, s18  }
0x14a: {  	[tilespmem:s0], [sflag:$0x4] =	stream.indirect.gather [hbm4b:s4+s28], $0x40, s20, s28, $0xb8;
	[tilespmem:$0x1D500] =	vst v63  }
0x14b: {  	_ =	swait.ge [sflag:s23], $0x1000  }
0x14c: {  	[sflag:s23] =	ssyncset.done $0x0  }
0x14d: {  	[sflag:s23] =	ssyncadd.s32 $0xFFFFF000  }
0x14e: {  	_ =	swait.ge [sflag:s24], $0x1000  }
0x14f: {  	[sflag:s24] =	ssyncset.done $0x0  }
0x150: {  	s20 =	sadd.s32 $0x2800, s18;
	[sflag:s24] =	ssyncadd.s32 $0xFFFFF000  }
0x151: {  	[tilespmem:s29], [sflag:$0x1] =	stream.indirect.gather [hbm4b:s4+s28], $0x40, s20, s28, $0xb8;
	[tilespmem:$0x1D500] =	vst v63  }
0x152: {  	s18 =	sadd.s32 $0x2840, s18  }
0x153: {  	[tilespmem:s30], [sflag:$0x3] =	stream.indirect.gather [hbm4b:s4+s28], $0x40, s18, s28, $0xb8;
	[tilespmem:$0x1D500] =	vst v63  }
.Ltmp1:
0x154: {  	_ =	swait.ge [sflag:s25], $0x1000;
	(pc) =	sbr.rel @p0 .LBB2_4-.Ltmp1, $4  }
0x155: {  	[sflag:s25] =	ssyncset.done $0x0  }
0x156: {  	[sflag:s25] =	ssyncadd.s32 $0xFFFFF000  }
0x157: {  	_ =	swait.ge [sflag:s26], $0x1000  }
0x158: {  	s20 =	smov.u32 s5;
	s18 =	sshra.s32 s2, $0x2;
	[sflag:s26] =	ssyncset.done $0x0  }
0x159: {  	s2 =	sadd.s32 $0x2780, s18;
	[sflag:s26] =	ssyncadd.s32 $0xFFFFF000  }
0x15a: {  	[tilespmem:s31], [sflag:$0x2] =	stream.indirect.gather [hbm4b:s4+s28], $0x40, s2, s28, $0xb8;
	[tilespmem:$0x1D500] =	vst v63  }
0x15b: {  	s21 =	sadd.s32 $0x27C0, s18  }
0x15c: {  	[tilespmem:s0], [sflag:$0x4] =	stream.indirect.gather [hbm4b:s4+s28], $0x40, s21, s28, $0xb8;
	[tilespmem:$0x1D500] =	vst v63  }
0x15d: {  	_ =	swait.ge [sflag:s23], $0x1000  }
0x15e: {  	[sflag:s23] =	ssyncset.done $0x0  }
0x15f: {  	[sflag:s23] =	ssyncadd.s32 $0xFFFFF000  }
0x160: {  	_ =	swait.ge [sflag:s24], $0x1000  }
0x161: {  	[sflag:s24] =	ssyncset.done $0x0  }
0x162: {  	s5 =	sadd.s32 $0x2800, s18;
	[sflag:s24] =	ssyncadd.s32 $0xFFFFF000  }
0x163: {  	[tilespmem:s29], [sflag:$0x1] =	stream.indirect.gather [hbm4b:s4+s28], $0x40, s5, s28, $0xb8;
	[tilespmem:$0x1D500] =	vst v63  }
0x164: {  	s20 =	sadd.s32 $0x2840, s18  }
0x165: {  	[tilespmem:s30], [sflag:$0x3] =	stream.indirect.gather [hbm4b:s4+s28], $0x40, s20, s28, $0xb8;
	[tilespmem:$0x1D500] =	vst v63  }
0x166: {  	_ =	swait.ge [sflag:s25], $0x1000  }
0x167: {  	[sflag:s25] =	ssyncset.done $0x0  }
0x168: {  	[sflag:s25] =	ssyncadd.s32 $0xFFFFF000  }
0x169: {  	_ =	swait.ge [sflag:s26], $0x1000  }
0x16a: {  	[sflag:s26] =	ssyncset.done $0x0  }
0x16b: {  	s18 =	simm.s32 $0x2780;
	[sflag:s26] =	ssyncadd.s32 $0xFFFFF000  }
0x16c: {  	[tilespmem:s31], [sflag:$0x2] =	stream.indirect.gather [hbm4b:s4+s28], $0x40, s18, s28, $0xb8;
	[tilespmem:$0x1D500] =	vst v63  }
0x16d: {  	s20 =	simm.s32 $0x27C0  }
0x16e: {  	[tilespmem:s0], [sflag:$0x4] =	stream.indirect.gather [hbm4b:s4+s28], $0x40, s20, s28, $0xb8;
	[tilespmem:$0x1D500] =	vst v63  }
0x16f: {  	_ =	swait.ge [sflag:s23], $0x1000  }
0x170: {  	[sflag:s23] =	ssyncset.done $0x0  }
0x171: {  	[sflag:s23] =	ssyncadd.s32 $0xFFFFF000  }
0x172: {  	_ =	swait.ge [sflag:s24], $0x1000  }
0x173: {  	[sflag:s24] =	ssyncset.done $0x0  }
0x174: {  	[sflag:s24] =	ssyncadd.s32 $0xFFFFF000  }
0x175: {  	_ =	swait.ge [sflag:s25], $0x1000  }
0x176: {  	[sflag:s25] =	ssyncset.done $0x0  }
0x177: {  	[sflag:s25] =	ssyncadd.s32 $0xFFFFF000  }
0x178: {  	_ =	swait.ge [sflag:s26], $0x1000  }
0x179: {  	[sflag:s26] =	ssyncset.done $0x0  }
0x17a: {  	s21 =	sadd.s32 $0x19000, s10;
	[sflag:s26] =	ssyncadd.s32 $0xFFFFF000  }
0x17b: {  	s5 =	sadd.s32 s11, s21;
	[bflag:$0x0] =	sbarrier.arrive $0xFFFF  }
0x17c: {  	[hbm:s5], [sflag:s7] =	dma.local [spmem:s8], $0x500  }
0x17d: {  	_ =	swait.ge [sflag:s22], $0x500  }
0x17e: {  	[sflag:s22] =	ssyncset.done $0x0  }
0x17f: {  	s8 =	sadd.s32 s13, s21;
	[sflag:s22] =	ssyncadd.s32 $0xFFFFFB00  }
0x180: {  	[hbm:s8], [sflag:s7] =	dma.local [spmem:s9], $0x500  }
0x181: {  	_ =	swait.ge [sflag:s22], $0x500  }
0x182: {  	[sflag:s22] =	ssyncset.done $0x0  }
0x183: {  	s9 =	sadd.s32 s15, s21;
	[sflag:s22] =	ssyncadd.s32 $0xFFFFFB00  }
0x184: {  	[hbm:s9], [sflag:s7] =	dma.local [spmem:s12], $0x500  }
0x185: {  	_ =	swait.ge [sflag:s22], $0x500  }
0x186: {  	[sflag:s22] =	ssyncset.done $0x0  }
0x187: {  	s12 =	sadd.s32 s17, s21;
	[sflag:s22] =	ssyncadd.s32 $0xFFFFFB00  }
0x188: {  	[hbm:s12], [sflag:s7] =	dma.local [spmem:s14], $0x500  }
0x189: {  	_ =	swait.ge [sflag:s22], $0x500  }
0x18a: {  	[sflag:s22] =	ssyncset.done $0x0  }
0x18b: {  	s2 =	sadd.s32 s19, s21;
	[sflag:s22] =	ssyncadd.s32 $0xFFFFFB00  }
0x18c: {  	[hbm:s2], [sflag:s7] =	dma.local [spmem:s16], $0x500  }
0x18d: {  	_ =	swait.ge [sflag:s22], $0x500  }
0x18e: {  	s6 =	sadd.s32 $0x1, s6;
	s21 =	rddreg [dreg:$0xe]  }
0x18f: {  	p0 =	sne.s32 s6, s21  }
.Ltmp2:
0x190: {  	_ = 	snop;
	(pc) =	sbr.rel @p0 .LBB2_1-.Ltmp2, $3  }
0x191: {  	_ =	sdelay $0x1  }
0x192: {  	[sflag:s22] =	ssyncset.done $0x0  }
0x193: {  	[sflag:s22] =	ssyncadd.s32 $0xFFFFFB00  }
0x194: {  	_ =	sfence.sel $0x180000  }
0x195: {  	[bflag:$0x0] =	sbarrier.arrive $0xFFFF  }
0x196: {  	_ =	strace $0x9000004A  }
0x197: {  	s0 =	stileid.u32;
	[bflag:$0x2] =	sbarrier.arrive $0xFFFF  }
0x198: {  	p0 =	sne.s32 s0, $0x0;
	s0 =	rddreg [dreg:$0x3]  }
0x199: {  	s0 =	sadd.s32 @!p0 $0x100000, s0  }
0x19a: {  	[sflag:s0] =	ssyncadd.tile.s32 @!p0 $0x1;
	_ =	shalt  }
.Lfunc_end2:
_tile_overlayer_lowered:
.L_overlay_start_2:
0x19b: {  	(tag) =	ssettag $0x2  }
0x19c: {  	s0 =	rddreg [dreg:$0x0];
	s2 =	stileid.u32  }
0x19d: {  	s1 =	rddreg [dreg:$0x1];
	p0 =	sne.s32 s2, $0x0  }
0x19e: {  	s3 =	rddreg [dreg:$0x2];
	[bflag:$0x3] =	sbarrier.arrive $0xFFFF;
	s2 =	simm.s32 @!p0 $0x1C05  }
0x19f: {  	[timem:s3], [sflag:s2] =	dma.local @!p0 [hbm:s0], s1  }
0x1a0: {  	s0 =	simm.s32 @!p0 $0x5  }
0x1a1: {  	_ =	swait.ge @!p0 [sflag:s0], s1  }
0x1a2: {  	s1 =	ssub.s32 @!p0 $0x0, s1;
	[sflag:s0] =	ssyncset.done @!p0 $0x0  }
0x1a3: {  	[sflag:s0] =	ssyncadd.s32 @!p0 s1  }
0x1a4: {  	[bflag:$0x3] =	sbarrier.arrive $0xFFFF  }
0x1a5: {  	_ =	shalt  }

// kernel: kernel.8.cloned.1.call-start
scs
__scs_entry_jumppad:
0x0: {  	(pc) =	sbr.rel $0x88, $3  }
0x1: {  	(tag) =	ssettag $0x0;
	lr =	simm.s32 $0x1  }
0x2: {  	[smem:$0x3F92] =	sst lr;
	_ =	strace $0xD0000000  }
0x3: {  	_ = 	snop  }
0x4: {  	_ = 	snop  }
0x5: {  	_ = 	snop  }
0x6: {  	_ = 	snop  }
0x7: {  	_ = 	snop  }
__scs_overlays_trampoline_lowered:
0x8: {  	[smem:$0x3FA1] =	sst s0  }
0x9: {  	[smem:$0x3FA2] =	sst s1  }
0xa: {  	[smem:$0x3FA3] =	sst s2  }
0xb: {  	[smem:$0x3FA4] =	sst s3  }
0xc: {  	[smem:$0x3FA5] =	sst s4  }
0xd: {  	[smem:$0x3FA6] =	sst s5  }
0xe: {  	[smem:$0x3FA7] =	sst s6  }
0xf: {  	[smem:$0x3FA8] =	sst s7  }
0x10: {  	[smem:$0x3FA9] =	sst s8  }
0x11: {  	[smem:$0x3FAA] =	sst s9;
	s0 =	simm.s32 @!p0 $0x0  }
0x12: {  	s1 =	sld [smem:$0x3F90];
	s0 =	simm.s32 @p0 $0x1  }
0x13: {  	[smem:$0x3FAB] =	sst s0;
	s0 =	simm.s32 @!p1 $0x0  }
0x14: {  	s2 =	sld [smem:$0x3F8F];
	s0 =	simm.s32 @p1 $0x1  }
0x15: {  	[smem:$0x3FAC] =	sst s0;
	s0 =	simm.s32 @!p2 $0x0  }
0x16: {  	s3 =	sld [smem:$0x3FDB];
	s0 =	simm.s32 @p2 $0x1  }
0x17: {  	s4 =	simm.s32 $0x1BF5;
	[smem:$0x3FAE] =	sst s0  }
0x18: {  	s0 =	sld [smem:$0x3F91];
	_ =	swait.ge [sflag:s4], $0x0  }
0x19: {  	s7 =	sld [smem:$0x3F92]  }
0x1a: {  	s8 =	sadd.s32 $0xFFFFE003, lr  }
0x1b: {  	s9 =	sadd.s32 $0xFFFFFEF7, lr;
	s5 =	simm.s32 $0xFFFFFFFF;
	p2 =	slt.u32 s8, $0xFFFFF086  }
0x1c: {  	p1 =	slt.u32 s9, $0xF7A;
	s5 =	simm.s32 @!p2 $0x0  }
0x1d: {  	s5 =	simm.s32 @p1 $0x1;
	p0 =	seq.s32 s7, s2  }
0x1e: {  	s7 =	smul.u32 @!p0 $0xF7A, s2;
	p2 =	seq.s32 @!p0 s5, $0x0  }
0x1f: {  	s9 =	smul.u32 $0xF7A, s1;
	s8 =	simm.s32 @!p0 $0x1BF5;
	p2 =	por !p2, p0  }
0x20: {  	[sflag:s8] =	ssyncset.s32 @!p0 $0xFFFFF086;
	s6 =	sadd.s32 @!p0 s3, s7;
	s7 =	simm.s32 @!p0 $0x108  }
0x21: {  	s3 =	sadd.s32 s3, s9;
	s6 =	sadd.s32 @!p0 $0x88, s6;
	s7 =	simm.s32 @p2 $0x1082  }
0x22: {  	[simem:s7], [sflag:s8] =	dma.local @!p0 [hbm:s6], $0xF7A  }
0x23: {  	s9 =	sor.u32 $0xD0000000, s2;
	s6 =	simm.s32 $0x108;
	_ =	swait.ge @!p0 [sflag:s8], $0x0  }
0x24: {  	s3 =	sadd.s32 $0x88, s3;
	s6 =	simm.s32 @!p1 $0x1082;
	[sflag:s4] =	ssyncset.s32 $0xFFFFF086  }
0x25: {  	[simem:s6], [sflag:s4] =	dma.local [hbm:s3], $0xF7A  }
0x26: {  	[smem:$0x3F92] =	sst s1;
	(tag) =	ssettag s2;
	_ =	strace s9  }
0x27: {  	s1 =	sld [smem:$0x3FA2]  }
0x28: {  	s2 =	sld [smem:$0x3FA3]  }
0x29: {  	s4 =	sld [smem:$0x3FA5]  }
0x2a: {  	p0 =	seq.s32 s5, $0x0;
	s5 =	sld [smem:$0x3FA6]  }
0x2b: {  	s6 =	sld [smem:$0x3FA7]  }
0x2c: {  	s7 =	sld [smem:$0x3FA8]  }
0x2d: {  	s3 =	simm.s32 $0x108;
	s8 =	sld [smem:$0x3FA9]  }
0x2e: {  	s3 =	simm.s32 @!p0 $0x1082;
	s9 =	sld [smem:$0x3FAA]  }
0x2f: {  	lr =	sadd.s32 s0, s3;
	s0 =	sld [smem:$0x3FA1]  }
0x30: {  	s3 =	sld [smem:$0x3FA4]  }
0x31: {  	[smem:$0x3FAD] =	sst s10  }
0x32: {  	s10 =	sld [smem:$0x3FAB];
	_ =	sdelay $0x3  }
0x33: {  	p0 =	seq.s32 s10, $0x1;
	s10 =	sld [smem:$0x3FAD];
	_ =	sdelay $0x3  }
0x34: {  	[smem:$0x3FAD] =	sst s10  }
0x35: {  	s10 =	sld [smem:$0x3FAC];
	_ =	sdelay $0x3  }
0x36: {  	p1 =	seq.s32 s10, $0x1;
	s10 =	sld [smem:$0x3FAD];
	_ =	sdelay $0x3  }
0x37: {  	[smem:$0x3FAD] =	sst s10  }
0x38: {  	s10 =	sld [smem:$0x3FAE]  }
0x39: {  	_ = 	snop;
	(pc) =	sbr.ind lr, $3  }
0x3a: {  	_ = 	snop  }
0x3b: {  	_ = 	snop  }
0x3c: {  	p2 =	seq.s32 s10, $0x1;
	s10 =	sld [smem:$0x3FAD]  }
0x3d: {  	_ =	shalt  }
0x3e: {  	_ =	shalt  }
0x3f: {  	_ =	shalt  }
0x40: {  	_ =	shalt  }
0x41: {  	_ =	shalt  }
0x42: {  	_ =	shalt  }
0x43: {  	_ =	shalt  }
0x44: {  	_ =	shalt  }
0x45: {  	_ =	shalt  }
0x46: {  	_ =	shalt  }
0x47: {  	_ =	shalt  }
0x48: {  	_ =	shalt  }
0x49: {  	_ =	shalt  }
0x4a: {  	_ =	shalt  }
0x4b: {  	_ =	shalt  }
0x4c: {  	_ =	shalt  }
0x4d: {  	_ =	shalt  }
0x4e: {  	_ =	shalt  }
0x4f: {  	_ =	shalt  }
0x50: {  	_ =	shalt  }
0x51: {  	_ =	shalt  }
0x52: {  	_ =	shalt  }
0x53: {  	_ =	shalt  }
0x54: {  	_ =	shalt  }
0x55: {  	_ =	shalt  }
0x56: {  	_ =	shalt  }
0x57: {  	_ =	shalt  }
0x58: {  	_ =	shalt  }
0x59: {  	_ =	shalt  }
0x5a: {  	_ =	shalt  }
0x5b: {  	_ =	shalt  }
0x5c: {  	_ =	shalt  }
0x5d: {  	_ =	shalt  }
0x5e: {  	_ =	shalt  }
0x5f: {  	_ =	shalt  }
0x60: {  	_ =	shalt  }
0x61: {  	_ =	shalt  }
0x62: {  	_ =	shalt  }
0x63: {  	_ =	shalt  }
0x64: {  	_ =	shalt  }
0x65: {  	_ =	shalt  }
0x66: {  	_ =	shalt  }
0x67: {  	_ =	shalt  }
0x68: {  	_ =	shalt  }
0x69: {  	_ =	shalt  }
0x6a: {  	_ =	shalt  }
0x6b: {  	_ =	shalt  }
0x6c: {  	_ =	shalt  }
0x6d: {  	_ =	shalt  }
0x6e: {  	_ =	shalt  }
0x6f: {  	_ =	shalt  }
0x70: {  	_ =	shalt  }
0x71: {  	_ =	shalt  }
0x72: {  	_ =	shalt  }
0x73: {  	_ =	shalt  }
0x74: {  	_ =	shalt  }
0x75: {  	_ =	shalt  }
0x76: {  	_ =	shalt  }
0x77: {  	_ =	shalt  }
0x78: {  	_ =	shalt  }
0x79: {  	_ =	shalt  }
0x7a: {  	_ =	shalt  }
0x7b: {  	_ =	shalt  }
0x7c: {  	_ =	shalt  }
0x7d: {  	_ =	shalt  }
0x7e: {  	_ =	shalt  }
0x7f: {  	_ =	shalt  }
0x80: {  	_ =	shalt  }
0x81: {  	_ =	shalt  }
0x82: {  	_ =	shalt  }
0x83: {  	_ =	shalt  }
0x84: {  	_ =	shalt  }
0x85: {  	_ =	shalt  }
0x86: {  	_ =	shalt  }
0x87: {  	_ =	shalt  }
.Lfunc_end0:
.L_simem_size_0:
called_computation_lowered:
.L_overlay_start_0:
0x88: {  	s2 =	sld [smem:$0x3FD9]  }
0x89: {  	s3 =	sld [smem:$0x3FFE];
	_ =	sdelay $0x1  }
0x8a: {  	s1 =	srdreg.scid  }
0x8b: {  	s0 =	sand.u32 $0x1, s1  }
0x8c: {  	s17 =	sshll.u32 s0, $0xA;
	s2 =	sadd.s32 s3, s2  }
0x8d: {  	s2 =	sadd.s32 s2, s17  }
0x8e: {  	[smem:$0x3FB9] =	sst s2  }
0x8f: {  	_ = 	snop  }
0x90: {  	s2 =	sld [smem:$0x3FD0];
	(tm) =	ssettm $0x1  }
0x91: {  	s18 =	sld [smem:$0x3FFB];
	_ =	sdelay $0x3  }
0x92: {  	_ =	strace s18  }
0x93: {  	s3 =	sld [smem:$0x3FFC];
	_ =	sdelay $0x3  }
0x94: {  	_ =	strace s3  }
0x95: {  	s3 =	sld [smem:$0x3FFD];
	_ =	sdelay $0x3  }
0x96: {  	_ =	strace s3  }
0x97: {  	_ =	strace $0x8FFFFFFF  }
0x98: {  	s19 =	sld [smem:$0x3FDB];
	_ =	sdelay $0x1  }
0x99: {  	s4 =	simm.s32 $_scs_section_size  }
0x9a: {  	s5 =	simm.s32 $_size__tile_overlayer_lowered;
	s6 =	simm.s32 $_tile_overlayer_lowered  }
0x9b: {  	s22 =	simm.s32 $0x1BFF;
	s21 =	sshll.u32 s6, $0x1;
	s3 =	sadd.s32 s4, s19  }
0x9c: {  	s7 =	simm.s32 $0x0;
	s20 =	sshll.u32 s5, $0x1;
	s5 =	sadd.s32 s21, s3  }
0x9d: {  	[timem:s7], [sflag:s22] =	dma.local [hbm:s5], s20  }
0x9e: {  	_ =	swait.ge [sflag:s22], s20  }
0x9f: {  	s4 =	ssub.s32 $0x0, s20;
	[sflag:s22] =	ssyncset.done $0x0  }
0xa0: {  	[sflag:s22] =	ssyncadd.s32 s4;
	_ =	sdelay $0x1  }
0xa1: {  	s23 =	simm.s32 $0x1B8B  }
0xa2: {  	_ =	swait.ge [sflag:s23], $0x1  }
0xa3: {  	[sflag:s23] =	ssyncset.done $0x0  }
0xa4: {  	s25 =	simm.s32 $0x1B8E;
	s24 =	sld [smem:$0x3FFE];
	[sflag:s23] =	ssyncadd.s32 $0xFFFFFFFF  }
0xa5: {  	s26 =	simm.s32 $execute0_lowered;
	[smem:$0x3FD2] =	sst s25  }
0xa6: {  	s5 =	sshll.u32 s26, $0x1;
	_ =	strace $0x80000046;
	[dreg:$0x1] =	wrdreg $0xFFFFFFFF  }
0xa7: {  	s28 =	simm.s32 $_size_execute0_lowered;
	s3 =	sadd.s32 s3, s5;
	[dreg:$0x0] =	wrdreg $0x0  }
0xa8: {  	s5 =	sshll.u32 s28, $0x1;
	[dreg:$0x2] =	wrdreg s3  }
0xa9: {  	[dreg:$0x3] =	wrdreg s5  }
0xaa: {  	[dreg:$0x4] =	wrdreg $0xC0  }
0xab: {  	_ =	task [dreg:s7], $0x5FFFF  }
0xac: {  	[dreg:$0x1] =	wrdreg $0xFFFFFFFF  }
0xad: {  	[dreg:$0x0] =	wrdreg $0x60  }
0xae: {  	[dreg:$0x2] =	wrdreg s2  }
0xaf: {  	[dreg:$0x3] =	wrdreg s24  }
0xb0: {  	[dreg:$0x4] =	wrdreg $0x10D000  }
0xb1: {  	[dreg:$0x5] =	wrdreg $0x9  }
0xb2: {  	_ =	task.clear_ibuf [dreg:s7], $0x6FFFF;
	_ =	strace $0x90000046  }
0xb3: {  	s29 =	simm.s32 $0x9;
	_ =	strace $0x80000048  }
0xb4: {  	_ =	swait.ge [sflag:s29], $0x1  }
0xb5: {  	[sflag:s29] =	ssyncadd.s32 $0xFFFFFFFF  }
0xb6: {  	_ =	strace $0x90000048  }
0xb7: {  	_ =	sfence  }
0xb8: {  	s30 =	sld [smem:$0x0];
	_ =	sdelay $0x2  }
0xb9: {  	s31 =	sshll.u32 s1, $0xD;
	s1 =	sshrl.u32 s1, $0x2  }
0xba: {  	s3 =	sand.u32 $0x4000, s31;
	s1 =	sadd.s32 s1, s30  }
0xbb: {  	s0 =	sor.u32 s3, s0;
	s1 =	sshll.u32 s1, $0x11  }
0xbc: {  	s0 =	sor.u32 s1, s0  }
0xbd: {  	s0 =	sadd.s32 $0x8F2B, s0  }
0xbe: {  	[sflag:s0] =	ssyncadd.remote.s32 $0x1  }
0xbf: {  	_ =	sfence.sel $0xFFFF  }
0xc0: {  	[dreg:$0x0] =	wrdreg $0xFFFFFFFF;
	(pc) =	sbr.abs _section_cstart, $3  }
0xc1: {  	[dreg:$0x1] =	wrdreg $0xFFFFFFFF  }
0xc2: {  	_ =	task.clear_ibuf [dreg:s7], $0x2FFFF;
	_ =	strace $0x9FFFFFFF  }
0xc3: {  	(tm) =	ssettm $0x7FFFFFFF  }
tec
execute0_lowered:
.L_overlay_start_1:
0x0: {  	(tag) =	ssettag $0x1  }
0x1: {  	s1 =	rddreg [dreg:$0x0]  }
0x2: {  	s0 =	rddreg [dreg:$0x1]  }
0x3: {  	s2 =	rddreg [dreg:$0x2]  }
0x4: {  	s3 =	srdreg.scid;
	s9 =	stileid.u32  }
0x5: {  	s28 =	simm.s32 $0x40;
	s29 =	simm.s32 $0xC800;
	s30 =	simm.s32 $0xD800  }
0x6: {  	s31 =	simm.s32 $0xE800;
	s5 =	sand.u32 $0x1, s3;
	s3 =	simm.s32 $0x0  }
0x7: {  	s7 =	sadd.s32 $0xEA00, s0;
	s8 =	sadd.s32 $0xF000, s0;
	s16 =	smul.u32 $0xC800, s9  }
0x8: {  	s4 =	sshll.u32 s5, $0x4;
	[smem:$0x7FF] =	sst s3;
	s14 =	smul.u32 $0x32000, s5  }
0x9: {  	s5 =	ssub.s32 $0x2, s5;
	_ =	strace $0x80000047;
	[dreg:$0x4] =	wrdreg s7  }
0xa: {  	s6 =	sor.u32 s9, s4;
	s4 =	sadd.s32 $0xF600, s0;
	[dreg:$0x5] =	wrdreg s8  }
0xb: {  	s15 =	sshrl.u32 s5, $0x1;
	s11 =	sshrl.u32 s16, $0x3;
	s20 =	sadd.s32 $0x2800, s16  }
0xc: {  	s21 =	sadd.s32 s16, s2;
	s22 =	sadd.s32 $0x5000, s16;
	s23 =	sadd.s32 $0x7800, s16  }
0xd: {  	s24 =	sadd.s32 $0xA000, s16;
	s6 =	smul.u32 $0x500, s6;
	s5 =	ssub.s32 s5, s15  }
0xe: {  	[dreg:$0x9] =	wrdreg s21;
	s13 =	sshrl.u32 s20, $0x3;
	s25 =	sadd.s32 s24, s2  }
0xf: {  	s15 =	sshrl.u32 s22, $0x3;
	s17 =	sshrl.u32 s23, $0x3;
	[dreg:$0xd] =	wrdreg s25  }
0x10: {  	s26 =	smax.u32 s5, $0x1;
	s25 =	simm.s32 $0x2;
	s6 =	sadd.s32 s6, s0  }
0x11: {  	s0 =	sadd.s32 s14, s0;
	[dreg:$0xe] =	wrdreg s26;
	s18 =	sadd.s32 $0x2D600, s6  }
0x12: {  	s26 =	simm.s32 $0x4;
	s19 =	sadd.s32 $0x23600, s6;
	[dreg:$0x6] =	wrdreg s18  }
0x13: {  	s6 =	sadd.s32 $0x4A00, s6;
	s10 =	sadd.s32 $0x37600, s0;
	[dreg:$0x7] =	wrdreg s19  }
0x14: {  	s0 =	sadd.s32 s20, s2;
	s20 =	simm.s32 $0x27C0;
	[dreg:$0x8] =	wrdreg s6  }
0x15: {  	[dreg:$0xa] =	wrdreg s0;
	s6 =	sadd.s32 s22, s2;
	s0 =	sadd.s32 s23, s2  }
0x16: {  	s19 =	sshrl.u32 s24, $0x3;
	s22 =	simm.s32 $0x5;
	s23 =	simm.s32 $0x1  }
0x17: {  	s24 =	simm.s32 $0x3;
	s18 =	simm.s32 $0x2780;
	[dreg:$0xb] =	wrdreg s6  }
0x18: {  	v0 =	vimm.f32 $0.0e+00;
	[dreg:$0xc] =	wrdreg s0;
	s0 =	simm.s32 $0xF800;
	s6 =	simm.s32 $0x0  }
.LBB2_1:
0x19: {  	s2 =	rddreg [dreg:$0x6]  }
0x1a: {  	[tilespmem:s3], [sflag:$0x5] =	stream.linear.gather [hbm4b:s2+s3], $0x2800, $0x38;
	[tilespmem:$0x1D500] =	vst v63  }
0x1b: {  	_ =	swait.ge [sflag:s22], $0x2800  }
0x1c: {  	[sflag:s22] =	ssyncset.done $0x0  }
0x1d: {  	s5 =	simm.s32 $0x2800;
	s14 =	rddreg [dreg:$0x7];
	[sflag:s22] =	ssyncadd.s32 $0xFFFFD800  }
0x1e: {  	[tilespmem:s5], [sflag:$0x5] =	stream.linear.gather [hbm4b:s14+s3], $0x2800, $0x38;
	[tilespmem:$0x1D500] =	vst v63  }
0x1f: {  	_ =	swait.ge [sflag:s22], $0x2800  }
0x20: {  	[sflag:s22] =	ssyncset.done $0x0  }
0x21: {  	s21 =	simm.s32 $0x5000;
	s16 =	rddreg [dreg:$0x8];
	[sflag:s22] =	ssyncadd.s32 $0xFFFFD800  }
0x22: {  	[tilespmem:s21], [sflag:$0x5] =	stream.linear.gather [hbm4b:s16+s3], $0x2800, $0x38;
	[tilespmem:$0x1D500] =	vst v63  }
0x23: {  	_ =	swait.ge [sflag:s22], $0x2800  }
0x24: {  	[sflag:s22] =	ssyncset.done $0x0  }
0x25: {  	s8 =	simm.s32 $0x7800;
	s7 =	rddreg [dreg:$0x4];
	[sflag:s22] =	ssyncadd.s32 $0xFFFFD800  }
0x26: {  	[tilespmem:s8], [sflag:$0x5] =	stream.linear.gather [hbm4b:s7+s3], $0x2800, $0x38;
	[tilespmem:$0x1D500] =	vst v63  }
0x27: {  	_ =	swait.ge [sflag:s22], $0x2800  }
0x28: {  	[sflag:s22] =	ssyncset.done $0x0  }
0x29: {  	s12 =	simm.s32 $0xA000;
	s9 =	rddreg [dreg:$0x5];
	[sflag:s22] =	ssyncadd.s32 $0xFFFFD800  }
0x2a: {  	[tilespmem:s12], [sflag:$0x5] =	stream.linear.gather [hbm4b:s9+s3], $0x2800, $0x38;
	[tilespmem:$0x1D500] =	vst v63  }
0x2b: {  	_ =	swait.ge [sflag:s22], $0x2800  }
0x2c: {  	[sflag:s22] =	ssyncset.done $0x0  }
0x2d: {  	[sflag:s22] =	ssyncadd.s32 $0xFFFFD800  }
0x2e: {  	[tilespmem:$0x10800] =	vst v0  }
0x2f: {  	[tilespmem:$0x10810] =	vst v0  }
0x30: {  	[tilespmem:$0x10820] =	vst v0  }
0x31: {  	[tilespmem:$0x10830] =	vst v0  }
0x32: {  	[tilespmem:$0x10840] =	vst v0  }
0x33: {  	[tilespmem:$0x10A80] =	vst v0  }
0x34: {  	[tilespmem:$0x10A90] =	vst v0  }
0x35: {  	[tilespmem:$0x10AA0] =	vst v0  }
0x36: {  	[tilespmem:$0x10AB0] =	vst v0  }
0x37: {  	[tilespmem:$0x10AC0] =	vst v0  }
0x38: {  	[tilespmem:$0x10850] =	vst v0  }
0x39: {  	[tilespmem:$0x10860] =	vst v0  }
0x3a: {  	[tilespmem:$0x10870] =	vst v0  }
0x3b: {  	[tilespmem:$0x10880] =	vst v0  }
0x3c: {  	[tilespmem:$0x10890] =	vst v0  }
0x3d: {  	[tilespmem:$0x10AD0] =	vst v0  }
0x3e: {  	[tilespmem:$0x10AE0] =	vst v0  }
0x3f: {  	[tilespmem:$0x10AF0] =	vst v0  }
0x40: {  	[tilespmem:$0x10B00] =	vst v0  }
0x41: {  	[tilespmem:$0x10B10] =	vst v0  }
0x42: {  	[tilespmem:$0x108A0] =	vst v0  }
0x43: {  	[tilespmem:$0x108B0] =	vst v0  }
0x44: {  	[tilespmem:$0x108C0] =	vst v0  }
0x45: {  	[tilespmem:$0x108D0] =	vst v0  }
0x46: {  	[tilespmem:$0x108E0] =	vst v0  }
0x47: {  	[tilespmem:$0x10B20] =	vst v0  }
0x48: {  	[tilespmem:$0x10B30] =	vst v0  }
0x49: {  	[tilespmem:$0x10B40] =	vst v0  }
0x4a: {  	[tilespmem:$0x10B50] =	vst v0  }
0x4b: {  	[tilespmem:$0x10B60] =	vst v0  }
0x4c: {  	[tilespmem:$0x108F0] =	vst v0  }
0x4d: {  	[tilespmem:$0x10900] =	vst v0  }
0x4e: {  	[tilespmem:$0x10910] =	vst v0  }
0x4f: {  	[tilespmem:$0x10920] =	vst v0  }
0x50: {  	[tilespmem:$0x10930] =	vst v0  }
0x51: {  	[tilespmem:$0x10B70] =	vst v0  }
0x52: {  	[tilespmem:$0x10B80] =	vst v0  }
0x53: {  	[tilespmem:$0x10B90] =	vst v0  }
0x54: {  	[tilespmem:$0x10BA0] =	vst v0  }
0x55: {  	[tilespmem:$0x10BB0] =	vst v0  }
0x56: {  	[tilespmem:$0x10940] =	vst v0  }
0x57: {  	[tilespmem:$0x10950] =	vst v0  }
0x58: {  	[tilespmem:$0x10960] =	vst v0  }
0x59: {  	[tilespmem:$0x10970] =	vst v0  }
0x5a: {  	[tilespmem:$0x10980] =	vst v0  }
0x5b: {  	[tilespmem:$0x10BC0] =	vst v0  }
0x5c: {  	[tilespmem:$0x10BD0] =	vst v0  }
0x5d: {  	[tilespmem:$0x10BE0] =	vst v0  }
0x5e: {  	[tilespmem:$0x10BF0] =	vst v0  }
0x5f: {  	[tilespmem:$0x10C00] =	vst v0  }
0x60: {  	[tilespmem:$0x10990] =	vst v0  }
0x61: {  	[tilespmem:$0x109A0] =	vst v0  }
0x62: {  	[tilespmem:$0x109B0] =	vst v0  }
0x63: {  	[tilespmem:$0x109C0] =	vst v0  }
0x64: {  	[tilespmem:$0x109D0] =	vst v0  }
0x65: {  	[tilespmem:$0x10C10] =	vst v0  }
0x66: {  	[tilespmem:$0x10C20] =	vst v0  }
0x67: {  	[tilespmem:$0x10C30] =	vst v0  }
0x68: {  	[tilespmem:$0x10C40] =	vst v0  }
0x69: {  	[tilespmem:$0x10C50] =	vst v0  }
0x6a: {  	[tilespmem:$0x109E0] =	vst v0  }
0x6b: {  	[tilespmem:$0x109F0] =	vst v0  }
0x6c: {  	[tilespmem:$0x10A00] =	vst v0  }
0x6d: {  	[tilespmem:$0x10A10] =	vst v0  }
0x6e: {  	[tilespmem:$0x10A20] =	vst v0  }
0x6f: {  	[tilespmem:$0x10C60] =	vst v0  }
0x70: {  	[tilespmem:$0x10C70] =	vst v0  }
0x71: {  	[tilespmem:$0x10C80] =	vst v0  }
0x72: {  	[tilespmem:$0x10C90] =	vst v0  }
0x73: {  	[tilespmem:$0x10CA0] =	vst v0  }
0x74: {  	[tilespmem:$0x10A30] =	vst v0  }
0x75: {  	[tilespmem:$0x10A40] =	vst v0  }
0x76: {  	[tilespmem:$0x10A50] =	vst v0  }
0x77: {  	[tilespmem:$0x10A60] =	vst v0  }
0x78: {  	[tilespmem:$0x10A70] =	vst v0  }
0x79: {  	[tilespmem:$0x10CB0] =	vst v0  }
0x7a: {  	[tilespmem:$0x10CC0] =	vst v0  }
0x7b: {  	[tilespmem:$0x10CD0] =	vst v0  }
0x7c: {  	[tilespmem:$0x10CE0] =	vst v0  }
0x7d: {  	[tilespmem:$0x10CF0] =	vst v0  }
0x7e: {  	[bflag:$0x0] =	sbarrier.arrive $0xFFFF  }
0x7f: {  	[tilespmem:s29], [sflag:$0x1] =	stream.indirect.gather [hbm4b:s1+s28], $0x40, s3, s28, $0xb8;
	[tilespmem:$0x1D500] =	vst v63  }
0x80: {  	_ = 	snop  }
0x81: {  	[tilespmem:s30], [sflag:$0x3] =	stream.indirect.gather [hbm4b:s1+s28], $0x40, s28, s28, $0xb8;
	[tilespmem:$0x1D500] =	vst v63  }
0x82: {  	s7 =	simm.s32 $0x80  }
0x83: {  	[tilespmem:s31], [sflag:$0x2] =	stream.indirect.gather [hbm4b:s1+s28], $0x40, s7, s28, $0xb8;
	[tilespmem:$0x1D500] =	vst v63  }
0x84: {  	s14 =	simm.s32 $0xC0  }
0x85: {  	[tilespmem:s0], [sflag:$0x4] =	stream.indirect.gather [hbm4b:s1+s28], $0x40, s14, s28, $0xb8;
	[tilespmem:$0x1D500] =	vst v63  }
0x86: {  	_ =	swait.ge [sflag:s23], $0x1000  }
0x87: {  	[sflag:s23] =	ssyncset.done $0x0  }
0x88: {  	[sflag:s23] =	ssyncadd.s32 $0xFFFFF000  }
0x89: {  	_ =	swait.ge [sflag:s24], $0x1000  }
0x8a: {  	[sflag:s24] =	ssyncset.done $0x0  }
0x8b: {  	s16 =	simm.s32 $0x100;
	[sflag:s24] =	ssyncadd.s32 $0xFFFFF000  }
0x8c: {  	[tilespmem:s29], [sflag:$0x1] =	stream.indirect.gather [hbm4b:s1+s28], $0x40, s16, s28, $0xb8;
	[tilespmem:$0x1D500] =	vst v63  }
0x8d: {  	s21 =	simm.s32 $0x140  }
0x8e: {  	[tilespmem:s30], [sflag:$0x3] =	stream.indirect.gather [hbm4b:s1+s28], $0x40, s21, s28, $0xb8;
	[tilespmem:$0x1D500] =	vst v63  }
0x8f: {  	_ =	swait.ge [sflag:s25], $0x1000  }
0x90: {  	[sflag:s25] =	ssyncset.done $0x0  }
0x91: {  	[sflag:s25] =	ssyncadd.s32 $0xFFFFF000  }
0x92: {  	_ =	swait.ge [sflag:s26], $0x1000  }
0x93: {  	s8 =	simm.s32 $0xFFFF6C00;
	s7 =	simm.s32 $0xFFFFDA00;
	[sflag:s26] =	ssyncset.done $0x0  }
.LBB2_2:
0x94: {  	s9 =	sadd.s32 $0x2780, s7  }
0x95: {  	[sflag:s26] =	ssyncadd.s32 $0xFFFFF000;
	s12 =	smov.u32 s8;
	s14 =	sadd.s32 $0x400, s8  }
0x96: {  	[tilespmem:s31], [sflag:$0x2] =	stream.indirect.gather [hbm4b:s1+s28], $0x40, s9, s28, $0xb8;
	[tilespmem:$0x1D500] =	vst v63  }
0x97: {  	p0 =	sne.s32 s8, $0xFFFFFC00;
	s8 =	sadd.s32 $0x27C0, s7  }
0x98: {  	[tilespmem:s0], [sflag:$0x4] =	stream.indirect.gather [hbm4b:s1+s28], $0x40, s8, s28, $0xb8;
	[tilespmem:$0x1D500] =	vst v63  }
0x99: {  	_ =	swait.ge [sflag:s23], $0x1000  }
0x9a: {  	[sflag:s23] =	ssyncset.done $0x0  }
0x9b: {  	[sflag:s23] =	ssyncadd.s32 $0xFFFFF000  }
0x9c: {  	_ =	swait.ge [sflag:s24], $0x1000  }
0x9d: {  	[sflag:s24] =	ssyncset.done $0x0  }
0x9e: {  	s8 =	sadd.s32 $0x2800, s7;
	[sflag:s24] =	ssyncadd.s32 $0xFFFFF000  }
0x9f: {  	[tilespmem:s29], [sflag:$0x1] =	stream.indirect.gather [hbm4b:s1+s28], $0x40, s8, s28, $0xb8;
	[tilespmem:$0x1D500] =	vst v63  }
0xa0: {  	s7 =	sadd.s32 $0x2840, s7  }
0xa1: {  	[tilespmem:s30], [sflag:$0x3] =	stream.indirect.gather [hbm4b:s1+s28], $0x40, s7, s28, $0xb8;
	[tilespmem:$0x1D500] =	vst v63  }
.Ltmp0:
0xa2: {  	_ =	swait.ge [sflag:s25], $0x1000;
	(pc) =	sbr.rel @p0 .LBB2_2-.Ltmp0, $4  }
0xa3: {  	[sflag:s25] =	ssyncset.done $0x0  }
0xa4: {  	[sflag:s25] =	ssyncadd.s32 $0xFFFFF000  }
0xa5: {  	_ =	swait.ge [sflag:s26], $0x1000  }
0xa6: {  	s8 =	smov.u32 s14;
	s7 =	sshra.s32 s12, $0x2;
	[sflag:s26] =	ssyncset.done $0x0  }
0xa7: {  	s8 =	sadd.s32 $0x2780, s7;
	[sflag:s26] =	ssyncadd.s32 $0xFFFFF000  }
0xa8: {  	[tilespmem:s31], [sflag:$0x2] =	stream.indirect.gather [hbm4b:s1+s28], $0x40, s8, s28, $0xb8;
	[tilespmem:$0x1D500] =	vst v63  }
0xa9: {  	s21 =	sadd.s32 $0x27C0, s7  }
0xaa: {  	[tilespmem:s0], [sflag:$0x4] =	stream.indirect.gather [hbm4b:s1+s28], $0x40, s21, s28, $0xb8;
	[tilespmem:$0x1D500] =	vst v63  }
0xab: {  	_ =	swait.ge [sflag:s23], $0x1000  }
0xac: {  	[sflag:s23] =	ssyncset.done $0x0  }
0xad: {  	[sflag:s23] =	ssyncadd.s32 $0xFFFFF000  }
0xae: {  	_ =	swait.ge [sflag:s24], $0x1000  }
0xaf: {  	[sflag:s24] =	ssyncset.done $0x0  }
0xb0: {  	s2 =	sadd.s32 $0x2800, s7;
	[sflag:s24] =	ssyncadd.s32 $0xFFFFF000  }
0xb1: {  	[tilespmem:s29], [sflag:$0x1] =	stream.indirect.gather [hbm4b:s1+s28], $0x40, s2, s28, $0xb8;
	[tilespmem:$0x1D500] =	vst v63  }
0xb2: {  	s5 =	sadd.s32 $0x2840, s7  }
0xb3: {  	[tilespmem:s30], [sflag:$0x3] =	stream.indirect.gather [hbm4b:s1+s28], $0x40, s5, s28, $0xb8;
	[tilespmem:$0x1D500] =	vst v63  }
0xb4: {  	_ =	swait.ge [sflag:s25], $0x1000  }
0xb5: {  	[sflag:s25] =	ssyncset.done $0x0  }
0xb6: {  	[sflag:s25] =	ssyncadd.s32 $0xFFFFF000  }
0xb7: {  	_ =	swait.ge [sflag:s26], $0x1000  }
0xb8: {  	[sflag:s26] =	ssyncset.done $0x0  }
0xb9: {  	[sflag:s26] =	ssyncadd.s32 $0xFFFFF000  }
0xba: {  	[tilespmem:s31], [sflag:$0x2] =	stream.indirect.gather [hbm4b:s1+s28], $0x40, s18, s28, $0xb8;
	[tilespmem:$0x1D500] =	vst v63  }
0xbb: {  	_ = 	snop  }
0xbc: {  	[tilespmem:s0], [sflag:$0x4] =	stream.indirect.gather [hbm4b:s1+s28], $0x40, s20, s28, $0xb8;
	[tilespmem:$0x1D500] =	vst v63  }
0xbd: {  	_ =	swait.ge [sflag:s23], $0x1000  }
0xbe: {  	[sflag:s23] =	ssyncset.done $0x0  }
0xbf: {  	[sflag:s23] =	ssyncadd.s32 $0xFFFFF000  }
0xc0: {  	_ =	swait.ge [sflag:s24], $0x1000  }
0xc1: {  	[sflag:s24] =	ssyncset.done $0x0  }
0xc2: {  	[sflag:s24] =	ssyncadd.s32 $0xFFFFF000  }
0xc3: {  	_ =	swait.ge [sflag:s25], $0x1000  }
0xc4: {  	[sflag:s25] =	ssyncset.done $0x0  }
0xc5: {  	[sflag:s25] =	ssyncadd.s32 $0xFFFFF000  }
0xc6: {  	_ =	swait.ge [sflag:s26], $0x1000  }
0xc7: {  	[sflag:s26] =	ssyncset.done $0x0  }
0xc8: {  	[sflag:s26] =	ssyncadd.s32 $0xFFFFF000  }
0xc9: {  	s2 =	stileid.u32;
	[bflag:$0x0] =	sbarrier.arrive $0xFFFF  }
0xca: {  	s8 =	sshll.u32 s2, $0x6;
	s12 =	rddreg [dreg:$0x9]  }
0xcb: {  	s9 =	sadd.s32 s11, s10;
	s7 =	sor.u32 $0x1C05, s8;
	s8 =	sshrl.u32 s12, $0x3  }
0xcc: {  	[hbm:s9], [sflag:s7] =	dma.local [spmem:s8], $0x500  }
0xcd: {  	_ =	swait.ge [sflag:s22], $0x500  }
0xce: {  	[sflag:s22] =	ssyncset.done $0x0;
	s14 =	rddreg [dreg:$0xa]  }
0xcf: {  	s12 =	sadd.s32 s13, s10;
	[sflag:s22] =	ssyncadd.s32 $0xFFFFFB00;
	s9 =	sshrl.u32 s14, $0x3  }
0xd0: {  	[hbm:s12], [sflag:s7] =	dma.local [spmem:s9], $0x500  }
0xd1: {  	_ =	swait.ge [sflag:s22], $0x500  }
0xd2: {  	[sflag:s22] =	ssyncset.done $0x0;
	s16 =	rddreg [dreg:$0xb]  }
0xd3: {  	s14 =	sadd.s32 s15, s10;
	[sflag:s22] =	ssyncadd.s32 $0xFFFFFB00;
	s12 =	sshrl.u32 s16, $0x3  }
0xd4: {  	[hbm:s14], [sflag:s7] =	dma.local [spmem:s12], $0x500  }
0xd5: {  	_ =	swait.ge [sflag:s22], $0x500  }
0xd6: {  	[sflag:s22] =	ssyncset.done $0x0;
	s18 =	rddreg [dreg:$0xc]  }
0xd7: {  	s16 =	sadd.s32 s17, s10;
	[sflag:s22] =	ssyncadd.s32 $0xFFFFFB00;
	s14 =	sshrl.u32 s18, $0x3  }
0xd8: {  	[hbm:s16], [sflag:s7] =	dma.local [spmem:s14], $0x500  }
0xd9: {  	_ =	swait.ge [sflag:s22], $0x500  }
0xda: {  	[sflag:s22] =	ssyncset.done $0x0;
	s21 =	rddreg [dreg:$0xd]  }
0xdb: {  	s20 =	sadd.s32 s19, s10;
	[sflag:s22] =	ssyncadd.s32 $0xFFFFFB00;
	s16 =	sshrl.u32 s21, $0x3  }
0xdc: {  	[hbm:s20], [sflag:s7] =	dma.local [spmem:s16], $0x500  }
0xdd: {  	_ =	swait.ge [sflag:s22], $0x500  }
0xde: {  	[sflag:s22] =	ssyncset.done $0x0  }
0xdf: {  	[sflag:s22] =	ssyncadd.s32 $0xFFFFFB00  }
0xe0: {  	[tilespmem:$0x10800] =	vst v0  }
0xe1: {  	[tilespmem:$0x10810] =	vst v0  }
0xe2: {  	[tilespmem:$0x10820] =	vst v0  }
0xe3: {  	[tilespmem:$0x10830] =	vst v0  }
0xe4: {  	[tilespmem:$0x10840] =	vst v0  }
0xe5: {  	[tilespmem:$0x10A80] =	vst v0  }
0xe6: {  	[tilespmem:$0x10A90] =	vst v0  }
0xe7: {  	[tilespmem:$0x10AA0] =	vst v0  }
0xe8: {  	[tilespmem:$0x10AB0] =	vst v0  }
0xe9: {  	[tilespmem:$0x10AC0] =	vst v0  }
0xea: {  	[tilespmem:$0x10850] =	vst v0  }
0xeb: {  	[tilespmem:$0x10860] =	vst v0  }
0xec: {  	[tilespmem:$0x10870] =	vst v0  }
0xed: {  	[tilespmem:$0x10880] =	vst v0  }
0xee: {  	[tilespmem:$0x10890] =	vst v0  }
0xef: {  	[tilespmem:$0x10AD0] =	vst v0  }
0xf0: {  	[tilespmem:$0x10AE0] =	vst v0  }
0xf1: {  	[tilespmem:$0x10AF0] =	vst v0  }
0xf2: {  	[tilespmem:$0x10B00] =	vst v0  }
0xf3: {  	[tilespmem:$0x10B10] =	vst v0  }
0xf4: {  	[tilespmem:$0x108A0] =	vst v0  }
0xf5: {  	[tilespmem:$0x108B0] =	vst v0  }
0xf6: {  	[tilespmem:$0x108C0] =	vst v0  }
0xf7: {  	[tilespmem:$0x108D0] =	vst v0  }
0xf8: {  	[tilespmem:$0x108E0] =	vst v0  }
0xf9: {  	[tilespmem:$0x10B20] =	vst v0  }
0xfa: {  	[tilespmem:$0x10B30] =	vst v0  }
0xfb: {  	[tilespmem:$0x10B40] =	vst v0  }
0xfc: {  	[tilespmem:$0x10B50] =	vst v0  }
0xfd: {  	[tilespmem:$0x10B60] =	vst v0  }
0xfe: {  	[tilespmem:$0x108F0] =	vst v0  }
0xff: {  	[tilespmem:$0x10900] =	vst v0  }
0x100: {  	[tilespmem:$0x10910] =	vst v0  }
0x101: {  	[tilespmem:$0x10920] =	vst v0  }
0x102: {  	[tilespmem:$0x10930] =	vst v0  }
0x103: {  	[tilespmem:$0x10B70] =	vst v0  }
0x104: {  	[tilespmem:$0x10B80] =	vst v0  }
0x105: {  	[tilespmem:$0x10B90] =	vst v0  }
0x106: {  	[tilespmem:$0x10BA0] =	vst v0  }
0x107: {  	[tilespmem:$0x10BB0] =	vst v0  }
0x108: {  	[tilespmem:$0x10940] =	vst v0  }
0x109: {  	[tilespmem:$0x10950] =	vst v0  }
0x10a: {  	[tilespmem:$0x10960] =	vst v0  }
0x10b: {  	[tilespmem:$0x10970] =	vst v0  }
0x10c: {  	[tilespmem:$0x10980] =	vst v0  }
0x10d: {  	[tilespmem:$0x10BC0] =	vst v0  }
0x10e: {  	[tilespmem:$0x10BD0] =	vst v0  }
0x10f: {  	[tilespmem:$0x10BE0] =	vst v0  }
0x110: {  	[tilespmem:$0x10BF0] =	vst v0  }
0x111: {  	[tilespmem:$0x10C00] =	vst v0  }
0x112: {  	[tilespmem:$0x10990] =	vst v0  }
0x113: {  	[tilespmem:$0x109A0] =	vst v0  }
0x114: {  	[tilespmem:$0x109B0] =	vst v0  }
0x115: {  	[tilespmem:$0x109C0] =	vst v0  }
0x116: {  	[tilespmem:$0x109D0] =	vst v0  }
0x117: {  	[tilespmem:$0x10C10] =	vst v0  }
0x118: {  	[tilespmem:$0x10C20] =	vst v0  }
0x119: {  	[tilespmem:$0x10C30] =	vst v0  }
0x11a: {  	[tilespmem:$0x10C40] =	vst v0  }
0x11b: {  	[tilespmem:$0x10C50] =	vst v0  }
0x11c: {  	[tilespmem:$0x109E0] =	vst v0  }
0x11d: {  	[tilespmem:$0x109F0] =	vst v0  }
0x11e: {  	[tilespmem:$0x10A00] =	vst v0  }
0x11f: {  	[tilespmem:$0x10A10] =	vst v0  }
0x120: {  	[tilespmem:$0x10A20] =	vst v0  }
0x121: {  	[tilespmem:$0x10C60] =	vst v0  }
0x122: {  	[tilespmem:$0x10C70] =	vst v0  }
0x123: {  	[tilespmem:$0x10C80] =	vst v0  }
0x124: {  	[tilespmem:$0x10C90] =	vst v0  }
0x125: {  	[tilespmem:$0x10CA0] =	vst v0  }
0x126: {  	[tilespmem:$0x10A30] =	vst v0  }
0x127: {  	[tilespmem:$0x10A40] =	vst v0  }
0x128: {  	[tilespmem:$0x10A50] =	vst v0  }
0x129: {  	[tilespmem:$0x10A60] =	vst v0  }
0x12a: {  	[tilespmem:$0x10A70] =	vst v0  }
0x12b: {  	[tilespmem:$0x10CB0] =	vst v0  }
0x12c: {  	[tilespmem:$0x10CC0] =	vst v0  }
0x12d: {  	[tilespmem:$0x10CD0] =	vst v0  }
0x12e: {  	[tilespmem:$0x10CE0] =	vst v0  }
0x12f: {  	[tilespmem:$0x10CF0] =	vst v0  }
0x130: {  	[bflag:$0x0] =	sbarrier.arrive $0xFFFF  }
0x131: {  	[tilespmem:s29], [sflag:$0x1] =	stream.indirect.gather [hbm4b:s4+s28], $0x40, s3, s28, $0xb8;
	[tilespmem:$0x1D500] =	vst v63  }
0x132: {  	_ = 	snop  }
0x133: {  	[tilespmem:s30], [sflag:$0x3] =	stream.indirect.gather [hbm4b:s4+s28], $0x40, s28, s28, $0xb8;
	[tilespmem:$0x1D500] =	vst v63  }
0x134: {  	s2 =	simm.s32 $0x80  }
0x135: {  	[tilespmem:s31], [sflag:$0x2] =	stream.indirect.gather [hbm4b:s4+s28], $0x40, s2, s28, $0xb8;
	[tilespmem:$0x1D500] =	vst v63  }
0x136: {  	s5 =	simm.s32 $0xC0  }
0x137: {  	[tilespmem:s0], [sflag:$0x4] =	stream.indirect.gather [hbm4b:s4+s28], $0x40, s5, s28, $0xb8;
	[tilespmem:$0x1D500] =	vst v63  }
0x138: {  	_ =	swait.ge [sflag:s23], $0x1000  }
0x139: {  	[sflag:s23] =	ssyncset.done $0x0  }
0x13a: {  	[sflag:s23] =	ssyncadd.s32 $0xFFFFF000  }
0x13b: {  	_ =	swait.ge [sflag:s24], $0x1000  }
0x13c: {  	[sflag:s24] =	ssyncset.done $0x0  }
0x13d: {  	s20 =	simm.s32 $0x100;
	[sflag:s24] =	ssyncadd.s32 $0xFFFFF000  }
0x13e: {  	[tilespmem:s29], [sflag:$0x1] =	stream.indirect.gather [hbm4b:s4+s28], $0x40, s20, s28, $0xb8;
	[tilespmem:$0x1D500] =	vst v63  }
0x13f: {  	s21 =	simm.s32 $0x140  }
0x140: {  	[tilespmem:s30], [sflag:$0x3] =	stream.indirect.gather [hbm4b:s4+s28], $0x40, s21, s28, $0xb8;
	[tilespmem:$0x1D500] =	vst v63  }
0x141: {  	_ =	swait.ge [sflag:s25], $0x1000  }
0x142: {  	[sflag:s25] =	ssyncset.done $0x0  }
0x143: {  	[sflag:s25] =	ssyncadd.s32 $0xFFFFF000  }
0x144: {  	_ =	swait.ge [sflag:s26], $0x1000  }
0x145: {  	s18 =	simm.s32 $0xFFFFDA00;
	s20 =	simm.s32 $0xFFFF6C00;
	[sflag:s26] =	ssyncset.done $0x0  }
.LBB2_4:
0x146: {  	s21 =	sadd.s32 $0x2780, s18  }
0x147: {  	[sflag:s26] =	ssyncadd.s32 $0xFFFFF000;
	s2 =	smov.u32 s20;
	s5 =	sadd.s32 $0x400, s20  }
0x148: {  	[tilespmem:s31], [sflag:$0x2] =	stream.indirect.gather [hbm4b:s4+s28], $0x40, s21, s28, $0xb8;
	[tilespmem:$0x1D500] =	vst v63  }
0x149: {  	p0 =	sne.s32 s20, $0xFFFFFC00;
	s20 =	sadd.s32 $0x27C0, s18  }
0x14a: {  	[tilespmem:s0], [sflag:$0x4] =	stream.indirect.gather [hbm4b:s4+s28], $0x40, s20, s28, $0xb8;
	[tilespmem:$0x1D500] =	vst v63  }
0x14b: {  	_ =	swait.ge [sflag:s23], $0x1000  }
0x14c: {  	[sflag:s23] =	ssyncset.done $0x0  }
0x14d: {  	[sflag:s23] =	ssyncadd.s32 $0xFFFFF000  }
0x14e: {  	_ =	swait.ge [sflag:s24], $0x1000  }
0x14f: {  	[sflag:s24] =	ssyncset.done $0x0  }
0x150: {  	s20 =	sadd.s32 $0x2800, s18;
	[sflag:s24] =	ssyncadd.s32 $0xFFFFF000  }
0x151: {  	[tilespmem:s29], [sflag:$0x1] =	stream.indirect.gather [hbm4b:s4+s28], $0x40, s20, s28, $0xb8;
	[tilespmem:$0x1D500] =	vst v63  }
0x152: {  	s18 =	sadd.s32 $0x2840, s18  }
0x153: {  	[tilespmem:s30], [sflag:$0x3] =	stream.indirect.gather [hbm4b:s4+s28], $0x40, s18, s28, $0xb8;
	[tilespmem:$0x1D500] =	vst v63  }
.Ltmp1:
0x154: {  	_ =	swait.ge [sflag:s25], $0x1000;
	(pc) =	sbr.rel @p0 .LBB2_4-.Ltmp1, $4  }
0x155: {  	[sflag:s25] =	ssyncset.done $0x0  }
0x156: {  	[sflag:s25] =	ssyncadd.s32 $0xFFFFF000  }
0x157: {  	_ =	swait.ge [sflag:s26], $0x1000  }
0x158: {  	s20 =	smov.u32 s5;
	s18 =	sshra.s32 s2, $0x2;
	[sflag:s26] =	ssyncset.done $0x0  }
0x159: {  	s2 =	sadd.s32 $0x2780, s18;
	[sflag:s26] =	ssyncadd.s32 $0xFFFFF000  }
0x15a: {  	[tilespmem:s31], [sflag:$0x2] =	stream.indirect.gather [hbm4b:s4+s28], $0x40, s2, s28, $0xb8;
	[tilespmem:$0x1D500] =	vst v63  }
0x15b: {  	s21 =	sadd.s32 $0x27C0, s18  }
0x15c: {  	[tilespmem:s0], [sflag:$0x4] =	stream.indirect.gather [hbm4b:s4+s28], $0x40, s21, s28, $0xb8;
	[tilespmem:$0x1D500] =	vst v63  }
0x15d: {  	_ =	swait.ge [sflag:s23], $0x1000  }
0x15e: {  	[sflag:s23] =	ssyncset.done $0x0  }
0x15f: {  	[sflag:s23] =	ssyncadd.s32 $0xFFFFF000  }
0x160: {  	_ =	swait.ge [sflag:s24], $0x1000  }
0x161: {  	[sflag:s24] =	ssyncset.done $0x0  }
0x162: {  	s5 =	sadd.s32 $0x2800, s18;
	[sflag:s24] =	ssyncadd.s32 $0xFFFFF000  }
0x163: {  	[tilespmem:s29], [sflag:$0x1] =	stream.indirect.gather [hbm4b:s4+s28], $0x40, s5, s28, $0xb8;
	[tilespmem:$0x1D500] =	vst v63  }
0x164: {  	s20 =	sadd.s32 $0x2840, s18  }
0x165: {  	[tilespmem:s30], [sflag:$0x3] =	stream.indirect.gather [hbm4b:s4+s28], $0x40, s20, s28, $0xb8;
	[tilespmem:$0x1D500] =	vst v63  }
0x166: {  	_ =	swait.ge [sflag:s25], $0x1000  }
0x167: {  	[sflag:s25] =	ssyncset.done $0x0  }
0x168: {  	[sflag:s25] =	ssyncadd.s32 $0xFFFFF000  }
0x169: {  	_ =	swait.ge [sflag:s26], $0x1000  }
0x16a: {  	[sflag:s26] =	ssyncset.done $0x0  }
0x16b: {  	s18 =	simm.s32 $0x2780;
	[sflag:s26] =	ssyncadd.s32 $0xFFFFF000  }
0x16c: {  	[tilespmem:s31], [sflag:$0x2] =	stream.indirect.gather [hbm4b:s4+s28], $0x40, s18, s28, $0xb8;
	[tilespmem:$0x1D500] =	vst v63  }
0x16d: {  	s20 =	simm.s32 $0x27C0  }
0x16e: {  	[tilespmem:s0], [sflag:$0x4] =	stream.indirect.gather [hbm4b:s4+s28], $0x40, s20, s28, $0xb8;
	[tilespmem:$0x1D500] =	vst v63  }
0x16f: {  	_ =	swait.ge [sflag:s23], $0x1000  }
0x170: {  	[sflag:s23] =	ssyncset.done $0x0  }
0x171: {  	[sflag:s23] =	ssyncadd.s32 $0xFFFFF000  }
0x172: {  	_ =	swait.ge [sflag:s24], $0x1000  }
0x173: {  	[sflag:s24] =	ssyncset.done $0x0  }
0x174: {  	[sflag:s24] =	ssyncadd.s32 $0xFFFFF000  }
0x175: {  	_ =	swait.ge [sflag:s25], $0x1000  }
0x176: {  	[sflag:s25] =	ssyncset.done $0x0  }
0x177: {  	[sflag:s25] =	ssyncadd.s32 $0xFFFFF000  }
0x178: {  	_ =	swait.ge [sflag:s26], $0x1000  }
0x179: {  	[sflag:s26] =	ssyncset.done $0x0  }
0x17a: {  	s21 =	sadd.s32 $0x19000, s10;
	[sflag:s26] =	ssyncadd.s32 $0xFFFFF000  }
0x17b: {  	s5 =	sadd.s32 s11, s21;
	[bflag:$0x0] =	sbarrier.arrive $0xFFFF  }
0x17c: {  	[hbm:s5], [sflag:s7] =	dma.local [spmem:s8], $0x500  }
0x17d: {  	_ =	swait.ge [sflag:s22], $0x500  }
0x17e: {  	[sflag:s22] =	ssyncset.done $0x0  }
0x17f: {  	s8 =	sadd.s32 s13, s21;
	[sflag:s22] =	ssyncadd.s32 $0xFFFFFB00  }
0x180: {  	[hbm:s8], [sflag:s7] =	dma.local [spmem:s9], $0x500  }
0x181: {  	_ =	swait.ge [sflag:s22], $0x500  }
0x182: {  	[sflag:s22] =	ssyncset.done $0x0  }
0x183: {  	s9 =	sadd.s32 s15, s21;
	[sflag:s22] =	ssyncadd.s32 $0xFFFFFB00  }
0x184: {  	[hbm:s9], [sflag:s7] =	dma.local [spmem:s12], $0x500  }
0x185: {  	_ =	swait.ge [sflag:s22], $0x500  }
0x186: {  	[sflag:s22] =	ssyncset.done $0x0  }
0x187: {  	s12 =	sadd.s32 s17, s21;
	[sflag:s22] =	ssyncadd.s32 $0xFFFFFB00  }
0x188: {  	[hbm:s12], [sflag:s7] =	dma.local [spmem:s14], $0x500  }
0x189: {  	_ =	swait.ge [sflag:s22], $0x500  }
0x18a: {  	[sflag:s22] =	ssyncset.done $0x0  }
0x18b: {  	s2 =	sadd.s32 s19, s21;
	[sflag:s22] =	ssyncadd.s32 $0xFFFFFB00  }
0x18c: {  	[hbm:s2], [sflag:s7] =	dma.local [spmem:s16], $0x500  }
0x18d: {  	_ =	swait.ge [sflag:s22], $0x500  }
0x18e: {  	s6 =	sadd.s32 $0x1, s6;
	s21 =	rddreg [dreg:$0xe]  }
0x18f: {  	p0 =	sne.s32 s6, s21  }
.Ltmp2:
0x190: {  	_ = 	snop;
	(pc) =	sbr.rel @p0 .LBB2_1-.Ltmp2, $3  }
0x191: {  	_ =	sdelay $0x1  }
0x192: {  	[sflag:s22] =	ssyncset.done $0x0  }
0x193: {  	[sflag:s22] =	ssyncadd.s32 $0xFFFFFB00  }
0x194: {  	_ =	sfence.sel $0x180000  }
0x195: {  	[bflag:$0x0] =	sbarrier.arrive $0xFFFF  }
0x196: {  	_ =	strace $0x90000047  }
0x197: {  	s0 =	stileid.u32;
	[bflag:$0x2] =	sbarrier.arrive $0xFFFF  }
0x198: {  	p0 =	sne.s32 s0, $0x0;
	s0 =	rddreg [dreg:$0x3]  }
0x199: {  	s0 =	sadd.s32 @!p0 $0x100000, s0  }
0x19a: {  	[sflag:s0] =	ssyncadd.tile.s32 @!p0 $0x1;
	_ =	shalt  }
.Lfunc_end2:
_tile_overlayer_lowered:
.L_overlay_start_2:
0x19b: {  	(tag) =	ssettag $0x2  }
0x19c: {  	s0 =	rddreg [dreg:$0x0];
	s2 =	stileid.u32  }
0x19d: {  	s1 =	rddreg [dreg:$0x1];
	p0 =	sne.s32 s2, $0x0  }
0x19e: {  	s3 =	rddreg [dreg:$0x2];
	[bflag:$0x3] =	sbarrier.arrive $0xFFFF;
	s2 =	simm.s32 @!p0 $0x1C05  }
0x19f: {  	[timem:s3], [sflag:s2] =	dma.local @!p0 [hbm:s0], s1  }
0x1a0: {  	s0 =	simm.s32 @!p0 $0x5  }
0x1a1: {  	_ =	swait.ge @!p0 [sflag:s0], s1  }
0x1a2: {  	s1 =	ssub.s32 @!p0 $0x0, s1;
	[sflag:s0] =	ssyncset.done @!p0 $0x0  }
0x1a3: {  	[sflag:s0] =	ssyncadd.s32 @!p0 s1  }
0x1a4: {  	[bflag:$0x3] =	sbarrier.arrive $0xFFFF  }
0x1a5: {  	_ =	shalt  }

</sc_bundles>
